<compile_context>
chip_gen: v7x
topology: tpu7x:2x2x1
jax: 0.10.2.dev20260603
libtpu: 0.0.44.dev20260713+nightly
codegen_flags: <defaults>
</compile_context>

<pallas_src>
import functools

import jax
import jax.numpy as jnp
from jax import lax
from jax.experimental import pallas as pl
from jax.experimental.pallas import tpu as pltpu
from jax.experimental.pallas import tpu_sc as plsc

_N = 16384
_G = 1001
_NC = 1
_NS = 16
_NW = _NC * _NS
_CHUNK = _N // _NW
_L = 16


def _sc_body(t_hbm, gamma_hbm, out_hbm, t_v, g_v, o_v, sem_g, sem_t):
    wid = lax.axis_index("s") * _NC + lax.axis_index("c")
    base = wid * _CHUNK
    cp_g = pltpu.async_copy(gamma_hbm, g_v, sem_g)
    cp_t = pltpu.async_copy(t_hbm.at[pl.ds(base, _CHUNK)], t_v, sem_t)
    cp_g.wait()
    cp_t.wait()
    for off in range(0, _CHUNK, _L):
        x = t_v[pl.ds(off, _L)] * 1000.0
        i0 = x.astype(jnp.int32)
        frac = x - i0.astype(jnp.float32)
        up = (frac > 0.5) | ((frac == 0.5) & ((i0 & 1) == 1))
        idx = jnp.where(up, i0 + 1, i0)
        o_v[pl.ds(off, _L)] = plsc.load_gather(g_v, [idx])
    pltpu.sync_copy(o_v, out_hbm.at[pl.ds(base, _CHUNK)])


@jax.jit
def kernel(t, gamma):
    mesh = plsc.VectorSubcoreMesh(
        core_axis_name="c", subcore_axis_name="s", num_cores=_NC
    )
    run = functools.partial(
        pl.kernel,
        out_type=jax.ShapeDtypeStruct((_N,), jnp.float32),
        mesh=mesh,
        scratch_types=[
            pltpu.VMEM((_CHUNK,), jnp.float32),
            pltpu.VMEM((_G,), jnp.float32),
            pltpu.VMEM((_CHUNK,), jnp.float32),
            pltpu.SemaphoreType.DMA,
            pltpu.SemaphoreType.DMA,
        ],
        compiler_params=pltpu.CompilerParams(
            needs_layout_passes=False, skip_device_barrier=True
        ),
    )(_sc_body)
    out = run(t.reshape(_N), gamma)
    return out.reshape(t.shape)

# --- scband reference (transcript-rebuilt; emitter-appended) ---
"""Pipeline reference for scband-predefined-noise-schedule-31903017074832 (READ-ONLY COPY).

The authoritative reference and input builder live on the scoring server;
editing this copy changes nothing except your own understanding.
"""

import jax, jax.numpy as jnp
import numpy as np

NUM_TIMESTEPS = 1000
NOISE_PRECISION = 1e-05
POWER = 2.0


def clip_noise_schedule(alphas2, clip_value=0.001):
    alphas2 = np.concatenate([np.ones(1), alphas2], axis=0)
    alphas_step = alphas2[1:] / alphas2[:-1]
    alphas_step = np.clip(alphas_step, a_min=clip_value, a_max=1.0)
    alphas2 = np.cumprod(alphas_step, axis=0)
    return alphas2


def polynomial_schedule(num_timesteps, s=1e-4, power=3.0):
    steps = num_timesteps + 1
    x = np.linspace(0, steps, steps)
    alphas2 = (1 - np.power(x / steps, power)) ** 2
    alphas2 = clip_noise_schedule(alphas2, clip_value=0.001)
    precision = 1 - 2 * s
    alphas2 = precision * alphas2 + s
    return alphas2


def make_gamma():
    alphas2 = polynomial_schedule(NUM_TIMESTEPS, s=NOISE_PRECISION, power=POWER)
    sigmas2 = 1 - alphas2
    log_alphas2 = np.log(alphas2)
    log_sigmas2 = np.log(sigmas2)
    log_alphas2_to_sigmas2 = log_alphas2 - log_sigmas2
    return jnp.asarray(-log_alphas2_to_sigmas2, dtype=jnp.float32)


def setup_inputs(seed: int = 0) -> dict:
    key = jax.random.key(seed)
    k_t, _ = jax.random.split(key)
    t = jax.random.uniform(k_t, (16384, 1), dtype=jnp.float32)
    gamma = make_gamma()
    return {"t": t, "gamma": gamma}


def reference(t, gamma):
    t_int = jnp.round(t * NUM_TIMESTEPS).astype(jnp.int64)
    return jnp.take(gamma, t_int, axis=0)

if __name__ == "__main__":
    import jax
    _d = setup_inputs()
    print(jax.jit(kernel)(*tuple(_d.values())))

</pallas_src>

<mosaic_0001>
#map = affine_map<(d0, d1) -> (0)>
module attributes {stable_mosaic.version = 14 : i64} {
  func.func @_sc_body(%arg0: i32, %arg1: i32, %arg2: memref<16384xf32, #tpu.memory_space<hbm>>, %arg3: memref<1001xf32, #tpu.memory_space<hbm>>, %arg4: memref<16384xf32, #tpu.memory_space<hbm>>, %arg5: memref<1024xf32, #tpu.memory_space<vmem>>, %arg6: memref<1001xf32, #tpu.memory_space<vmem>>, %arg7: memref<1024xf32, #tpu.memory_space<vmem>>, %arg8: memref<!tpu.dma_semaphore, #tpu.memory_space<semaphore_mem>>, %arg9: memref<!tpu.dma_semaphore, #tpu.memory_space<semaphore_mem>>) attributes {dimension_semantics = [#tpu.dimension_semantics<core_parallel>, #tpu.dimension_semantics<subcore_parallel>], iteration_bounds = array<i64: 1, 16>, scalar_prefetch = 0 : i64, scratch_operands = 5 : i64, tpu.core_type = #tpu.core_type<sc_vector_subcore>, window_params = [{transform_indices = #map}, {transform_indices = #map}, {transform_indices = #map}]} {
    %mul3A = arith.constant 1 : i32
    %mul3A_0 = arith.muli %arg1, %mul3A : i32
    %add3A = arith.addi %mul3A_0, %arg0 : i32
    %mul3A_1 = arith.constant 1024 : i32
    %mul3A_2 = arith.muli %add3A, %mul3A_1 : i32
    tpu.enqueue_dma source(%arg3 : memref<1001xf32, #tpu.memory_space<hbm>>) target(%arg6 : memref<1001xf32, #tpu.memory_space<vmem>>) target_semaphore(%arg8 : memref<!tpu.dma_semaphore, #tpu.memory_space<semaphore_mem>>)
    %dma_start3A = tpu.memref_slice %arg2[%mul3A_2] : memref<16384xf32, #tpu.memory_space<hbm>> -> memref<1024xf32, #tpu.memory_space<hbm>>
    %dma_start3A_3 = tpu.memref_slice %arg2[%mul3A_2] : memref<16384xf32, #tpu.memory_space<hbm>> -> memref<1024xf32, #tpu.memory_space<hbm>>
    tpu.enqueue_dma source(%dma_start3A_3 : memref<1024xf32, #tpu.memory_space<hbm>>) target(%arg5 : memref<1024xf32, #tpu.memory_space<vmem>>) target_semaphore(%arg9 : memref<!tpu.dma_semaphore, #tpu.memory_space<semaphore_mem>>)
    tpu.wait_dma2 semaphore(%arg8 : memref<!tpu.dma_semaphore, #tpu.memory_space<semaphore_mem>>) src(%arg3 : memref<1001xf32, #tpu.memory_space<hbm>>) dst(%arg6 : memref<1001xf32, #tpu.memory_space<vmem>>)
    %dma_wait3A = tpu.memref_slice %arg2[%mul3A_2] : memref<16384xf32, #tpu.memory_space<hbm>> -> memref<1024xf32, #tpu.memory_space<hbm>>
    %dma_wait3A_4 = tpu.memref_slice %arg2[%mul3A_2] : memref<16384xf32, #tpu.memory_space<hbm>> -> memref<1024xf32, #tpu.memory_space<hbm>>
    tpu.wait_dma2 semaphore(%arg9 : memref<!tpu.dma_semaphore, #tpu.memory_space<semaphore_mem>>) src(%dma_wait3A_4 : memref<1024xf32, #tpu.memory_space<hbm>>) dst(%arg5 : memref<1024xf32, #tpu.memory_space<vmem>>)
    %get3A = arith.constant 0 : index
    %get3A_5 = tpu.vector_load %arg5[%get3A] {strides = array<i32>} : memref<1024xf32, #tpu.memory_space<vmem>>, vector<16xf32>,
    %mul3A_6 = arith.constant 1.000000e+03 : f32
    %mul3A_7 = vector.broadcast %mul3A_6 : f32 to vector<16xf32>
    %mul3A_8 = arith.mulf %get3A_5, %mul3A_7 : vector<16xf32>
    %convert_element_type3A = arith.fptosi %mul3A_8 : vector<16xf32> to vector<16xi32>
    %convert_element_type3A_9 = arith.sitofp %convert_element_type3A : vector<16xi32> to vector<16xf32>
    %sub3A = arith.subf %mul3A_8, %convert_element_type3A_9 : vector<16xf32>
    %gt3A = arith.constant 5.000000e-01 : f32
    %gt3A_10 = vector.broadcast %gt3A : f32 to vector<16xf32>
    %gt3A_11 = arith.cmpf ogt, %sub3A, %gt3A_10 : vector<16xf32>
    %eq3A = arith.constant 5.000000e-01 : f32
    %eq3A_12 = vector.broadcast %eq3A : f32 to vector<16xf32>
    %eq3A_13 = arith.cmpf oeq, %sub3A, %eq3A_12 : vector<16xf32>
    %and3A = arith.constant 1 : i32
    %and3A_14 = vector.broadcast %and3A : i32 to vector<16xi32>
    %and3A_15 = arith.andi %convert_element_type3A, %and3A_14 : vector<16xi32>
    %eq3A_16 = arith.constant 1 : i32
    %eq3A_17 = vector.broadcast %eq3A_16 : i32 to vector<16xi32>
    %eq3A_18 = arith.cmpi eq, %and3A_15, %eq3A_17 : vector<16xi32>
    %and3A_19 = arith.andi %eq3A_13, %eq3A_18 : vector<16xi1>
    %or3A = arith.ori %gt3A_11, %and3A_19 : vector<16xi1>
    %add3A_20 = arith.constant 1 : i32
    %add3A_21 = vector.broadcast %add3A_20 : i32 to vector<16xi32>
    %add3A_22 = arith.addi %convert_element_type3A, %add3A_21 : vector<16xi32>
    %select_n3A = arith.select %or3A, %add3A_22, %convert_element_type3A : vector<16xi1>, vector<16xi32>
    %gather3A = tpu.vector_load_idx %arg6[%select_n3A] : memref<1001xf32, #tpu.memory_space<vmem>>[vector<16xi32>], vector<16xf32>,
    %swap3A = arith.constant 0 : index
    %swap3A_23 = tpu.vector_load %arg7[%swap3A] {strides = array<i32>} : memref<1024xf32, #tpu.memory_space<vmem>>, vector<16xf32>,
    tpu.vector_store %arg7[%swap3A], %gather3A {strides = array<i32>} : memref<1024xf32, #tpu.memory_space<vmem>>, vector<16xf32>,
    %get3A_24 = arith.constant 16 : index
    %get3A_25 = tpu.vector_load %arg5[%get3A_24] {strides = array<i32>} : memref<1024xf32, #tpu.memory_space<vmem>>, vector<16xf32>,
    %mul3A_26 = arith.constant 1.000000e+03 : f32
    %mul3A_27 = vector.broadcast %mul3A_26 : f32 to vector<16xf32>
    %mul3A_28 = arith.mulf %get3A_25, %mul3A_27 : vector<16xf32>
    %convert_element_type3A_29 = arith.fptosi %mul3A_28 : vector<16xf32> to vector<16xi32>
    %convert_element_type3A_30 = arith.sitofp %convert_element_type3A_29 : vector<16xi32> to vector<16xf32>
    %sub3A_31 = arith.subf %mul3A_28, %convert_element_type3A_30 : vector<16xf32>
    %gt3A_32 = arith.constant 5.000000e-01 : f32
    %gt3A_33 = vector.broadcast %gt3A_32 : f32 to vector<16xf32>
    %gt3A_34 = arith.cmpf ogt, %sub3A_31, %gt3A_33 : vector<16xf32>
    %eq3A_35 = arith.constant 5.000000e-01 : f32
    %eq3A_36 = vector.broadcast %eq3A_35 : f32 to vector<16xf32>
    %eq3A_37 = arith.cmpf oeq, %sub3A_31, %eq3A_36 : vector<16xf32>
    %and3A_38 = arith.constant 1 : i32
    %and3A_39 = vector.broadcast %and3A_38 : i32 to vector<16xi32>
    %and3A_40 = arith.andi %convert_element_type3A_29, %and3A_39 : vector<16xi32>
    %eq3A_41 = arith.constant 1 : i32
    %eq3A_42 = vector.broadcast %eq3A_41 : i32 to vector<16xi32>
    %eq3A_43 = arith.cmpi eq, %and3A_40, %eq3A_42 : vector<16xi32>
    %and3A_44 = arith.andi %eq3A_37, %eq3A_43 : vector<16xi1>
    %or3A_45 = arith.ori %gt3A_34, %and3A_44 : vector<16xi1>
    %add3A_46 = arith.constant 1 : i32
    %add3A_47 = vector.broadcast %add3A_46 : i32 to vector<16xi32>
    %add3A_48 = arith.addi %convert_element_type3A_29, %add3A_47 : vector<16xi32>
    %select_n3A_49 = arith.select %or3A_45, %add3A_48, %convert_element_type3A_29 : vector<16xi1>, vector<16xi32>
    %gather3A_50 = tpu.vector_load_idx %arg6[%select_n3A_49] : memref<1001xf32, #tpu.memory_space<vmem>>[vector<16xi32>], vector<16xf32>,
    %swap3A_51 = arith.constant 16 : index
    %swap3A_52 = tpu.vector_load %arg7[%swap3A_51] {strides = array<i32>} : memref<1024xf32, #tpu.memory_space<vmem>>, vector<16xf32>,
    tpu.vector_store %arg7[%swap3A_51], %gather3A_50 {strides = array<i32>} : memref<1024xf32, #tpu.memory_space<vmem>>, vector<16xf32>,
    %get3A_53 = arith.constant 32 : index
    %get3A_54 = tpu.vector_load %arg5[%get3A_53] {strides = array<i32>} : memref<1024xf32, #tpu.memory_space<vmem>>, vector<16xf32>,
    %mul3A_55 = arith.constant 1.000000e+03 : f32
    %mul3A_56 = vector.broadcast %mul3A_55 : f32 to vector<16xf32>
    %mul3A_57 = arith.mulf %get3A_54, %mul3A_56 : vector<16xf32>
    %convert_element_type3A_58 = arith.fptosi %mul3A_57 : vector<16xf32> to vector<16xi32>
    %convert_element_type3A_59 = arith.sitofp %convert_element_type3A_58 : vector<16xi32> to vector<16xf32>
    %sub3A_60 = arith.subf %mul3A_57, %convert_element_type3A_59 : vector<16xf32>
    %gt3A_61 = arith.constant 5.000000e-01 : f32
    %gt3A_62 = vector.broadcast %gt3A_61 : f32 to vector<16xf32>
    %gt3A_63 = arith.cmpf ogt, %sub3A_60, %gt3A_62 : vector<16xf32>
    %eq3A_64 = arith.constant 5.000000e-01 : f32
    %eq3A_65 = vector.broadcast %eq3A_64 : f32 to vector<16xf32>
    %eq3A_66 = arith.cmpf oeq, %sub3A_60, %eq3A_65 : vector<16xf32>
    %and3A_67 = arith.constant 1 : i32
    %and3A_68 = vector.broadcast %and3A_67 : i32 to vector<16xi32>
    %and3A_69 = arith.andi %convert_element_type3A_58, %and3A_68 : vector<16xi32>
    %eq3A_70 = arith.constant 1 : i32
    %eq3A_71 = vector.broadcast %eq3A_70 : i32 to vector<16xi32>
    %eq3A_72 = arith.cmpi eq, %and3A_69, %eq3A_71 : vector<16xi32>
    %and3A_73 = arith.andi %eq3A_66, %eq3A_72 : vector<16xi1>
    %or3A_74 = arith.ori %gt3A_63, %and3A_73 : vector<16xi1>
    %add3A_75 = arith.constant 1 : i32
    %add3A_76 = vector.broadcast %add3A_75 : i32 to vector<16xi32>
    %add3A_77 = arith.addi %convert_element_type3A_58, %add3A_76 : vector<16xi32>
    %select_n3A_78 = arith.select %or3A_74, %add3A_77, %convert_element_type3A_58 : vector<16xi1>, vector<16xi32>
    %gather3A_79 = tpu.vector_load_idx %arg6[%select_n3A_78] : memref<1001xf32, #tpu.memory_space<vmem>>[vector<16xi32>], vector<16xf32>,
    %swap3A_80 = arith.constant 32 : index
    %swap3A_81 = tpu.vector_load %arg7[%swap3A_80] {strides = array<i32>} : memref<1024xf32, #tpu.memory_space<vmem>>, vector<16xf32>,
    tpu.vector_store %arg7[%swap3A_80], %gather3A_79 {strides = array<i32>} : memref<1024xf32, #tpu.memory_space<vmem>>, vector<16xf32>,
    %get3A_82 = arith.constant 48 : index
    %get3A_83 = tpu.vector_load %arg5[%get3A_82] {strides = array<i32>} : memref<1024xf32, #tpu.memory_space<vmem>>, vector<16xf32>,
    %mul3A_84 = arith.constant 1.000000e+03 : f32
    %mul3A_85 = vector.broadcast %mul3A_84 : f32 to vector<16xf32>
    %mul3A_86 = arith.mulf %get3A_83, %mul3A_85 : vector<16xf32>
    %convert_element_type3A_87 = arith.fptosi %mul3A_86 : vector<16xf32> to vector<16xi32>
    %convert_element_type3A_88 = arith.sitofp %convert_element_type3A_87 : vector<16xi32> to vector<16xf32>
    %sub3A_89 = arith.subf %mul3A_86, %convert_element_type3A_88 : vector<16xf32>
    %gt3A_90 = arith.constant 5.000000e-01 : f32
    %gt3A_91 = vector.broadcast %gt3A_90 : f32 to vector<16xf32>
    %gt3A_92 = arith.cmpf ogt, %sub3A_89, %gt3A_91 : vector<16xf32>
    %eq3A_93 = arith.constant 5.000000e-01 : f32
    %eq3A_94 = vector.broadcast %eq3A_93 : f32 to vector<16xf32>
    %eq3A_95 = arith.cmpf oeq, %sub3A_89, %eq3A_94 : vector<16xf32>
    %and3A_96 = arith.constant 1 : i32
    %and3A_97 = vector.broadcast %and3A_96 : i32 to vector<16xi32>
    %and3A_98 = arith.andi %convert_element_type3A_87, %and3A_97 : vector<16xi32>
    %eq3A_99 = arith.constant 1 : i32
    %eq3A_100 = vector.broadcast %eq3A_99 : i32 to vector<16xi32>
    %eq3A_101 = arith.cmpi eq, %and3A_98, %eq3A_100 : vector<16xi32>
    %and3A_102 = arith.andi %eq3A_95, %eq3A_101 : vector<16xi1>
    %or3A_103 = arith.ori %gt3A_92, %and3A_102 : vector<16xi1>
    %add3A_104 = arith.constant 1 : i32
    %add3A_105 = vector.broadcast %add3A_104 : i32 to vector<16xi32>
    %add3A_106 = arith.addi %convert_element_type3A_87, %add3A_105 : vector<16xi32>
    %select_n3A_107 = arith.select %or3A_103, %add3A_106, %convert_element_type3A_87 : vector<16xi1>, vector<16xi32>
    %gather3A_108 = tpu.vector_load_idx %arg6[%select_n3A_107] : memref<1001xf32, #tpu.memory_space<vmem>>[vector<16xi32>], vector<16xf32>,
    %swap3A_109 = arith.constant 48 : index
    %swap3A_110 = tpu.vector_load %arg7[%swap3A_109] {strides = array<i32>} : memref<1024xf32, #tpu.memory_space<vmem>>, vector<16xf32>,
    tpu.vector_store %arg7[%swap3A_109], %gather3A_108 {strides = array<i32>} : memref<1024xf32, #tpu.memory_space<vmem>>, vector<16xf32>,
    %get3A_111 = arith.constant 64 : index
    %get3A_112 = tpu.vector_load %arg5[%get3A_111] {strides = array<i32>} : memref<1024xf32, #tpu.memory_space<vmem>>, vector<16xf32>,
    %mul3A_113 = arith.constant 1.000000e+03 : f32
    %mul3A_114 = vector.broadcast %mul3A_113 : f32 to vector<16xf32>
    %mul3A_115 = arith.mulf %get3A_112, %mul3A_114 : vector<16xf32>
    %convert_element_type3A_116 = arith.fptosi %mul3A_115 : vector<16xf32> to vector<16xi32>
    %convert_element_type3A_117 = arith.sitofp %convert_element_type3A_116 : vector<16xi32> to vector<16xf32>
    %sub3A_118 = arith.subf %mul3A_115, %convert_element_type3A_117 : vector<16xf32>
    %gt3A_119 = arith.constant 5.000000e-01 : f32
    %gt3A_120 = vector.broadcast %gt3A_119 : f32 to vector<16xf32>
    %gt3A_121 = arith.cmpf ogt, %sub3A_118, %gt3A_120 : vector<16xf32>
    %eq3A_122 = arith.constant 5.000000e-01 : f32
    %eq3A_123 = vector.broadcast %eq3A_122 : f32 to vector<16xf32>
    %eq3A_124 = arith.cmpf oeq, %sub3A_118, %eq3A_123 : vector<16xf32>
    %and3A_125 = arith.constant 1 : i32
    %and3A_126 = vector.broadcast %and3A_125 : i32 to vector<16xi32>
    %and3A_127 = arith.andi %convert_element_type3A_116, %and3A_126 : vector<16xi32>
    %eq3A_128 = arith.constant 1 : i32
    %eq3A_129 = vector.broadcast %eq3A_128 : i32 to vector<16xi32>
    %eq3A_130 = arith.cmpi eq, %and3A_127, %eq3A_129 : vector<16xi32>
    %and3A_131 = arith.andi %eq3A_124, %eq3A_130 : vector<16xi1>
    %or3A_132 = arith.ori %gt3A_121, %and3A_131 : vector<16xi1>
    %add3A_133 = arith.constant 1 : i32
    %add3A_134 = vector.broadcast %add3A_133 : i32 to vector<16xi32>
    %add3A_135 = arith.addi %convert_element_type3A_116, %add3A_134 : vector<16xi32>
    %select_n3A_136 = arith.select %or3A_132, %add3A_135, %convert_element_type3A_116 : vector<16xi1>, vector<16xi32>
    %gather3A_137 = tpu.vector_load_idx %arg6[%select_n3A_136] : memref<1001xf32, #tpu.memory_space<vmem>>[vector<16xi32>], vector<16xf32>,
    %swap3A_138 = arith.constant 64 : index
    %swap3A_139 = tpu.vector_load %arg7[%swap3A_138] {strides = array<i32>} : memref<1024xf32, #tpu.memory_space<vmem>>, vector<16xf32>,
    tpu.vector_store %arg7[%swap3A_138], %gather3A_137 {strides = array<i32>} : memref<1024xf32, #tpu.memory_space<vmem>>, vector<16xf32>,
    %get3A_140 = arith.constant 80 : index
    %get3A_141 = tpu.vector_load %arg5[%get3A_140] {strides = array<i32>} : memref<1024xf32, #tpu.memory_space<vmem>>, vector<16xf32>,
    %mul3A_142 = arith.constant 1.000000e+03 : f32
    %mul3A_143 = vector.broadcast %mul3A_142 : f32 to vector<16xf32>
    %mul3A_144 = arith.mulf %get3A_141, %mul3A_143 : vector<16xf32>
    %convert_element_type3A_145 = arith.fptosi %mul3A_144 : vector<16xf32> to vector<16xi32>
    %convert_element_type3A_146 = arith.sitofp %convert_element_type3A_145 : vector<16xi32> to vector<16xf32>
    %sub3A_147 = arith.subf %mul3A_144, %convert_element_type3A_146 : vector<16xf32>
    %gt3A_148 = arith.constant 5.000000e-01 : f32
    %gt3A_149 = vector.broadcast %gt3A_148 : f32 to vector<16xf32>
    %gt3A_150 = arith.cmpf ogt, %sub3A_147, %gt3A_149 : vector<16xf32>
    %eq3A_151 = arith.constant 5.000000e-01 : f32
    %eq3A_152 = vector.broadcast %eq3A_151 : f32 to vector<16xf32>
    %eq3A_153 = arith.cmpf oeq, %sub3A_147, %eq3A_152 : vector<16xf32>
    %and3A_154 = arith.constant 1 : i32
    %and3A_155 = vector.broadcast %and3A_154 : i32 to vector<16xi32>
    %and3A_156 = arith.andi %convert_element_type3A_145, %and3A_155 : vector<16xi32>
    %eq3A_157 = arith.constant 1 : i32
    %eq3A_158 = vector.broadcast %eq3A_157 : i32 to vector<16xi32>
    %eq3A_159 = arith.cmpi eq, %and3A_156, %eq3A_158 : vector<16xi32>
    %and3A_160 = arith.andi %eq3A_153, %eq3A_159 : vector<16xi1>
    %or3A_161 = arith.ori %gt3A_150, %and3A_160 : vector<16xi1>
    %add3A_162 = arith.constant 1 : i32
    %add3A_163 = vector.broadcast %add3A_162 : i32 to vector<16xi32>
    %add3A_164 = arith.addi %convert_element_type3A_145, %add3A_163 : vector<16xi32>
    %select_n3A_165 = arith.select %or3A_161, %add3A_164, %convert_element_type3A_145 : vector<16xi1>, vector<16xi32>
    %gather3A_166 = tpu.vector_load_idx %arg6[%select_n3A_165] : memref<1001xf32, #tpu.memory_space<vmem>>[vector<16xi32>], vector<16xf32>,
    %swap3A_167 = arith.constant 80 : index
    %swap3A_168 = tpu.vector_load %arg7[%swap3A_167] {strides = array<i32>} : memref<1024xf32, #tpu.memory_space<vmem>>, vector<16xf32>,
    tpu.vector_store %arg7[%swap3A_167], %gather3A_166 {strides = array<i32>} : memref<1024xf32, #tpu.memory_space<vmem>>, vector<16xf32>,
    %get3A_169 = arith.constant 96 : index
    %get3A_170 = tpu.vector_load %arg5[%get3A_169] {strides = array<i32>} : memref<1024xf32, #tpu.memory_space<vmem>>, vector<16xf32>,
    %mul3A_171 = arith.constant 1.000000e+03 : f32
    %mul3A_172 = vector.broadcast %mul3A_171 : f32 to vector<16xf32>
    %mul3A_173 = arith.mulf %get3A_170, %mul3A_172 : vector<16xf32>
    %convert_element_type3A_174 = arith.fptosi %mul3A_173 : vector<16xf32> to vector<16xi32>
    %convert_element_type3A_175 = arith.sitofp %convert_element_type3A_174 : vector<16xi32> to vector<16xf32>
    %sub3A_176 = arith.subf %mul3A_173, %convert_element_type3A_175 : vector<16xf32>
    %gt3A_177 = arith.constant 5.000000e-01 : f32
    %gt3A_178 = vector.broadcast %gt3A_177 : f32 to vector<16xf32>
    %gt3A_179 = arith.cmpf ogt, %sub3A_176, %gt3A_178 : vector<16xf32>
    %eq3A_180 = arith.constant 5.000000e-01 : f32
    %eq3A_181 = vector.broadcast %eq3A_180 : f32 to vector<16xf32>
    %eq3A_182 = arith.cmpf oeq, %sub3A_176, %eq3A_181 : vector<16xf32>
    %and3A_183 = arith.constant 1 : i32
    %and3A_184 = vector.broadcast %and3A_183 : i32 to vector<16xi32>
    %and3A_185 = arith.andi %convert_element_type3A_174, %and3A_184 : vector<16xi32>
    %eq3A_186 = arith.constant 1 : i32
    %eq3A_187 = vector.broadcast %eq3A_186 : i32 to vector<16xi32>
    %eq3A_188 = arith.cmpi eq, %and3A_185, %eq3A_187 : vector<16xi32>
    %and3A_189 = arith.andi %eq3A_182, %eq3A_188 : vector<16xi1>
    %or3A_190 = arith.ori %gt3A_179, %and3A_189 : vector<16xi1>
    %add3A_191 = arith.constant 1 : i32
    %add3A_192 = vector.broadcast %add3A_191 : i32 to vector<16xi32>
    %add3A_193 = arith.addi %convert_element_type3A_174, %add3A_192 : vector<16xi32>
    %select_n3A_194 = arith.select %or3A_190, %add3A_193, %convert_element_type3A_174 : vector<16xi1>, vector<16xi32>
    %gather3A_195 = tpu.vector_load_idx %arg6[%select_n3A_194] : memref<1001xf32, #tpu.memory_space<vmem>>[vector<16xi32>], vector<16xf32>,
    %swap3A_196 = arith.constant 96 : index
    %swap3A_197 = tpu.vector_load %arg7[%swap3A_196] {strides = array<i32>} : memref<1024xf32, #tpu.memory_space<vmem>>, vector<16xf32>,
    tpu.vector_store %arg7[%swap3A_196], %gather3A_195 {strides = array<i32>} : memref<1024xf32, #tpu.memory_space<vmem>>, vector<16xf32>,
    %get3A_198 = arith.constant 112 : index
    %get3A_199 = tpu.vector_load %arg5[%get3A_198] {strides = array<i32>} : memref<1024xf32, #tpu.memory_space<vmem>>, vector<16xf32>,
    %mul3A_200 = arith.constant 1.000000e+03 : f32
    %mul3A_201 = vector.broadcast %mul3A_200 : f32 to vector<16xf32>
    %mul3A_202 = arith.mulf %get3A_199, %mul3A_201 : vector<16xf32>
    %convert_element_type3A_203 = arith.fptosi %mul3A_202 : vector<16xf32> to vector<16xi32>
    %convert_element_type3A_204 = arith.sitofp %convert_element_type3A_203 : vector<16xi32> to vector<16xf32>
    %sub3A_205 = arith.subf %mul3A_202, %convert_element_type3A_204 : vector<16xf32>
    %gt3A_206 = arith.constant 5.000000e-01 : f32
    %gt3A_207 = vector.broadcast %gt3A_206 : f32 to vector<16xf32>
    %gt3A_208 = arith.cmpf ogt, %sub3A_205, %gt3A_207 : vector<16xf32>
    %eq3A_209 = arith.constant 5.000000e-01 : f32
    %eq3A_210 = vector.broadcast %eq3A_209 : f32 to vector<16xf32>
    %eq3A_211 = arith.cmpf oeq, %sub3A_205, %eq3A_210 : vector<16xf32>
    %and3A_212 = arith.constant 1 : i32
    %and3A_213 = vector.broadcast %and3A_212 : i32 to vector<16xi32>
    %and3A_214 = arith.andi %convert_element_type3A_203, %and3A_213 : vector<16xi32>
    %eq3A_215 = arith.constant 1 : i32
    %eq3A_216 = vector.broadcast %eq3A_215 : i32 to vector<16xi32>
    %eq3A_217 = arith.cmpi eq, %and3A_214, %eq3A_216 : vector<16xi32>
    %and3A_218 = arith.andi %eq3A_211, %eq3A_217 : vector<16xi1>
    %or3A_219 = arith.ori %gt3A_208, %and3A_218 : vector<16xi1>
    %add3A_220 = arith.constant 1 : i32
    %add3A_221 = vector.broadcast %add3A_220 : i32 to vector<16xi32>
    %add3A_222 = arith.addi %convert_element_type3A_203, %add3A_221 : vector<16xi32>
    %select_n3A_223 = arith.select %or3A_219, %add3A_222, %convert_element_type3A_203 : vector<16xi1>, vector<16xi32>
    %gather3A_224 = tpu.vector_load_idx %arg6[%select_n3A_223] : memref<1001xf32, #tpu.memory_space<vmem>>[vector<16xi32>], vector<16xf32>,
    %swap3A_225 = arith.constant 112 : index
    %swap3A_226 = tpu.vector_load %arg7[%swap3A_225] {strides = array<i32>} : memref<1024xf32, #tpu.memory_space<vmem>>, vector<16xf32>,
    tpu.vector_store %arg7[%swap3A_225], %gather3A_224 {strides = array<i32>} : memref<1024xf32, #tpu.memory_space<vmem>>, vector<16xf32>,
    %get3A_227 = arith.constant 128 : index
    %get3A_228 = tpu.vector_load %arg5[%get3A_227] {strides = array<i32>} : memref<1024xf32, #tpu.memory_space<vmem>>, vector<16xf32>,
    %mul3A_229 = arith.constant 1.000000e+03 : f32
    %mul3A_230 = vector.broadcast %mul3A_229 : f32 to vector<16xf32>
    %mul3A_231 = arith.mulf %get3A_228, %mul3A_230 : vector<16xf32>
    %convert_element_type3A_232 = arith.fptosi %mul3A_231 : vector<16xf32> to vector<16xi32>
    %convert_element_type3A_233 = arith.sitofp %convert_element_type3A_232 : vector<16xi32> to vector<16xf32>
    %sub3A_234 = arith.subf %mul3A_231, %convert_element_type3A_233 : vector<16xf32>
    %gt3A_235 = arith.constant 5.000000e-01 : f32
    %gt3A_236 = vector.broadcast %gt3A_235 : f32 to vector<16xf32>
    %gt3A_237 = arith.cmpf ogt, %sub3A_234, %gt3A_236 : vector<16xf32>
    %eq3A_238 = arith.constant 5.000000e-01 : f32
    %eq3A_239 = vector.broadcast %eq3A_238 : f32 to vector<16xf32>
    %eq3A_240 = arith.cmpf oeq, %sub3A_234, %eq3A_239 : vector<16xf32>
    %and3A_241 = arith.constant 1 : i32
    %and3A_242 = vector.broadcast %and3A_241 : i32 to vector<16xi32>
    %and3A_243 = arith.andi %convert_element_type3A_232, %and3A_242 : vector<16xi32>
    %eq3A_244 = arith.constant 1 : i32
    %eq3A_245 = vector.broadcast %eq3A_244 : i32 to vector<16xi32>
    %eq3A_246 = arith.cmpi eq, %and3A_243, %eq3A_245 : vector<16xi32>
    %and3A_247 = arith.andi %eq3A_240, %eq3A_246 : vector<16xi1>
    %or3A_248 = arith.ori %gt3A_237, %and3A_247 : vector<16xi1>
    %add3A_249 = arith.constant 1 : i32
    %add3A_250 = vector.broadcast %add3A_249 : i32 to vector<16xi32>
    %add3A_251 = arith.addi %convert_element_type3A_232, %add3A_250 : vector<16xi32>
    %select_n3A_252 = arith.select %or3A_248, %add3A_251, %convert_element_type3A_232 : vector<16xi1>, vector<16xi32>
    %gather3A_253 = tpu.vector_load_idx %arg6[%select_n3A_252] : memref<1001xf32, #tpu.memory_space<vmem>>[vector<16xi32>], vector<16xf32>,
    %swap3A_254 = arith.constant 128 : index
    %swap3A_255 = tpu.vector_load %arg7[%swap3A_254] {strides = array<i32>} : memref<1024xf32, #tpu.memory_space<vmem>>, vector<16xf32>,
    tpu.vector_store %arg7[%swap3A_254], %gather3A_253 {strides = array<i32>} : memref<1024xf32, #tpu.memory_space<vmem>>, vector<16xf32>,
    %get3A_256 = arith.constant 144 : index
    %get3A_257 = tpu.vector_load %arg5[%get3A_256] {strides = array<i32>} : memref<1024xf32, #tpu.memory_space<vmem>>, vector<16xf32>,
    %mul3A_258 = arith.constant 1.000000e+03 : f32
    %mul3A_259 = vector.broadcast %mul3A_258 : f32 to vector<16xf32>
    %mul3A_260 = arith.mulf %get3A_257, %mul3A_259 : vector<16xf32>
    %convert_element_type3A_261 = arith.fptosi %mul3A_260 : vector<16xf32> to vector<16xi32>
    %convert_element_type3A_262 = arith.sitofp %convert_element_type3A_261 : vector<16xi32> to vector<16xf32>
    %sub3A_263 = arith.subf %mul3A_260, %convert_element_type3A_262 : vector<16xf32>
    %gt3A_264 = arith.constant 5.000000e-01 : f32
    %gt3A_265 = vector.broadcast %gt3A_264 : f32 to vector<16xf32>
    %gt3A_266 = arith.cmpf ogt, %sub3A_263, %gt3A_265 : vector<16xf32>
    %eq3A_267 = arith.constant 5.000000e-01 : f32
    %eq3A_268 = vector.broadcast %eq3A_267 : f32 to vector<16xf32>
    %eq3A_269 = arith.cmpf oeq, %sub3A_263, %eq3A_268 : vector<16xf32>
    %and3A_270 = arith.constant 1 : i32
    %and3A_271 = vector.broadcast %and3A_270 : i32 to vector<16xi32>
    %and3A_272 = arith.andi %convert_element_type3A_261, %and3A_271 : vector<16xi32>
    %eq3A_273 = arith.constant 1 : i32
    %eq3A_274 = vector.broadcast %eq3A_273 : i32 to vector<16xi32>
    %eq3A_275 = arith.cmpi eq, %and3A_272, %eq3A_274 : vector<16xi32>
    %and3A_276 = arith.andi %eq3A_269, %eq3A_275 : vector<16xi1>
    %or3A_277 = arith.ori %gt3A_266, %and3A_276 : vector<16xi1>
    %add3A_278 = arith.constant 1 : i32
    %add3A_279 = vector.broadcast %add3A_278 : i32 to vector<16xi32>
    %add3A_280 = arith.addi %convert_element_type3A_261, %add3A_279 : vector<16xi32>
    %select_n3A_281 = arith.select %or3A_277, %add3A_280, %convert_element_type3A_261 : vector<16xi1>, vector<16xi32>
    %gather3A_282 = tpu.vector_load_idx %arg6[%select_n3A_281] : memref<1001xf32, #tpu.memory_space<vmem>>[vector<16xi32>], vector<16xf32>,
    %swap3A_283 = arith.constant 144 : index
    %swap3A_284 = tpu.vector_load %arg7[%swap3A_283] {strides = array<i32>} : memref<1024xf32, #tpu.memory_space<vmem>>, vector<16xf32>,
    tpu.vector_store %arg7[%swap3A_283], %gather3A_282 {strides = array<i32>} : memref<1024xf32, #tpu.memory_space<vmem>>, vector<16xf32>,
    %get3A_285 = arith.constant 160 : index
    %get3A_286 = tpu.vector_load %arg5[%get3A_285] {strides = array<i32>} : memref<1024xf32, #tpu.memory_space<vmem>>, vector<16xf32>,
    %mul3A_287 = arith.constant 1.000000e+03 : f32
    %mul3A_288 = vector.broadcast %mul3A_287 : f32 to vector<16xf32>
    %mul3A_289 = arith.mulf %get3A_286, %mul3A_288 : vector<16xf32>
    %convert_element_type3A_290 = arith.fptosi %mul3A_289 : vector<16xf32> to vector<16xi32>
    %convert_element_type3A_291 = arith.sitofp %convert_element_type3A_290 : vector<16xi32> to vector<16xf32>
    %sub3A_292 = arith.subf %mul3A_289, %convert_element_type3A_291 : vector<16xf32>
    %gt3A_293 = arith.constant 5.000000e-01 : f32
    %gt3A_294 = vector.broadcast %gt3A_293 : f32 to vector<16xf32>
    %gt3A_295 = arith.cmpf ogt, %sub3A_292, %gt3A_294 : vector<16xf32>
    %eq3A_296 = arith.constant 5.000000e-01 : f32
    %eq3A_297 = vector.broadcast %eq3A_296 : f32 to vector<16xf32>
    %eq3A_298 = arith.cmpf oeq, %sub3A_292, %eq3A_297 : vector<16xf32>
    %and3A_299 = arith.constant 1 : i32
    %and3A_300 = vector.broadcast %and3A_299 : i32 to vector<16xi32>
    %and3A_301 = arith.andi %convert_element_type3A_290, %and3A_300 : vector<16xi32>
    %eq3A_302 = arith.constant 1 : i32
    %eq3A_303 = vector.broadcast %eq3A_302 : i32 to vector<16xi32>
    %eq3A_304 = arith.cmpi eq, %and3A_301, %eq3A_303 : vector<16xi32>
    %and3A_305 = arith.andi %eq3A_298, %eq3A_304 : vector<16xi1>
    %or3A_306 = arith.ori %gt3A_295, %and3A_305 : vector<16xi1>
    %add3A_307 = arith.constant 1 : i32
    %add3A_308 = vector.broadcast %add3A_307 : i32 to vector<16xi32>
    %add3A_309 = arith.addi %convert_element_type3A_290, %add3A_308 : vector<16xi32>
    %select_n3A_310 = arith.select %or3A_306, %add3A_309, %convert_element_type3A_290 : vector<16xi1>, vector<16xi32>
    %gather3A_311 = tpu.vector_load_idx %arg6[%select_n3A_310] : memref<1001xf32, #tpu.memory_space<vmem>>[vector<16xi32>], vector<16xf32>,
    %swap3A_312 = arith.constant 160 : index
    %swap3A_313 = tpu.vector_load %arg7[%swap3A_312] {strides = array<i32>} : memref<1024xf32, #tpu.memory_space<vmem>>, vector<16xf32>,
    tpu.vector_store %arg7[%swap3A_312], %gather3A_311 {strides = array<i32>} : memref<1024xf32, #tpu.memory_space<vmem>>, vector<16xf32>,
    %get3A_314 = arith.constant 176 : index
    %get3A_315 = tpu.vector_load %arg5[%get3A_314] {strides = array<i32>} : memref<1024xf32, #tpu.memory_space<vmem>>, vector<16xf32>,
    %mul3A_316 = arith.constant 1.000000e+03 : f32
    %mul3A_317 = vector.broadcast %mul3A_316 : f32 to vector<16xf32>
    %mul3A_318 = arith.mulf %get3A_315, %mul3A_317 : vector<16xf32>
    %convert_element_type3A_319 = arith.fptosi %mul3A_318 : vector<16xf32> to vector<16xi32>
    %convert_element_type3A_320 = arith.sitofp %convert_element_type3A_319 : vector<16xi32> to vector<16xf32>
    %sub3A_321 = arith.subf %mul3A_318, %convert_element_type3A_320 : vector<16xf32>
    %gt3A_322 = arith.constant 5.000000e-01 : f32
    %gt3A_323 = vector.broadcast %gt3A_322 : f32 to vector<16xf32>
    %gt3A_324 = arith.cmpf ogt, %sub3A_321, %gt3A_323 : vector<16xf32>
    %eq3A_325 = arith.constant 5.000000e-01 : f32
    %eq3A_326 = vector.broadcast %eq3A_325 : f32 to vector<16xf32>
    %eq3A_327 = arith.cmpf oeq, %sub3A_321, %eq3A_326 : vector<16xf32>
    %and3A_328 = arith.constant 1 : i32
    %and3A_329 = vector.broadcast %and3A_328 : i32 to vector<16xi32>
    %and3A_330 = arith.andi %convert_element_type3A_319, %and3A_329 : vector<16xi32>
    %eq3A_331 = arith.constant 1 : i32
    %eq3A_332 = vector.broadcast %eq3A_331 : i32 to vector<16xi32>
    %eq3A_333 = arith.cmpi eq, %and3A_330, %eq3A_332 : vector<16xi32>
    %and3A_334 = arith.andi %eq3A_327, %eq3A_333 : vector<16xi1>
    %or3A_335 = arith.ori %gt3A_324, %and3A_334 : vector<16xi1>
    %add3A_336 = arith.constant 1 : i32
    %add3A_337 = vector.broadcast %add3A_336 : i32 to vector<16xi32>
    %add3A_338 = arith.addi %convert_element_type3A_319, %add3A_337 : vector<16xi32>
    %select_n3A_339 = arith.select %or3A_335, %add3A_338, %convert_element_type3A_319 : vector<16xi1>, vector<16xi32>
    %gather3A_340 = tpu.vector_load_idx %arg6[%select_n3A_339] : memref<1001xf32, #tpu.memory_space<vmem>>[vector<16xi32>], vector<16xf32>,
    %swap3A_341 = arith.constant 176 : index
    %swap3A_342 = tpu.vector_load %arg7[%swap3A_341] {strides = array<i32>} : memref<1024xf32, #tpu.memory_space<vmem>>, vector<16xf32>,
    tpu.vector_store %arg7[%swap3A_341], %gather3A_340 {strides = array<i32>} : memref<1024xf32, #tpu.memory_space<vmem>>, vector<16xf32>,
    %get3A_343 = arith.constant 192 : index
    %get3A_344 = tpu.vector_load %arg5[%get3A_343] {strides = array<i32>} : memref<1024xf32, #tpu.memory_space<vmem>>, vector<16xf32>,
    %mul3A_345 = arith.constant 1.000000e+03 : f32
    %mul3A_346 = vector.broadcast %mul3A_345 : f32 to vector<16xf32>
    %mul3A_347 = arith.mulf %get3A_344, %mul3A_346 : vector<16xf32>
    %convert_element_type3A_348 = arith.fptosi %mul3A_347 : vector<16xf32> to vector<16xi32>
    %convert_element_type3A_349 = arith.sitofp %convert_element_type3A_348 : vector<16xi32> to vector<16xf32>
    %sub3A_350 = arith.subf %mul3A_347, %convert_element_type3A_349 : vector<16xf32>
    %gt3A_351 = arith.constant 5.000000e-01 : f32
    %gt3A_352 = vector.broadcast %gt3A_351 : f32 to vector<16xf32>
    %gt3A_353 = arith.cmpf ogt, %sub3A_350, %gt3A_352 : vector<16xf32>
    %eq3A_354 = arith.constant 5.000000e-01 : f32
    %eq3A_355 = vector.broadcast %eq3A_354 : f32 to vector<16xf32>
    %eq3A_356 = arith.cmpf oeq, %sub3A_350, %eq3A_355 : vector<16xf32>
    %and3A_357 = arith.constant 1 : i32
    %and3A_358 = vector.broadcast %and3A_357 : i32 to vector<16xi32>
    %and3A_359 = arith.andi %convert_element_type3A_348, %and3A_358 : vector<16xi32>
    %eq3A_360 = arith.constant 1 : i32
    %eq3A_361 = vector.broadcast %eq3A_360 : i32 to vector<16xi32>
    %eq3A_362 = arith.cmpi eq, %and3A_359, %eq3A_361 : vector<16xi32>
    %and3A_363 = arith.andi %eq3A_356, %eq3A_362 : vector<16xi1>
    %or3A_364 = arith.ori %gt3A_353, %and3A_363 : vector<16xi1>
    %add3A_365 = arith.constant 1 : i32
    %add3A_366 = vector.broadcast %add3A_365 : i32 to vector<16xi32>
    %add3A_367 = arith.addi %convert_element_type3A_348, %add3A_366 : vector<16xi32>
    %select_n3A_368 = arith.select %or3A_364, %add3A_367, %convert_element_type3A_348 : vector<16xi1>, vector<16xi32>
    %gather3A_369 = tpu.vector_load_idx %arg6[%select_n3A_368] : memref<1001xf32, #tpu.memory_space<vmem>>[vector<16xi32>], vector<16xf32>,
    %swap3A_370 = arith.constant 192 : index
    %swap3A_371 = tpu.vector_load %arg7[%swap3A_370] {strides = array<i32>} : memref<1024xf32, #tpu.memory_space<vmem>>, vector<16xf32>,
    tpu.vector_store %arg7[%swap3A_370], %gather3A_369 {strides = array<i32>} : memref<1024xf32, #tpu.memory_space<vmem>>, vector<16xf32>,
    %get3A_372 = arith.constant 208 : index
    %get3A_373 = tpu.vector_load %arg5[%get3A_372] {strides = array<i32>} : memref<1024xf32, #tpu.memory_space<vmem>>, vector<16xf32>,
    %mul3A_374 = arith.constant 1.000000e+03 : f32
    %mul3A_375 = vector.broadcast %mul3A_374 : f32 to vector<16xf32>
    %mul3A_376 = arith.mulf %get3A_373, %mul3A_375 : vector<16xf32>
    %convert_element_type3A_377 = arith.fptosi %mul3A_376 : vector<16xf32> to vector<16xi32>
    %convert_element_type3A_378 = arith.sitofp %convert_element_type3A_377 : vector<16xi32> to vector<16xf32>
    %sub3A_379 = arith.subf %mul3A_376, %convert_element_type3A_378 : vector<16xf32>
    %gt3A_380 = arith.constant 5.000000e-01 : f32
    %gt3A_381 = vector.broadcast %gt3A_380 : f32 to vector<16xf32>
    %gt3A_382 = arith.cmpf ogt, %sub3A_379, %gt3A_381 : vector<16xf32>
    %eq3A_383 = arith.constant 5.000000e-01 : f32
    %eq3A_384 = vector.broadcast %eq3A_383 : f32 to vector<16xf32>
    %eq3A_385 = arith.cmpf oeq, %sub3A_379, %eq3A_384 : vector<16xf32>
    %and3A_386 = arith.constant 1 : i32
    %and3A_387 = vector.broadcast %and3A_386 : i32 to vector<16xi32>
    %and3A_388 = arith.andi %convert_element_type3A_377, %and3A_387 : vector<16xi32>
    %eq3A_389 = arith.constant 1 : i32
    %eq3A_390 = vector.broadcast %eq3A_389 : i32 to vector<16xi32>
    %eq3A_391 = arith.cmpi eq, %and3A_388, %eq3A_390 : vector<16xi32>
    %and3A_392 = arith.andi %eq3A_385, %eq3A_391 : vector<16xi1>
    %or3A_393 = arith.ori %gt3A_382, %and3A_392 : vector<16xi1>
    %add3A_394 = arith.constant 1 : i32
    %add3A_395 = vector.broadcast %add3A_394 : i32 to vector<16xi32>
    %add3A_396 = arith.addi %convert_element_type3A_377, %add3A_395 : vector<16xi32>
    %select_n3A_397 = arith.select %or3A_393, %add3A_396, %convert_element_type3A_377 : vector<16xi1>, vector<16xi32>
    %gather3A_398 = tpu.vector_load_idx %arg6[%select_n3A_397] : memref<1001xf32, #tpu.memory_space<vmem>>[vector<16xi32>], vector<16xf32>,
    %swap3A_399 = arith.constant 208 : index
    %swap3A_400 = tpu.vector_load %arg7[%swap3A_399] {strides = array<i32>} : memref<1024xf32, #tpu.memory_space<vmem>>, vector<16xf32>,
    tpu.vector_store %arg7[%swap3A_399], %gather3A_398 {strides = array<i32>} : memref<1024xf32, #tpu.memory_space<vmem>>, vector<16xf32>,
    %get3A_401 = arith.constant 224 : index
    %get3A_402 = tpu.vector_load %arg5[%get3A_401] {strides = array<i32>} : memref<1024xf32, #tpu.memory_space<vmem>>, vector<16xf32>,
    %mul3A_403 = arith.constant 1.000000e+03 : f32
    %mul3A_404 = vector.broadcast %mul3A_403 : f32 to vector<16xf32>
    %mul3A_405 = arith.mulf %get3A_402, %mul3A_404 : vector<16xf32>
    %convert_element_type3A_406 = arith.fptosi %mul3A_405 : vector<16xf32> to vector<16xi32>
    %convert_element_type3A_407 = arith.sitofp %convert_element_type3A_406 : vector<16xi32> to vector<16xf32>
    %sub3A_408 = arith.subf %mul3A_405, %convert_element_type3A_407 : vector<16xf32>
    %gt3A_409 = arith.constant 5.000000e-01 : f32
    %gt3A_410 = vector.broadcast %gt3A_409 : f32 to vector<16xf32>
    %gt3A_411 = arith.cmpf ogt, %sub3A_408, %gt3A_410 : vector<16xf32>
    %eq3A_412 = arith.constant 5.000000e-01 : f32
    %eq3A_413 = vector.broadcast %eq3A_412 : f32 to vector<16xf32>
    %eq3A_414 = arith.cmpf oeq, %sub3A_408, %eq3A_413 : vector<16xf32>
    %and3A_415 = arith.constant 1 : i32
    %and3A_416 = vector.broadcast %and3A_415 : i32 to vector<16xi32>
    %and3A_417 = arith.andi %convert_element_type3A_406, %and3A_416 : vector<16xi32>
    %eq3A_418 = arith.constant 1 : i32
    %eq3A_419 = vector.broadcast %eq3A_418 : i32 to vector<16xi32>
    %eq3A_420 = arith.cmpi eq, %and3A_417, %eq3A_419 : vector<16xi32>
    %and3A_421 = arith.andi %eq3A_414, %eq3A_420 : vector<16xi1>
    %or3A_422 = arith.ori %gt3A_411, %and3A_421 : vector<16xi1>
    %add3A_423 = arith.constant 1 : i32
    %add3A_424 = vector.broadcast %add3A_423 : i32 to vector<16xi32>
    %add3A_425 = arith.addi %convert_element_type3A_406, %add3A_424 : vector<16xi32>
    %select_n3A_426 = arith.select %or3A_422, %add3A_425, %convert_element_type3A_406 : vector<16xi1>, vector<16xi32>
    %gather3A_427 = tpu.vector_load_idx %arg6[%select_n3A_426] : memref<1001xf32, #tpu.memory_space<vmem>>[vector<16xi32>], vector<16xf32>,
    %swap3A_428 = arith.constant 224 : index
    %swap3A_429 = tpu.vector_load %arg7[%swap3A_428] {strides = array<i32>} : memref<1024xf32, #tpu.memory_space<vmem>>, vector<16xf32>,
    tpu.vector_store %arg7[%swap3A_428], %gather3A_427 {strides = array<i32>} : memref<1024xf32, #tpu.memory_space<vmem>>, vector<16xf32>,
    %get3A_430 = arith.constant 240 : index
    %get3A_431 = tpu.vector_load %arg5[%get3A_430] {strides = array<i32>} : memref<1024xf32, #tpu.memory_space<vmem>>, vector<16xf32>,
    %mul3A_432 = arith.constant 1.000000e+03 : f32
    %mul3A_433 = vector.broadcast %mul3A_432 : f32 to vector<16xf32>
    %mul3A_434 = arith.mulf %get3A_431, %mul3A_433 : vector<16xf32>
    %convert_element_type3A_435 = arith.fptosi %mul3A_434 : vector<16xf32> to vector<16xi32>
    %convert_element_type3A_436 = arith.sitofp %convert_element_type3A_435 : vector<16xi32> to vector<16xf32>
    %sub3A_437 = arith.subf %mul3A_434, %convert_element_type3A_436 : vector<16xf32>
    %gt3A_438 = arith.constant 5.000000e-01 : f32
    %gt3A_439 = vector.broadcast %gt3A_438 : f32 to vector<16xf32>
    %gt3A_440 = arith.cmpf ogt, %sub3A_437, %gt3A_439 : vector<16xf32>
    %eq3A_441 = arith.constant 5.000000e-01 : f32
    %eq3A_442 = vector.broadcast %eq3A_441 : f32 to vector<16xf32>
    %eq3A_443 = arith.cmpf oeq, %sub3A_437, %eq3A_442 : vector<16xf32>
    %and3A_444 = arith.constant 1 : i32
    %and3A_445 = vector.broadcast %and3A_444 : i32 to vector<16xi32>
    %and3A_446 = arith.andi %convert_element_type3A_435, %and3A_445 : vector<16xi32>
    %eq3A_447 = arith.constant 1 : i32
    %eq3A_448 = vector.broadcast %eq3A_447 : i32 to vector<16xi32>
    %eq3A_449 = arith.cmpi eq, %and3A_446, %eq3A_448 : vector<16xi32>
    %and3A_450 = arith.andi %eq3A_443, %eq3A_449 : vector<16xi1>
    %or3A_451 = arith.ori %gt3A_440, %and3A_450 : vector<16xi1>
    %add3A_452 = arith.constant 1 : i32
    %add3A_453 = vector.broadcast %add3A_452 : i32 to vector<16xi32>
    %add3A_454 = arith.addi %convert_element_type3A_435, %add3A_453 : vector<16xi32>
    %select_n3A_455 = arith.select %or3A_451, %add3A_454, %convert_element_type3A_435 : vector<16xi1>, vector<16xi32>
    %gather3A_456 = tpu.vector_load_idx %arg6[%select_n3A_455] : memref<1001xf32, #tpu.memory_space<vmem>>[vector<16xi32>], vector<16xf32>,
    %swap3A_457 = arith.constant 240 : index
    %swap3A_458 = tpu.vector_load %arg7[%swap3A_457] {strides = array<i32>} : memref<1024xf32, #tpu.memory_space<vmem>>, vector<16xf32>,
    tpu.vector_store %arg7[%swap3A_457], %gather3A_456 {strides = array<i32>} : memref<1024xf32, #tpu.memory_space<vmem>>, vector<16xf32>,
    %get3A_459 = arith.constant 256 : index
    %get3A_460 = tpu.vector_load %arg5[%get3A_459] {strides = array<i32>} : memref<1024xf32, #tpu.memory_space<vmem>>, vector<16xf32>,
    %mul3A_461 = arith.constant 1.000000e+03 : f32
    %mul3A_462 = vector.broadcast %mul3A_461 : f32 to vector<16xf32>
    %mul3A_463 = arith.mulf %get3A_460, %mul3A_462 : vector<16xf32>
    %convert_element_type3A_464 = arith.fptosi %mul3A_463 : vector<16xf32> to vector<16xi32>
    %convert_element_type3A_465 = arith.sitofp %convert_element_type3A_464 : vector<16xi32> to vector<16xf32>
    %sub3A_466 = arith.subf %mul3A_463, %convert_element_type3A_465 : vector<16xf32>
    %gt3A_467 = arith.constant 5.000000e-01 : f32
    %gt3A_468 = vector.broadcast %gt3A_467 : f32 to vector<16xf32>
    %gt3A_469 = arith.cmpf ogt, %sub3A_466, %gt3A_468 : vector<16xf32>
    %eq3A_470 = arith.constant 5.000000e-01 : f32
    %eq3A_471 = vector.broadcast %eq3A_470 : f32 to vector<16xf32>
    %eq3A_472 = arith.cmpf oeq, %sub3A_466, %eq3A_471 : vector<16xf32>
    %and3A_473 = arith.constant 1 : i32
    %and3A_474 = vector.broadcast %and3A_473 : i32 to vector<16xi32>
    %and3A_475 = arith.andi %convert_element_type3A_464, %and3A_474 : vector<16xi32>
    %eq3A_476 = arith.constant 1 : i32
    %eq3A_477 = vector.broadcast %eq3A_476 : i32 to vector<16xi32>
    %eq3A_478 = arith.cmpi eq, %and3A_475, %eq3A_477 : vector<16xi32>
    %and3A_479 = arith.andi %eq3A_472, %eq3A_478 : vector<16xi1>
    %or3A_480 = arith.ori %gt3A_469, %and3A_479 : vector<16xi1>
    %add3A_481 = arith.constant 1 : i32
    %add3A_482 = vector.broadcast %add3A_481 : i32 to vector<16xi32>
    %add3A_483 = arith.addi %convert_element_type3A_464, %add3A_482 : vector<16xi32>
    %select_n3A_484 = arith.select %or3A_480, %add3A_483, %convert_element_type3A_464 : vector<16xi1>, vector<16xi32>
    %gather3A_485 = tpu.vector_load_idx %arg6[%select_n3A_484] : memref<1001xf32, #tpu.memory_space<vmem>>[vector<16xi32>], vector<16xf32>,
    %swap3A_486 = arith.constant 256 : index
    %swap3A_487 = tpu.vector_load %arg7[%swap3A_486] {strides = array<i32>} : memref<1024xf32, #tpu.memory_space<vmem>>, vector<16xf32>,
    tpu.vector_store %arg7[%swap3A_486], %gather3A_485 {strides = array<i32>} : memref<1024xf32, #tpu.memory_space<vmem>>, vector<16xf32>,
    %get3A_488 = arith.constant 272 : index
    %get3A_489 = tpu.vector_load %arg5[%get3A_488] {strides = array<i32>} : memref<1024xf32, #tpu.memory_space<vmem>>, vector<16xf32>,
    %mul3A_490 = arith.constant 1.000000e+03 : f32
    %mul3A_491 = vector.broadcast %mul3A_490 : f32 to vector<16xf32>
    %mul3A_492 = arith.mulf %get3A_489, %mul3A_491 : vector<16xf32>
    %convert_element_type3A_493 = arith.fptosi %mul3A_492 : vector<16xf32> to vector<16xi32>
    %convert_element_type3A_494 = arith.sitofp %convert_element_type3A_493 : vector<16xi32> to vector<16xf32>
    %sub3A_495 = arith.subf %mul3A_492, %convert_element_type3A_494 : vector<16xf32>
    %gt3A_496 = arith.constant 5.000000e-01 : f32
    %gt3A_497 = vector.broadcast %gt3A_496 : f32 to vector<16xf32>
    %gt3A_498 = arith.cmpf ogt, %sub3A_495, %gt3A_497 : vector<16xf32>
    %eq3A_499 = arith.constant 5.000000e-01 : f32
    %eq3A_500 = vector.broadcast %eq3A_499 : f32 to vector<16xf32>
    %eq3A_501 = arith.cmpf oeq, %sub3A_495, %eq3A_500 : vector<16xf32>
    %and3A_502 = arith.constant 1 : i32
    %and3A_503 = vector.broadcast %and3A_502 : i32 to vector<16xi32>
    %and3A_504 = arith.andi %convert_element_type3A_493, %and3A_503 : vector<16xi32>
    %eq3A_505 = arith.constant 1 : i32
    %eq3A_506 = vector.broadcast %eq3A_505 : i32 to vector<16xi32>
    %eq3A_507 = arith.cmpi eq, %and3A_504, %eq3A_506 : vector<16xi32>
    %and3A_508 = arith.andi %eq3A_501, %eq3A_507 : vector<16xi1>
    %or3A_509 = arith.ori %gt3A_498, %and3A_508 : vector<16xi1>
    %add3A_510 = arith.constant 1 : i32
    %add3A_511 = vector.broadcast %add3A_510 : i32 to vector<16xi32>
    %add3A_512 = arith.addi %convert_element_type3A_493, %add3A_511 : vector<16xi32>
    %select_n3A_513 = arith.select %or3A_509, %add3A_512, %convert_element_type3A_493 : vector<16xi1>, vector<16xi32>
    %gather3A_514 = tpu.vector_load_idx %arg6[%select_n3A_513] : memref<1001xf32, #tpu.memory_space<vmem>>[vector<16xi32>], vector<16xf32>,
    %swap3A_515 = arith.constant 272 : index
    %swap3A_516 = tpu.vector_load %arg7[%swap3A_515] {strides = array<i32>} : memref<1024xf32, #tpu.memory_space<vmem>>, vector<16xf32>,
    tpu.vector_store %arg7[%swap3A_515], %gather3A_514 {strides = array<i32>} : memref<1024xf32, #tpu.memory_space<vmem>>, vector<16xf32>,
    %get3A_517 = arith.constant 288 : index
    %get3A_518 = tpu.vector_load %arg5[%get3A_517] {strides = array<i32>} : memref<1024xf32, #tpu.memory_space<vmem>>, vector<16xf32>,
    %mul3A_519 = arith.constant 1.000000e+03 : f32
    %mul3A_520 = vector.broadcast %mul3A_519 : f32 to vector<16xf32>
    %mul3A_521 = arith.mulf %get3A_518, %mul3A_520 : vector<16xf32>
    %convert_element_type3A_522 = arith.fptosi %mul3A_521 : vector<16xf32> to vector<16xi32>
    %convert_element_type3A_523 = arith.sitofp %convert_element_type3A_522 : vector<16xi32> to vector<16xf32>
    %sub3A_524 = arith.subf %mul3A_521, %convert_element_type3A_523 : vector<16xf32>
    %gt3A_525 = arith.constant 5.000000e-01 : f32
    %gt3A_526 = vector.broadcast %gt3A_525 : f32 to vector<16xf32>
    %gt3A_527 = arith.cmpf ogt, %sub3A_524, %gt3A_526 : vector<16xf32>
    %eq3A_528 = arith.constant 5.000000e-01 : f32
    %eq3A_529 = vector.broadcast %eq3A_528 : f32 to vector<16xf32>
    %eq3A_530 = arith.cmpf oeq, %sub3A_524, %eq3A_529 : vector<16xf32>
    %and3A_531 = arith.constant 1 : i32
    %and3A_532 = vector.broadcast %and3A_531 : i32 to vector<16xi32>
    %and3A_533 = arith.andi %convert_element_type3A_522, %and3A_532 : vector<16xi32>
    %eq3A_534 = arith.constant 1 : i32
    %eq3A_535 = vector.broadcast %eq3A_534 : i32 to vector<16xi32>
    %eq3A_536 = arith.cmpi eq, %and3A_533, %eq3A_535 : vector<16xi32>
    %and3A_537 = arith.andi %eq3A_530, %eq3A_536 : vector<16xi1>
    %or3A_538 = arith.ori %gt3A_527, %and3A_537 : vector<16xi1>
    %add3A_539 = arith.constant 1 : i32
    %add3A_540 = vector.broadcast %add3A_539 : i32 to vector<16xi32>
    %add3A_541 = arith.addi %convert_element_type3A_522, %add3A_540 : vector<16xi32>
    %select_n3A_542 = arith.select %or3A_538, %add3A_541, %convert_element_type3A_522 : vector<16xi1>, vector<16xi32>
    %gather3A_543 = tpu.vector_load_idx %arg6[%select_n3A_542] : memref<1001xf32, #tpu.memory_space<vmem>>[vector<16xi32>], vector<16xf32>,
    %swap3A_544 = arith.constant 288 : index
    %swap3A_545 = tpu.vector_load %arg7[%swap3A_544] {strides = array<i32>} : memref<1024xf32, #tpu.memory_space<vmem>>, vector<16xf32>,
    tpu.vector_store %arg7[%swap3A_544], %gather3A_543 {strides = array<i32>} : memref<1024xf32, #tpu.memory_space<vmem>>, vector<16xf32>,
    %get3A_546 = arith.constant 304 : index
    %get3A_547 = tpu.vector_load %arg5[%get3A_546] {strides = array<i32>} : memref<1024xf32, #tpu.memory_space<vmem>>, vector<16xf32>,
    %mul3A_548 = arith.constant 1.000000e+03 : f32
    %mul3A_549 = vector.broadcast %mul3A_548 : f32 to vector<16xf32>
    %mul3A_550 = arith.mulf %get3A_547, %mul3A_549 : vector<16xf32>
    %convert_element_type3A_551 = arith.fptosi %mul3A_550 : vector<16xf32> to vector<16xi32>
    %convert_element_type3A_552 = arith.sitofp %convert_element_type3A_551 : vector<16xi32> to vector<16xf32>
    %sub3A_553 = arith.subf %mul3A_550, %convert_element_type3A_552 : vector<16xf32>
    %gt3A_554 = arith.constant 5.000000e-01 : f32
    %gt3A_555 = vector.broadcast %gt3A_554 : f32 to vector<16xf32>
    %gt3A_556 = arith.cmpf ogt, %sub3A_553, %gt3A_555 : vector<16xf32>
    %eq3A_557 = arith.constant 5.000000e-01 : f32
    %eq3A_558 = vector.broadcast %eq3A_557 : f32 to vector<16xf32>
    %eq3A_559 = arith.cmpf oeq, %sub3A_553, %eq3A_558 : vector<16xf32>
    %and3A_560 = arith.constant 1 : i32
    %and3A_561 = vector.broadcast %and3A_560 : i32 to vector<16xi32>
    %and3A_562 = arith.andi %convert_element_type3A_551, %and3A_561 : vector<16xi32>
    %eq3A_563 = arith.constant 1 : i32
    %eq3A_564 = vector.broadcast %eq3A_563 : i32 to vector<16xi32>
    %eq3A_565 = arith.cmpi eq, %and3A_562, %eq3A_564 : vector<16xi32>
    %and3A_566 = arith.andi %eq3A_559, %eq3A_565 : vector<16xi1>
    %or3A_567 = arith.ori %gt3A_556, %and3A_566 : vector<16xi1>
    %add3A_568 = arith.constant 1 : i32
    %add3A_569 = vector.broadcast %add3A_568 : i32 to vector<16xi32>
    %add3A_570 = arith.addi %convert_element_type3A_551, %add3A_569 : vector<16xi32>
    %select_n3A_571 = arith.select %or3A_567, %add3A_570, %convert_element_type3A_551 : vector<16xi1>, vector<16xi32>
    %gather3A_572 = tpu.vector_load_idx %arg6[%select_n3A_571] : memref<1001xf32, #tpu.memory_space<vmem>>[vector<16xi32>], vector<16xf32>,
    %swap3A_573 = arith.constant 304 : index
    %swap3A_574 = tpu.vector_load %arg7[%swap3A_573] {strides = array<i32>} : memref<1024xf32, #tpu.memory_space<vmem>>, vector<16xf32>,
    tpu.vector_store %arg7[%swap3A_573], %gather3A_572 {strides = array<i32>} : memref<1024xf32, #tpu.memory_space<vmem>>, vector<16xf32>,
    %get3A_575 = arith.constant 320 : index
    %get3A_576 = tpu.vector_load %arg5[%get3A_575] {strides = array<i32>} : memref<1024xf32, #tpu.memory_space<vmem>>, vector<16xf32>,
    %mul3A_577 = arith.constant 1.000000e+03 : f32
    %mul3A_578 = vector.broadcast %mul3A_577 : f32 to vector<16xf32>
    %mul3A_579 = arith.mulf %get3A_576, %mul3A_578 : vector<16xf32>
    %convert_element_type3A_580 = arith.fptosi %mul3A_579 : vector<16xf32> to vector<16xi32>
    %convert_element_type3A_581 = arith.sitofp %convert_element_type3A_580 : vector<16xi32> to vector<16xf32>
    %sub3A_582 = arith.subf %mul3A_579, %convert_element_type3A_581 : vector<16xf32>
    %gt3A_583 = arith.constant 5.000000e-01 : f32
    %gt3A_584 = vector.broadcast %gt3A_583 : f32 to vector<16xf32>
    %gt3A_585 = arith.cmpf ogt, %sub3A_582, %gt3A_584 : vector<16xf32>
    %eq3A_586 = arith.constant 5.000000e-01 : f32
    %eq3A_587 = vector.broadcast %eq3A_586 : f32 to vector<16xf32>
    %eq3A_588 = arith.cmpf oeq, %sub3A_582, %eq3A_587 : vector<16xf32>
    %and3A_589 = arith.constant 1 : i32
    %and3A_590 = vector.broadcast %and3A_589 : i32 to vector<16xi32>
    %and3A_591 = arith.andi %convert_element_type3A_580, %and3A_590 : vector<16xi32>
    %eq3A_592 = arith.constant 1 : i32
    %eq3A_593 = vector.broadcast %eq3A_592 : i32 to vector<16xi32>
    %eq3A_594 = arith.cmpi eq, %and3A_591, %eq3A_593 : vector<16xi32>
    %and3A_595 = arith.andi %eq3A_588, %eq3A_594 : vector<16xi1>
    %or3A_596 = arith.ori %gt3A_585, %and3A_595 : vector<16xi1>
    %add3A_597 = arith.constant 1 : i32
    %add3A_598 = vector.broadcast %add3A_597 : i32 to vector<16xi32>
    %add3A_599 = arith.addi %convert_element_type3A_580, %add3A_598 : vector<16xi32>
    %select_n3A_600 = arith.select %or3A_596, %add3A_599, %convert_element_type3A_580 : vector<16xi1>, vector<16xi32>
    %gather3A_601 = tpu.vector_load_idx %arg6[%select_n3A_600] : memref<1001xf32, #tpu.memory_space<vmem>>[vector<16xi32>], vector<16xf32>,
    %swap3A_602 = arith.constant 320 : index
    %swap3A_603 = tpu.vector_load %arg7[%swap3A_602] {strides = array<i32>} : memref<1024xf32, #tpu.memory_space<vmem>>, vector<16xf32>,
    tpu.vector_store %arg7[%swap3A_602], %gather3A_601 {strides = array<i32>} : memref<1024xf32, #tpu.memory_space<vmem>>, vector<16xf32>,
    %get3A_604 = arith.constant 336 : index
    %get3A_605 = tpu.vector_load %arg5[%get3A_604] {strides = array<i32>} : memref<1024xf32, #tpu.memory_space<vmem>>, vector<16xf32>,
    %mul3A_606 = arith.constant 1.000000e+03 : f32
    %mul3A_607 = vector.broadcast %mul3A_606 : f32 to vector<16xf32>
    %mul3A_608 = arith.mulf %get3A_605, %mul3A_607 : vector<16xf32>
    %convert_element_type3A_609 = arith.fptosi %mul3A_608 : vector<16xf32> to vector<16xi32>
    %convert_element_type3A_610 = arith.sitofp %convert_element_type3A_609 : vector<16xi32> to vector<16xf32>
    %sub3A_611 = arith.subf %mul3A_608, %convert_element_type3A_610 : vector<16xf32>
    %gt3A_612 = arith.constant 5.000000e-01 : f32
    %gt3A_613 = vector.broadcast %gt3A_612 : f32 to vector<16xf32>
    %gt3A_614 = arith.cmpf ogt, %sub3A_611, %gt3A_613 : vector<16xf32>
    %eq3A_615 = arith.constant 5.000000e-01 : f32
    %eq3A_616 = vector.broadcast %eq3A_615 : f32 to vector<16xf32>
    %eq3A_617 = arith.cmpf oeq, %sub3A_611, %eq3A_616 : vector<16xf32>
    %and3A_618 = arith.constant 1 : i32
    %and3A_619 = vector.broadcast %and3A_618 : i32 to vector<16xi32>
    %and3A_620 = arith.andi %convert_element_type3A_609, %and3A_619 : vector<16xi32>
    %eq3A_621 = arith.constant 1 : i32
    %eq3A_622 = vector.broadcast %eq3A_621 : i32 to vector<16xi32>
    %eq3A_623 = arith.cmpi eq, %and3A_620, %eq3A_622 : vector<16xi32>
    %and3A_624 = arith.andi %eq3A_617, %eq3A_623 : vector<16xi1>
    %or3A_625 = arith.ori %gt3A_614, %and3A_624 : vector<16xi1>
    %add3A_626 = arith.constant 1 : i32
    %add3A_627 = vector.broadcast %add3A_626 : i32 to vector<16xi32>
    %add3A_628 = arith.addi %convert_element_type3A_609, %add3A_627 : vector<16xi32>
    %select_n3A_629 = arith.select %or3A_625, %add3A_628, %convert_element_type3A_609 : vector<16xi1>, vector<16xi32>
    %gather3A_630 = tpu.vector_load_idx %arg6[%select_n3A_629] : memref<1001xf32, #tpu.memory_space<vmem>>[vector<16xi32>], vector<16xf32>,
    %swap3A_631 = arith.constant 336 : index
    %swap3A_632 = tpu.vector_load %arg7[%swap3A_631] {strides = array<i32>} : memref<1024xf32, #tpu.memory_space<vmem>>, vector<16xf32>,
    tpu.vector_store %arg7[%swap3A_631], %gather3A_630 {strides = array<i32>} : memref<1024xf32, #tpu.memory_space<vmem>>, vector<16xf32>,
    %get3A_633 = arith.constant 352 : index
    %get3A_634 = tpu.vector_load %arg5[%get3A_633] {strides = array<i32>} : memref<1024xf32, #tpu.memory_space<vmem>>, vector<16xf32>,
    %mul3A_635 = arith.constant 1.000000e+03 : f32
    %mul3A_636 = vector.broadcast %mul3A_635 : f32 to vector<16xf32>
    %mul3A_637 = arith.mulf %get3A_634, %mul3A_636 : vector<16xf32>
    %convert_element_type3A_638 = arith.fptosi %mul3A_637 : vector<16xf32> to vector<16xi32>
    %convert_element_type3A_639 = arith.sitofp %convert_element_type3A_638 : vector<16xi32> to vector<16xf32>
    %sub3A_640 = arith.subf %mul3A_637, %convert_element_type3A_639 : vector<16xf32>
    %gt3A_641 = arith.constant 5.000000e-01 : f32
    %gt3A_642 = vector.broadcast %gt3A_641 : f32 to vector<16xf32>
    %gt3A_643 = arith.cmpf ogt, %sub3A_640, %gt3A_642 : vector<16xf32>
    %eq3A_644 = arith.constant 5.000000e-01 : f32
    %eq3A_645 = vector.broadcast %eq3A_644 : f32 to vector<16xf32>
    %eq3A_646 = arith.cmpf oeq, %sub3A_640, %eq3A_645 : vector<16xf32>
    %and3A_647 = arith.constant 1 : i32
    %and3A_648 = vector.broadcast %and3A_647 : i32 to vector<16xi32>
    %and3A_649 = arith.andi %convert_element_type3A_638, %and3A_648 : vector<16xi32>
    %eq3A_650 = arith.constant 1 : i32
    %eq3A_651 = vector.broadcast %eq3A_650 : i32 to vector<16xi32>
    %eq3A_652 = arith.cmpi eq, %and3A_649, %eq3A_651 : vector<16xi32>
    %and3A_653 = arith.andi %eq3A_646, %eq3A_652 : vector<16xi1>
    %or3A_654 = arith.ori %gt3A_643, %and3A_653 : vector<16xi1>
    %add3A_655 = arith.constant 1 : i32
    %add3A_656 = vector.broadcast %add3A_655 : i32 to vector<16xi32>
    %add3A_657 = arith.addi %convert_element_type3A_638, %add3A_656 : vector<16xi32>
    %select_n3A_658 = arith.select %or3A_654, %add3A_657, %convert_element_type3A_638 : vector<16xi1>, vector<16xi32>
    %gather3A_659 = tpu.vector_load_idx %arg6[%select_n3A_658] : memref<1001xf32, #tpu.memory_space<vmem>>[vector<16xi32>], vector<16xf32>,
    %swap3A_660 = arith.constant 352 : index
    %swap3A_661 = tpu.vector_load %arg7[%swap3A_660] {strides = array<i32>} : memref<1024xf32, #tpu.memory_space<vmem>>, vector<16xf32>,
    tpu.vector_store %arg7[%swap3A_660], %gather3A_659 {strides = array<i32>} : memref<1024xf32, #tpu.memory_space<vmem>>, vector<16xf32>,
    %get3A_662 = arith.constant 368 : index
    %get3A_663 = tpu.vector_load %arg5[%get3A_662] {strides = array<i32>} : memref<1024xf32, #tpu.memory_space<vmem>>, vector<16xf32>,
    %mul3A_664 = arith.constant 1.000000e+03 : f32
    %mul3A_665 = vector.broadcast %mul3A_664 : f32 to vector<16xf32>
    %mul3A_666 = arith.mulf %get3A_663, %mul3A_665 : vector<16xf32>
    %convert_element_type3A_667 = arith.fptosi %mul3A_666 : vector<16xf32> to vector<16xi32>
    %convert_element_type3A_668 = arith.sitofp %convert_element_type3A_667 : vector<16xi32> to vector<16xf32>
    %sub3A_669 = arith.subf %mul3A_666, %convert_element_type3A_668 : vector<16xf32>
    %gt3A_670 = arith.constant 5.000000e-01 : f32
    %gt3A_671 = vector.broadcast %gt3A_670 : f32 to vector<16xf32>
    %gt3A_672 = arith.cmpf ogt, %sub3A_669, %gt3A_671 : vector<16xf32>
    %eq3A_673 = arith.constant 5.000000e-01 : f32
    %eq3A_674 = vector.broadcast %eq3A_673 : f32 to vector<16xf32>
    %eq3A_675 = arith.cmpf oeq, %sub3A_669, %eq3A_674 : vector<16xf32>
    %and3A_676 = arith.constant 1 : i32
    %and3A_677 = vector.broadcast %and3A_676 : i32 to vector<16xi32>
    %and3A_678 = arith.andi %convert_element_type3A_667, %and3A_677 : vector<16xi32>
    %eq3A_679 = arith.constant 1 : i32
    %eq3A_680 = vector.broadcast %eq3A_679 : i32 to vector<16xi32>
    %eq3A_681 = arith.cmpi eq, %and3A_678, %eq3A_680 : vector<16xi32>
    %and3A_682 = arith.andi %eq3A_675, %eq3A_681 : vector<16xi1>
    %or3A_683 = arith.ori %gt3A_672, %and3A_682 : vector<16xi1>
    %add3A_684 = arith.constant 1 : i32
    %add3A_685 = vector.broadcast %add3A_684 : i32 to vector<16xi32>
    %add3A_686 = arith.addi %convert_element_type3A_667, %add3A_685 : vector<16xi32>
    %select_n3A_687 = arith.select %or3A_683, %add3A_686, %convert_element_type3A_667 : vector<16xi1>, vector<16xi32>
    %gather3A_688 = tpu.vector_load_idx %arg6[%select_n3A_687] : memref<1001xf32, #tpu.memory_space<vmem>>[vector<16xi32>], vector<16xf32>,
    %swap3A_689 = arith.constant 368 : index
    %swap3A_690 = tpu.vector_load %arg7[%swap3A_689] {strides = array<i32>} : memref<1024xf32, #tpu.memory_space<vmem>>, vector<16xf32>,
    tpu.vector_store %arg7[%swap3A_689], %gather3A_688 {strides = array<i32>} : memref<1024xf32, #tpu.memory_space<vmem>>, vector<16xf32>,
    %get3A_691 = arith.constant 384 : index
    %get3A_692 = tpu.vector_load %arg5[%get3A_691] {strides = array<i32>} : memref<1024xf32, #tpu.memory_space<vmem>>, vector<16xf32>,
    %mul3A_693 = arith.constant 1.000000e+03 : f32
    %mul3A_694 = vector.broadcast %mul3A_693 : f32 to vector<16xf32>
    %mul3A_695 = arith.mulf %get3A_692, %mul3A_694 : vector<16xf32>
    %convert_element_type3A_696 = arith.fptosi %mul3A_695 : vector<16xf32> to vector<16xi32>
    %convert_element_type3A_697 = arith.sitofp %convert_element_type3A_696 : vector<16xi32> to vector<16xf32>
    %sub3A_698 = arith.subf %mul3A_695, %convert_element_type3A_697 : vector<16xf32>
    %gt3A_699 = arith.constant 5.000000e-01 : f32
    %gt3A_700 = vector.broadcast %gt3A_699 : f32 to vector<16xf32>
    %gt3A_701 = arith.cmpf ogt, %sub3A_698, %gt3A_700 : vector<16xf32>
    %eq3A_702 = arith.constant 5.000000e-01 : f32
    %eq3A_703 = vector.broadcast %eq3A_702 : f32 to vector<16xf32>
    %eq3A_704 = arith.cmpf oeq, %sub3A_698, %eq3A_703 : vector<16xf32>
    %and3A_705 = arith.constant 1 : i32
    %and3A_706 = vector.broadcast %and3A_705 : i32 to vector<16xi32>
    %and3A_707 = arith.andi %convert_element_type3A_696, %and3A_706 : vector<16xi32>
    %eq3A_708 = arith.constant 1 : i32
    %eq3A_709 = vector.broadcast %eq3A_708 : i32 to vector<16xi32>
    %eq3A_710 = arith.cmpi eq, %and3A_707, %eq3A_709 : vector<16xi32>
    %and3A_711 = arith.andi %eq3A_704, %eq3A_710 : vector<16xi1>
    %or3A_712 = arith.ori %gt3A_701, %and3A_711 : vector<16xi1>
    %add3A_713 = arith.constant 1 : i32
    %add3A_714 = vector.broadcast %add3A_713 : i32 to vector<16xi32>
    %add3A_715 = arith.addi %convert_element_type3A_696, %add3A_714 : vector<16xi32>
    %select_n3A_716 = arith.select %or3A_712, %add3A_715, %convert_element_type3A_696 : vector<16xi1>, vector<16xi32>
    %gather3A_717 = tpu.vector_load_idx %arg6[%select_n3A_716] : memref<1001xf32, #tpu.memory_space<vmem>>[vector<16xi32>], vector<16xf32>,
    %swap3A_718 = arith.constant 384 : index
    %swap3A_719 = tpu.vector_load %arg7[%swap3A_718] {strides = array<i32>} : memref<1024xf32, #tpu.memory_space<vmem>>, vector<16xf32>,
    tpu.vector_store %arg7[%swap3A_718], %gather3A_717 {strides = array<i32>} : memref<1024xf32, #tpu.memory_space<vmem>>, vector<16xf32>,
    %get3A_720 = arith.constant 400 : index
    %get3A_721 = tpu.vector_load %arg5[%get3A_720] {strides = array<i32>} : memref<1024xf32, #tpu.memory_space<vmem>>, vector<16xf32>,
    %mul3A_722 = arith.constant 1.000000e+03 : f32
    %mul3A_723 = vector.broadcast %mul3A_722 : f32 to vector<16xf32>
    %mul3A_724 = arith.mulf %get3A_721, %mul3A_723 : vector<16xf32>
    %convert_element_type3A_725 = arith.fptosi %mul3A_724 : vector<16xf32> to vector<16xi32>
    %convert_element_type3A_726 = arith.sitofp %convert_element_type3A_725 : vector<16xi32> to vector<16xf32>
    %sub3A_727 = arith.subf %mul3A_724, %convert_element_type3A_726 : vector<16xf32>
    %gt3A_728 = arith.constant 5.000000e-01 : f32
    %gt3A_729 = vector.broadcast %gt3A_728 : f32 to vector<16xf32>
    %gt3A_730 = arith.cmpf ogt, %sub3A_727, %gt3A_729 : vector<16xf32>
    %eq3A_731 = arith.constant 5.000000e-01 : f32
    %eq3A_732 = vector.broadcast %eq3A_731 : f32 to vector<16xf32>
    %eq3A_733 = arith.cmpf oeq, %sub3A_727, %eq3A_732 : vector<16xf32>
    %and3A_734 = arith.constant 1 : i32
    %and3A_735 = vector.broadcast %and3A_734 : i32 to vector<16xi32>
    %and3A_736 = arith.andi %convert_element_type3A_725, %and3A_735 : vector<16xi32>
    %eq3A_737 = arith.constant 1 : i32
    %eq3A_738 = vector.broadcast %eq3A_737 : i32 to vector<16xi32>
    %eq3A_739 = arith.cmpi eq, %and3A_736, %eq3A_738 : vector<16xi32>
    %and3A_740 = arith.andi %eq3A_733, %eq3A_739 : vector<16xi1>
    %or3A_741 = arith.ori %gt3A_730, %and3A_740 : vector<16xi1>
    %add3A_742 = arith.constant 1 : i32
    %add3A_743 = vector.broadcast %add3A_742 : i32 to vector<16xi32>
    %add3A_744 = arith.addi %convert_element_type3A_725, %add3A_743 : vector<16xi32>
    %select_n3A_745 = arith.select %or3A_741, %add3A_744, %convert_element_type3A_725 : vector<16xi1>, vector<16xi32>
    %gather3A_746 = tpu.vector_load_idx %arg6[%select_n3A_745] : memref<1001xf32, #tpu.memory_space<vmem>>[vector<16xi32>], vector<16xf32>,
    %swap3A_747 = arith.constant 400 : index
    %swap3A_748 = tpu.vector_load %arg7[%swap3A_747] {strides = array<i32>} : memref<1024xf32, #tpu.memory_space<vmem>>, vector<16xf32>,
    tpu.vector_store %arg7[%swap3A_747], %gather3A_746 {strides = array<i32>} : memref<1024xf32, #tpu.memory_space<vmem>>, vector<16xf32>,
    %get3A_749 = arith.constant 416 : index
    %get3A_750 = tpu.vector_load %arg5[%get3A_749] {strides = array<i32>} : memref<1024xf32, #tpu.memory_space<vmem>>, vector<16xf32>,
    %mul3A_751 = arith.constant 1.000000e+03 : f32
    %mul3A_752 = vector.broadcast %mul3A_751 : f32 to vector<16xf32>
    %mul3A_753 = arith.mulf %get3A_750, %mul3A_752 : vector<16xf32>
    %convert_element_type3A_754 = arith.fptosi %mul3A_753 : vector<16xf32> to vector<16xi32>
    %convert_element_type3A_755 = arith.sitofp %convert_element_type3A_754 : vector<16xi32> to vector<16xf32>
    %sub3A_756 = arith.subf %mul3A_753, %convert_element_type3A_755 : vector<16xf32>
    %gt3A_757 = arith.constant 5.000000e-01 : f32
    %gt3A_758 = vector.broadcast %gt3A_757 : f32 to vector<16xf32>
    %gt3A_759 = arith.cmpf ogt, %sub3A_756, %gt3A_758 : vector<16xf32>
    %eq3A_760 = arith.constant 5.000000e-01 : f32
    %eq3A_761 = vector.broadcast %eq3A_760 : f32 to vector<16xf32>
    %eq3A_762 = arith.cmpf oeq, %sub3A_756, %eq3A_761 : vector<16xf32>
    %and3A_763 = arith.constant 1 : i32
    %and3A_764 = vector.broadcast %and3A_763 : i32 to vector<16xi32>
    %and3A_765 = arith.andi %convert_element_type3A_754, %and3A_764 : vector<16xi32>
    %eq3A_766 = arith.constant 1 : i32
    %eq3A_767 = vector.broadcast %eq3A_766 : i32 to vector<16xi32>
    %eq3A_768 = arith.cmpi eq, %and3A_765, %eq3A_767 : vector<16xi32>
    %and3A_769 = arith.andi %eq3A_762, %eq3A_768 : vector<16xi1>
    %or3A_770 = arith.ori %gt3A_759, %and3A_769 : vector<16xi1>
    %add3A_771 = arith.constant 1 : i32
    %add3A_772 = vector.broadcast %add3A_771 : i32 to vector<16xi32>
    %add3A_773 = arith.addi %convert_element_type3A_754, %add3A_772 : vector<16xi32>
    %select_n3A_774 = arith.select %or3A_770, %add3A_773, %convert_element_type3A_754 : vector<16xi1>, vector<16xi32>
    %gather3A_775 = tpu.vector_load_idx %arg6[%select_n3A_774] : memref<1001xf32, #tpu.memory_space<vmem>>[vector<16xi32>], vector<16xf32>,
    %swap3A_776 = arith.constant 416 : index
    %swap3A_777 = tpu.vector_load %arg7[%swap3A_776] {strides = array<i32>} : memref<1024xf32, #tpu.memory_space<vmem>>, vector<16xf32>,
    tpu.vector_store %arg7[%swap3A_776], %gather3A_775 {strides = array<i32>} : memref<1024xf32, #tpu.memory_space<vmem>>, vector<16xf32>,
    %get3A_778 = arith.constant 432 : index
    %get3A_779 = tpu.vector_load %arg5[%get3A_778] {strides = array<i32>} : memref<1024xf32, #tpu.memory_space<vmem>>, vector<16xf32>,
    %mul3A_780 = arith.constant 1.000000e+03 : f32
    %mul3A_781 = vector.broadcast %mul3A_780 : f32 to vector<16xf32>
    %mul3A_782 = arith.mulf %get3A_779, %mul3A_781 : vector<16xf32>
    %convert_element_type3A_783 = arith.fptosi %mul3A_782 : vector<16xf32> to vector<16xi32>
    %convert_element_type3A_784 = arith.sitofp %convert_element_type3A_783 : vector<16xi32> to vector<16xf32>
    %sub3A_785 = arith.subf %mul3A_782, %convert_element_type3A_784 : vector<16xf32>
    %gt3A_786 = arith.constant 5.000000e-01 : f32
    %gt3A_787 = vector.broadcast %gt3A_786 : f32 to vector<16xf32>
    %gt3A_788 = arith.cmpf ogt, %sub3A_785, %gt3A_787 : vector<16xf32>
    %eq3A_789 = arith.constant 5.000000e-01 : f32
    %eq3A_790 = vector.broadcast %eq3A_789 : f32 to vector<16xf32>
    %eq3A_791 = arith.cmpf oeq, %sub3A_785, %eq3A_790 : vector<16xf32>
    %and3A_792 = arith.constant 1 : i32
    %and3A_793 = vector.broadcast %and3A_792 : i32 to vector<16xi32>
    %and3A_794 = arith.andi %convert_element_type3A_783, %and3A_793 : vector<16xi32>
    %eq3A_795 = arith.constant 1 : i32
    %eq3A_796 = vector.broadcast %eq3A_795 : i32 to vector<16xi32>
    %eq3A_797 = arith.cmpi eq, %and3A_794, %eq3A_796 : vector<16xi32>
    %and3A_798 = arith.andi %eq3A_791, %eq3A_797 : vector<16xi1>
    %or3A_799 = arith.ori %gt3A_788, %and3A_798 : vector<16xi1>
    %add3A_800 = arith.constant 1 : i32
    %add3A_801 = vector.broadcast %add3A_800 : i32 to vector<16xi32>
    %add3A_802 = arith.addi %convert_element_type3A_783, %add3A_801 : vector<16xi32>
    %select_n3A_803 = arith.select %or3A_799, %add3A_802, %convert_element_type3A_783 : vector<16xi1>, vector<16xi32>
    %gather3A_804 = tpu.vector_load_idx %arg6[%select_n3A_803] : memref<1001xf32, #tpu.memory_space<vmem>>[vector<16xi32>], vector<16xf32>,
    %swap3A_805 = arith.constant 432 : index
    %swap3A_806 = tpu.vector_load %arg7[%swap3A_805] {strides = array<i32>} : memref<1024xf32, #tpu.memory_space<vmem>>, vector<16xf32>,
    tpu.vector_store %arg7[%swap3A_805], %gather3A_804 {strides = array<i32>} : memref<1024xf32, #tpu.memory_space<vmem>>, vector<16xf32>,
    %get3A_807 = arith.constant 448 : index
    %get3A_808 = tpu.vector_load %arg5[%get3A_807] {strides = array<i32>} : memref<1024xf32, #tpu.memory_space<vmem>>, vector<16xf32>,
    %mul3A_809 = arith.constant 1.000000e+03 : f32
    %mul3A_810 = vector.broadcast %mul3A_809 : f32 to vector<16xf32>
    %mul3A_811 = arith.mulf %get3A_808, %mul3A_810 : vector<16xf32>
    %convert_element_type3A_812 = arith.fptosi %mul3A_811 : vector<16xf32> to vector<16xi32>
    %convert_element_type3A_813 = arith.sitofp %convert_element_type3A_812 : vector<16xi32> to vector<16xf32>
    %sub3A_814 = arith.subf %mul3A_811, %convert_element_type3A_813 : vector<16xf32>
    %gt3A_815 = arith.constant 5.000000e-01 : f32
    %gt3A_816 = vector.broadcast %gt3A_815 : f32 to vector<16xf32>
    %gt3A_817 = arith.cmpf ogt, %sub3A_814, %gt3A_816 : vector<16xf32>
    %eq3A_818 = arith.constant 5.000000e-01 : f32
    %eq3A_819 = vector.broadcast %eq3A_818 : f32 to vector<16xf32>
    %eq3A_820 = arith.cmpf oeq, %sub3A_814, %eq3A_819 : vector<16xf32>
    %and3A_821 = arith.constant 1 : i32
    %and3A_822 = vector.broadcast %and3A_821 : i32 to vector<16xi32>
    %and3A_823 = arith.andi %convert_element_type3A_812, %and3A_822 : vector<16xi32>
    %eq3A_824 = arith.constant 1 : i32
    %eq3A_825 = vector.broadcast %eq3A_824 : i32 to vector<16xi32>
    %eq3A_826 = arith.cmpi eq, %and3A_823, %eq3A_825 : vector<16xi32>
    %and3A_827 = arith.andi %eq3A_820, %eq3A_826 : vector<16xi1>
    %or3A_828 = arith.ori %gt3A_817, %and3A_827 : vector<16xi1>
    %add3A_829 = arith.constant 1 : i32
    %add3A_830 = vector.broadcast %add3A_829 : i32 to vector<16xi32>
    %add3A_831 = arith.addi %convert_element_type3A_812, %add3A_830 : vector<16xi32>
    %select_n3A_832 = arith.select %or3A_828, %add3A_831, %convert_element_type3A_812 : vector<16xi1>, vector<16xi32>
    %gather3A_833 = tpu.vector_load_idx %arg6[%select_n3A_832] : memref<1001xf32, #tpu.memory_space<vmem>>[vector<16xi32>], vector<16xf32>,
    %swap3A_834 = arith.constant 448 : index
    %swap3A_835 = tpu.vector_load %arg7[%swap3A_834] {strides = array<i32>} : memref<1024xf32, #tpu.memory_space<vmem>>, vector<16xf32>,
    tpu.vector_store %arg7[%swap3A_834], %gather3A_833 {strides = array<i32>} : memref<1024xf32, #tpu.memory_space<vmem>>, vector<16xf32>,
    %get3A_836 = arith.constant 464 : index
    %get3A_837 = tpu.vector_load %arg5[%get3A_836] {strides = array<i32>} : memref<1024xf32, #tpu.memory_space<vmem>>, vector<16xf32>,
    %mul3A_838 = arith.constant 1.000000e+03 : f32
    %mul3A_839 = vector.broadcast %mul3A_838 : f32 to vector<16xf32>
    %mul3A_840 = arith.mulf %get3A_837, %mul3A_839 : vector<16xf32>
    %convert_element_type3A_841 = arith.fptosi %mul3A_840 : vector<16xf32> to vector<16xi32>
    %convert_element_type3A_842 = arith.sitofp %convert_element_type3A_841 : vector<16xi32> to vector<16xf32>
    %sub3A_843 = arith.subf %mul3A_840, %convert_element_type3A_842 : vector<16xf32>
    %gt3A_844 = arith.constant 5.000000e-01 : f32
    %gt3A_845 = vector.broadcast %gt3A_844 : f32 to vector<16xf32>
    %gt3A_846 = arith.cmpf ogt, %sub3A_843, %gt3A_845 : vector<16xf32>
    %eq3A_847 = arith.constant 5.000000e-01 : f32
    %eq3A_848 = vector.broadcast %eq3A_847 : f32 to vector<16xf32>
    %eq3A_849 = arith.cmpf oeq, %sub3A_843, %eq3A_848 : vector<16xf32>
    %and3A_850 = arith.constant 1 : i32
    %and3A_851 = vector.broadcast %and3A_850 : i32 to vector<16xi32>
    %and3A_852 = arith.andi %convert_element_type3A_841, %and3A_851 : vector<16xi32>
    %eq3A_853 = arith.constant 1 : i32
    %eq3A_854 = vector.broadcast %eq3A_853 : i32 to vector<16xi32>
    %eq3A_855 = arith.cmpi eq, %and3A_852, %eq3A_854 : vector<16xi32>
    %and3A_856 = arith.andi %eq3A_849, %eq3A_855 : vector<16xi1>
    %or3A_857 = arith.ori %gt3A_846, %and3A_856 : vector<16xi1>
    %add3A_858 = arith.constant 1 : i32
    %add3A_859 = vector.broadcast %add3A_858 : i32 to vector<16xi32>
    %add3A_860 = arith.addi %convert_element_type3A_841, %add3A_859 : vector<16xi32>
    %select_n3A_861 = arith.select %or3A_857, %add3A_860, %convert_element_type3A_841 : vector<16xi1>, vector<16xi32>
    %gather3A_862 = tpu.vector_load_idx %arg6[%select_n3A_861] : memref<1001xf32, #tpu.memory_space<vmem>>[vector<16xi32>], vector<16xf32>,
    %swap3A_863 = arith.constant 464 : index
    %swap3A_864 = tpu.vector_load %arg7[%swap3A_863] {strides = array<i32>} : memref<1024xf32, #tpu.memory_space<vmem>>, vector<16xf32>,
    tpu.vector_store %arg7[%swap3A_863], %gather3A_862 {strides = array<i32>} : memref<1024xf32, #tpu.memory_space<vmem>>, vector<16xf32>,
    %get3A_865 = arith.constant 480 : index
    %get3A_866 = tpu.vector_load %arg5[%get3A_865] {strides = array<i32>} : memref<1024xf32, #tpu.memory_space<vmem>>, vector<16xf32>,
    %mul3A_867 = arith.constant 1.000000e+03 : f32
    %mul3A_868 = vector.broadcast %mul3A_867 : f32 to vector<16xf32>
    %mul3A_869 = arith.mulf %get3A_866, %mul3A_868 : vector<16xf32>
    %convert_element_type3A_870 = arith.fptosi %mul3A_869 : vector<16xf32> to vector<16xi32>
    %convert_element_type3A_871 = arith.sitofp %convert_element_type3A_870 : vector<16xi32> to vector<16xf32>
    %sub3A_872 = arith.subf %mul3A_869, %convert_element_type3A_871 : vector<16xf32>
    %gt3A_873 = arith.constant 5.000000e-01 : f32
    %gt3A_874 = vector.broadcast %gt3A_873 : f32 to vector<16xf32>
    %gt3A_875 = arith.cmpf ogt, %sub3A_872, %gt3A_874 : vector<16xf32>
    %eq3A_876 = arith.constant 5.000000e-01 : f32
    %eq3A_877 = vector.broadcast %eq3A_876 : f32 to vector<16xf32>
    %eq3A_878 = arith.cmpf oeq, %sub3A_872, %eq3A_877 : vector<16xf32>
    %and3A_879 = arith.constant 1 : i32
    %and3A_880 = vector.broadcast %and3A_879 : i32 to vector<16xi32>
    %and3A_881 = arith.andi %convert_element_type3A_870, %and3A_880 : vector<16xi32>
    %eq3A_882 = arith.constant 1 : i32
    %eq3A_883 = vector.broadcast %eq3A_882 : i32 to vector<16xi32>
    %eq3A_884 = arith.cmpi eq, %and3A_881, %eq3A_883 : vector<16xi32>
    %and3A_885 = arith.andi %eq3A_878, %eq3A_884 : vector<16xi1>
    %or3A_886 = arith.ori %gt3A_875, %and3A_885 : vector<16xi1>
    %add3A_887 = arith.constant 1 : i32
    %add3A_888 = vector.broadcast %add3A_887 : i32 to vector<16xi32>
    %add3A_889 = arith.addi %convert_element_type3A_870, %add3A_888 : vector<16xi32>
    %select_n3A_890 = arith.select %or3A_886, %add3A_889, %convert_element_type3A_870 : vector<16xi1>, vector<16xi32>
    %gather3A_891 = tpu.vector_load_idx %arg6[%select_n3A_890] : memref<1001xf32, #tpu.memory_space<vmem>>[vector<16xi32>], vector<16xf32>,
    %swap3A_892 = arith.constant 480 : index
    %swap3A_893 = tpu.vector_load %arg7[%swap3A_892] {strides = array<i32>} : memref<1024xf32, #tpu.memory_space<vmem>>, vector<16xf32>,
    tpu.vector_store %arg7[%swap3A_892], %gather3A_891 {strides = array<i32>} : memref<1024xf32, #tpu.memory_space<vmem>>, vector<16xf32>,
    %get3A_894 = arith.constant 496 : index
    %get3A_895 = tpu.vector_load %arg5[%get3A_894] {strides = array<i32>} : memref<1024xf32, #tpu.memory_space<vmem>>, vector<16xf32>,
    %mul3A_896 = arith.constant 1.000000e+03 : f32
    %mul3A_897 = vector.broadcast %mul3A_896 : f32 to vector<16xf32>
    %mul3A_898 = arith.mulf %get3A_895, %mul3A_897 : vector<16xf32>
    %convert_element_type3A_899 = arith.fptosi %mul3A_898 : vector<16xf32> to vector<16xi32>
    %convert_element_type3A_900 = arith.sitofp %convert_element_type3A_899 : vector<16xi32> to vector<16xf32>
    %sub3A_901 = arith.subf %mul3A_898, %convert_element_type3A_900 : vector<16xf32>
    %gt3A_902 = arith.constant 5.000000e-01 : f32
    %gt3A_903 = vector.broadcast %gt3A_902 : f32 to vector<16xf32>
    %gt3A_904 = arith.cmpf ogt, %sub3A_901, %gt3A_903 : vector<16xf32>
    %eq3A_905 = arith.constant 5.000000e-01 : f32
    %eq3A_906 = vector.broadcast %eq3A_905 : f32 to vector<16xf32>
    %eq3A_907 = arith.cmpf oeq, %sub3A_901, %eq3A_906 : vector<16xf32>
    %and3A_908 = arith.constant 1 : i32
    %and3A_909 = vector.broadcast %and3A_908 : i32 to vector<16xi32>
    %and3A_910 = arith.andi %convert_element_type3A_899, %and3A_909 : vector<16xi32>
    %eq3A_911 = arith.constant 1 : i32
    %eq3A_912 = vector.broadcast %eq3A_911 : i32 to vector<16xi32>
    %eq3A_913 = arith.cmpi eq, %and3A_910, %eq3A_912 : vector<16xi32>
    %and3A_914 = arith.andi %eq3A_907, %eq3A_913 : vector<16xi1>
    %or3A_915 = arith.ori %gt3A_904, %and3A_914 : vector<16xi1>
    %add3A_916 = arith.constant 1 : i32
    %add3A_917 = vector.broadcast %add3A_916 : i32 to vector<16xi32>
    %add3A_918 = arith.addi %convert_element_type3A_899, %add3A_917 : vector<16xi32>
    %select_n3A_919 = arith.select %or3A_915, %add3A_918, %convert_element_type3A_899 : vector<16xi1>, vector<16xi32>
    %gather3A_920 = tpu.vector_load_idx %arg6[%select_n3A_919] : memref<1001xf32, #tpu.memory_space<vmem>>[vector<16xi32>], vector<16xf32>,
    %swap3A_921 = arith.constant 496 : index
    %swap3A_922 = tpu.vector_load %arg7[%swap3A_921] {strides = array<i32>} : memref<1024xf32, #tpu.memory_space<vmem>>, vector<16xf32>,
    tpu.vector_store %arg7[%swap3A_921], %gather3A_920 {strides = array<i32>} : memref<1024xf32, #tpu.memory_space<vmem>>, vector<16xf32>,
    %get3A_923 = arith.constant 512 : index
    %get3A_924 = tpu.vector_load %arg5[%get3A_923] {strides = array<i32>} : memref<1024xf32, #tpu.memory_space<vmem>>, vector<16xf32>,
    %mul3A_925 = arith.constant 1.000000e+03 : f32
    %mul3A_926 = vector.broadcast %mul3A_925 : f32 to vector<16xf32>
    %mul3A_927 = arith.mulf %get3A_924, %mul3A_926 : vector<16xf32>
    %convert_element_type3A_928 = arith.fptosi %mul3A_927 : vector<16xf32> to vector<16xi32>
    %convert_element_type3A_929 = arith.sitofp %convert_element_type3A_928 : vector<16xi32> to vector<16xf32>
    %sub3A_930 = arith.subf %mul3A_927, %convert_element_type3A_929 : vector<16xf32>
    %gt3A_931 = arith.constant 5.000000e-01 : f32
    %gt3A_932 = vector.broadcast %gt3A_931 : f32 to vector<16xf32>
    %gt3A_933 = arith.cmpf ogt, %sub3A_930, %gt3A_932 : vector<16xf32>
    %eq3A_934 = arith.constant 5.000000e-01 : f32
    %eq3A_935 = vector.broadcast %eq3A_934 : f32 to vector<16xf32>
    %eq3A_936 = arith.cmpf oeq, %sub3A_930, %eq3A_935 : vector<16xf32>
    %and3A_937 = arith.constant 1 : i32
    %and3A_938 = vector.broadcast %and3A_937 : i32 to vector<16xi32>
    %and3A_939 = arith.andi %convert_element_type3A_928, %and3A_938 : vector<16xi32>
    %eq3A_940 = arith.constant 1 : i32
    %eq3A_941 = vector.broadcast %eq3A_940 : i32 to vector<16xi32>
    %eq3A_942 = arith.cmpi eq, %and3A_939, %eq3A_941 : vector<16xi32>
    %and3A_943 = arith.andi %eq3A_936, %eq3A_942 : vector<16xi1>
    %or3A_944 = arith.ori %gt3A_933, %and3A_943 : vector<16xi1>
    %add3A_945 = arith.constant 1 : i32
    %add3A_946 = vector.broadcast %add3A_945 : i32 to vector<16xi32>
    %add3A_947 = arith.addi %convert_element_type3A_928, %add3A_946 : vector<16xi32>
    %select_n3A_948 = arith.select %or3A_944, %add3A_947, %convert_element_type3A_928 : vector<16xi1>, vector<16xi32>
    %gather3A_949 = tpu.vector_load_idx %arg6[%select_n3A_948] : memref<1001xf32, #tpu.memory_space<vmem>>[vector<16xi32>], vector<16xf32>,
    %swap3A_950 = arith.constant 512 : index
    %swap3A_951 = tpu.vector_load %arg7[%swap3A_950] {strides = array<i32>} : memref<1024xf32, #tpu.memory_space<vmem>>, vector<16xf32>,
    tpu.vector_store %arg7[%swap3A_950], %gather3A_949 {strides = array<i32>} : memref<1024xf32, #tpu.memory_space<vmem>>, vector<16xf32>,
    %get3A_952 = arith.constant 528 : index
    %get3A_953 = tpu.vector_load %arg5[%get3A_952] {strides = array<i32>} : memref<1024xf32, #tpu.memory_space<vmem>>, vector<16xf32>,
    %mul3A_954 = arith.constant 1.000000e+03 : f32
    %mul3A_955 = vector.broadcast %mul3A_954 : f32 to vector<16xf32>
    %mul3A_956 = arith.mulf %get3A_953, %mul3A_955 : vector<16xf32>
    %convert_element_type3A_957 = arith.fptosi %mul3A_956 : vector<16xf32> to vector<16xi32>
    %convert_element_type3A_958 = arith.sitofp %convert_element_type3A_957 : vector<16xi32> to vector<16xf32>
    %sub3A_959 = arith.subf %mul3A_956, %convert_element_type3A_958 : vector<16xf32>
    %gt3A_960 = arith.constant 5.000000e-01 : f32
    %gt3A_961 = vector.broadcast %gt3A_960 : f32 to vector<16xf32>
    %gt3A_962 = arith.cmpf ogt, %sub3A_959, %gt3A_961 : vector<16xf32>
    %eq3A_963 = arith.constant 5.000000e-01 : f32
    %eq3A_964 = vector.broadcast %eq3A_963 : f32 to vector<16xf32>
    %eq3A_965 = arith.cmpf oeq, %sub3A_959, %eq3A_964 : vector<16xf32>
    %and3A_966 = arith.constant 1 : i32
    %and3A_967 = vector.broadcast %and3A_966 : i32 to vector<16xi32>
    %and3A_968 = arith.andi %convert_element_type3A_957, %and3A_967 : vector<16xi32>
    %eq3A_969 = arith.constant 1 : i32
    %eq3A_970 = vector.broadcast %eq3A_969 : i32 to vector<16xi32>
    %eq3A_971 = arith.cmpi eq, %and3A_968, %eq3A_970 : vector<16xi32>
    %and3A_972 = arith.andi %eq3A_965, %eq3A_971 : vector<16xi1>
    %or3A_973 = arith.ori %gt3A_962, %and3A_972 : vector<16xi1>
    %add3A_974 = arith.constant 1 : i32
    %add3A_975 = vector.broadcast %add3A_974 : i32 to vector<16xi32>
    %add3A_976 = arith.addi %convert_element_type3A_957, %add3A_975 : vector<16xi32>
    %select_n3A_977 = arith.select %or3A_973, %add3A_976, %convert_element_type3A_957 : vector<16xi1>, vector<16xi32>
    %gather3A_978 = tpu.vector_load_idx %arg6[%select_n3A_977] : memref<1001xf32, #tpu.memory_space<vmem>>[vector<16xi32>], vector<16xf32>,
    %swap3A_979 = arith.constant 528 : index
    %swap3A_980 = tpu.vector_load %arg7[%swap3A_979] {strides = array<i32>} : memref<1024xf32, #tpu.memory_space<vmem>>, vector<16xf32>,
    tpu.vector_store %arg7[%swap3A_979], %gather3A_978 {strides = array<i32>} : memref<1024xf32, #tpu.memory_space<vmem>>, vector<16xf32>,
    %get3A_981 = arith.constant 544 : index
    %get3A_982 = tpu.vector_load %arg5[%get3A_981] {strides = array<i32>} : memref<1024xf32, #tpu.memory_space<vmem>>, vector<16xf32>,
    %mul3A_983 = arith.constant 1.000000e+03 : f32
    %mul3A_984 = vector.broadcast %mul3A_983 : f32 to vector<16xf32>
    %mul3A_985 = arith.mulf %get3A_982, %mul3A_984 : vector<16xf32>
    %convert_element_type3A_986 = arith.fptosi %mul3A_985 : vector<16xf32> to vector<16xi32>
    %convert_element_type3A_987 = arith.sitofp %convert_element_type3A_986 : vector<16xi32> to vector<16xf32>
    %sub3A_988 = arith.subf %mul3A_985, %convert_element_type3A_987 : vector<16xf32>
    %gt3A_989 = arith.constant 5.000000e-01 : f32
    %gt3A_990 = vector.broadcast %gt3A_989 : f32 to vector<16xf32>
    %gt3A_991 = arith.cmpf ogt, %sub3A_988, %gt3A_990 : vector<16xf32>
    %eq3A_992 = arith.constant 5.000000e-01 : f32
    %eq3A_993 = vector.broadcast %eq3A_992 : f32 to vector<16xf32>
    %eq3A_994 = arith.cmpf oeq, %sub3A_988, %eq3A_993 : vector<16xf32>
    %and3A_995 = arith.constant 1 : i32
    %and3A_996 = vector.broadcast %and3A_995 : i32 to vector<16xi32>
    %and3A_997 = arith.andi %convert_element_type3A_986, %and3A_996 : vector<16xi32>
    %eq3A_998 = arith.constant 1 : i32
    %eq3A_999 = vector.broadcast %eq3A_998 : i32 to vector<16xi32>
    %eq3A_1000 = arith.cmpi eq, %and3A_997, %eq3A_999 : vector<16xi32>
    %and3A_1001 = arith.andi %eq3A_994, %eq3A_1000 : vector<16xi1>
    %or3A_1002 = arith.ori %gt3A_991, %and3A_1001 : vector<16xi1>
    %add3A_1003 = arith.constant 1 : i32
    %add3A_1004 = vector.broadcast %add3A_1003 : i32 to vector<16xi32>
    %add3A_1005 = arith.addi %convert_element_type3A_986, %add3A_1004 : vector<16xi32>
    %select_n3A_1006 = arith.select %or3A_1002, %add3A_1005, %convert_element_type3A_986 : vector<16xi1>, vector<16xi32>
    %gather3A_1007 = tpu.vector_load_idx %arg6[%select_n3A_1006] : memref<1001xf32, #tpu.memory_space<vmem>>[vector<16xi32>], vector<16xf32>,
    %swap3A_1008 = arith.constant 544 : index
    %swap3A_1009 = tpu.vector_load %arg7[%swap3A_1008] {strides = array<i32>} : memref<1024xf32, #tpu.memory_space<vmem>>, vector<16xf32>,
    tpu.vector_store %arg7[%swap3A_1008], %gather3A_1007 {strides = array<i32>} : memref<1024xf32, #tpu.memory_space<vmem>>, vector<16xf32>,
    %get3A_1010 = arith.constant 560 : index
    %get3A_1011 = tpu.vector_load %arg5[%get3A_1010] {strides = array<i32>} : memref<1024xf32, #tpu.memory_space<vmem>>, vector<16xf32>,
    %mul3A_1012 = arith.constant 1.000000e+03 : f32
    %mul3A_1013 = vector.broadcast %mul3A_1012 : f32 to vector<16xf32>
    %mul3A_1014 = arith.mulf %get3A_1011, %mul3A_1013 : vector<16xf32>
    %convert_element_type3A_1015 = arith.fptosi %mul3A_1014 : vector<16xf32> to vector<16xi32>
    %convert_element_type3A_1016 = arith.sitofp %convert_element_type3A_1015 : vector<16xi32> to vector<16xf32>
    %sub3A_1017 = arith.subf %mul3A_1014, %convert_element_type3A_1016 : vector<16xf32>
    %gt3A_1018 = arith.constant 5.000000e-01 : f32
    %gt3A_1019 = vector.broadcast %gt3A_1018 : f32 to vector<16xf32>
    %gt3A_1020 = arith.cmpf ogt, %sub3A_1017, %gt3A_1019 : vector<16xf32>
    %eq3A_1021 = arith.constant 5.000000e-01 : f32
    %eq3A_1022 = vector.broadcast %eq3A_1021 : f32 to vector<16xf32>
    %eq3A_1023 = arith.cmpf oeq, %sub3A_1017, %eq3A_1022 : vector<16xf32>
    %and3A_1024 = arith.constant 1 : i32
    %and3A_1025 = vector.broadcast %and3A_1024 : i32 to vector<16xi32>
    %and3A_1026 = arith.andi %convert_element_type3A_1015, %and3A_1025 : vector<16xi32>
    %eq3A_1027 = arith.constant 1 : i32
    %eq3A_1028 = vector.broadcast %eq3A_1027 : i32 to vector<16xi32>
    %eq3A_1029 = arith.cmpi eq, %and3A_1026, %eq3A_1028 : vector<16xi32>
    %and3A_1030 = arith.andi %eq3A_1023, %eq3A_1029 : vector<16xi1>
    %or3A_1031 = arith.ori %gt3A_1020, %and3A_1030 : vector<16xi1>
    %add3A_1032 = arith.constant 1 : i32
    %add3A_1033 = vector.broadcast %add3A_1032 : i32 to vector<16xi32>
    %add3A_1034 = arith.addi %convert_element_type3A_1015, %add3A_1033 : vector<16xi32>
    %select_n3A_1035 = arith.select %or3A_1031, %add3A_1034, %convert_element_type3A_1015 : vector<16xi1>, vector<16xi32>
    %gather3A_1036 = tpu.vector_load_idx %arg6[%select_n3A_1035] : memref<1001xf32, #tpu.memory_space<vmem>>[vector<16xi32>], vector<16xf32>,
    %swap3A_1037 = arith.constant 560 : index
    %swap3A_1038 = tpu.vector_load %arg7[%swap3A_1037] {strides = array<i32>} : memref<1024xf32, #tpu.memory_space<vmem>>, vector<16xf32>,
    tpu.vector_store %arg7[%swap3A_1037], %gather3A_1036 {strides = array<i32>} : memref<1024xf32, #tpu.memory_space<vmem>>, vector<16xf32>,
    %get3A_1039 = arith.constant 576 : index
    %get3A_1040 = tpu.vector_load %arg5[%get3A_1039] {strides = array<i32>} : memref<1024xf32, #tpu.memory_space<vmem>>, vector<16xf32>,
    %mul3A_1041 = arith.constant 1.000000e+03 : f32
    %mul3A_1042 = vector.broadcast %mul3A_1041 : f32 to vector<16xf32>
    %mul3A_1043 = arith.mulf %get3A_1040, %mul3A_1042 : vector<16xf32>
    %convert_element_type3A_1044 = arith.fptosi %mul3A_1043 : vector<16xf32> to vector<16xi32>
    %convert_element_type3A_1045 = arith.sitofp %convert_element_type3A_1044 : vector<16xi32> to vector<16xf32>
    %sub3A_1046 = arith.subf %mul3A_1043, %convert_element_type3A_1045 : vector<16xf32>
    %gt3A_1047 = arith.constant 5.000000e-01 : f32
    %gt3A_1048 = vector.broadcast %gt3A_1047 : f32 to vector<16xf32>
    %gt3A_1049 = arith.cmpf ogt, %sub3A_1046, %gt3A_1048 : vector<16xf32>
    %eq3A_1050 = arith.constant 5.000000e-01 : f32
    %eq3A_1051 = vector.broadcast %eq3A_1050 : f32 to vector<16xf32>
    %eq3A_1052 = arith.cmpf oeq, %sub3A_1046, %eq3A_1051 : vector<16xf32>
    %and3A_1053 = arith.constant 1 : i32
    %and3A_1054 = vector.broadcast %and3A_1053 : i32 to vector<16xi32>
    %and3A_1055 = arith.andi %convert_element_type3A_1044, %and3A_1054 : vector<16xi32>
    %eq3A_1056 = arith.constant 1 : i32
    %eq3A_1057 = vector.broadcast %eq3A_1056 : i32 to vector<16xi32>
    %eq3A_1058 = arith.cmpi eq, %and3A_1055, %eq3A_1057 : vector<16xi32>
    %and3A_1059 = arith.andi %eq3A_1052, %eq3A_1058 : vector<16xi1>
    %or3A_1060 = arith.ori %gt3A_1049, %and3A_1059 : vector<16xi1>
    %add3A_1061 = arith.constant 1 : i32
    %add3A_1062 = vector.broadcast %add3A_1061 : i32 to vector<16xi32>
    %add3A_1063 = arith.addi %convert_element_type3A_1044, %add3A_1062 : vector<16xi32>
    %select_n3A_1064 = arith.select %or3A_1060, %add3A_1063, %convert_element_type3A_1044 : vector<16xi1>, vector<16xi32>
    %gather3A_1065 = tpu.vector_load_idx %arg6[%select_n3A_1064] : memref<1001xf32, #tpu.memory_space<vmem>>[vector<16xi32>], vector<16xf32>,
    %swap3A_1066 = arith.constant 576 : index
    %swap3A_1067 = tpu.vector_load %arg7[%swap3A_1066] {strides = array<i32>} : memref<1024xf32, #tpu.memory_space<vmem>>, vector<16xf32>,
    tpu.vector_store %arg7[%swap3A_1066], %gather3A_1065 {strides = array<i32>} : memref<1024xf32, #tpu.memory_space<vmem>>, vector<16xf32>,
    %get3A_1068 = arith.constant 592 : index
    %get3A_1069 = tpu.vector_load %arg5[%get3A_1068] {strides = array<i32>} : memref<1024xf32, #tpu.memory_space<vmem>>, vector<16xf32>,
    %mul3A_1070 = arith.constant 1.000000e+03 : f32
    %mul3A_1071 = vector.broadcast %mul3A_1070 : f32 to vector<16xf32>
    %mul3A_1072 = arith.mulf %get3A_1069, %mul3A_1071 : vector<16xf32>
    %convert_element_type3A_1073 = arith.fptosi %mul3A_1072 : vector<16xf32> to vector<16xi32>
    %convert_element_type3A_1074 = arith.sitofp %convert_element_type3A_1073 : vector<16xi32> to vector<16xf32>
    %sub3A_1075 = arith.subf %mul3A_1072, %convert_element_type3A_1074 : vector<16xf32>
    %gt3A_1076 = arith.constant 5.000000e-01 : f32
    %gt3A_1077 = vector.broadcast %gt3A_1076 : f32 to vector<16xf32>
    %gt3A_1078 = arith.cmpf ogt, %sub3A_1075, %gt3A_1077 : vector<16xf32>
    %eq3A_1079 = arith.constant 5.000000e-01 : f32
    %eq3A_1080 = vector.broadcast %eq3A_1079 : f32 to vector<16xf32>
    %eq3A_1081 = arith.cmpf oeq, %sub3A_1075, %eq3A_1080 : vector<16xf32>
    %and3A_1082 = arith.constant 1 : i32
    %and3A_1083 = vector.broadcast %and3A_1082 : i32 to vector<16xi32>
    %and3A_1084 = arith.andi %convert_element_type3A_1073, %and3A_1083 : vector<16xi32>
    %eq3A_1085 = arith.constant 1 : i32
    %eq3A_1086 = vector.broadcast %eq3A_1085 : i32 to vector<16xi32>
    %eq3A_1087 = arith.cmpi eq, %and3A_1084, %eq3A_1086 : vector<16xi32>
    %and3A_1088 = arith.andi %eq3A_1081, %eq3A_1087 : vector<16xi1>
    %or3A_1089 = arith.ori %gt3A_1078, %and3A_1088 : vector<16xi1>
    %add3A_1090 = arith.constant 1 : i32
    %add3A_1091 = vector.broadcast %add3A_1090 : i32 to vector<16xi32>
    %add3A_1092 = arith.addi %convert_element_type3A_1073, %add3A_1091 : vector<16xi32>
    %select_n3A_1093 = arith.select %or3A_1089, %add3A_1092, %convert_element_type3A_1073 : vector<16xi1>, vector<16xi32>
    %gather3A_1094 = tpu.vector_load_idx %arg6[%select_n3A_1093] : memref<1001xf32, #tpu.memory_space<vmem>>[vector<16xi32>], vector<16xf32>,
    %swap3A_1095 = arith.constant 592 : index
    %swap3A_1096 = tpu.vector_load %arg7[%swap3A_1095] {strides = array<i32>} : memref<1024xf32, #tpu.memory_space<vmem>>, vector<16xf32>,
    tpu.vector_store %arg7[%swap3A_1095], %gather3A_1094 {strides = array<i32>} : memref<1024xf32, #tpu.memory_space<vmem>>, vector<16xf32>,
    %get3A_1097 = arith.constant 608 : index
    %get3A_1098 = tpu.vector_load %arg5[%get3A_1097] {strides = array<i32>} : memref<1024xf32, #tpu.memory_space<vmem>>, vector<16xf32>,
    %mul3A_1099 = arith.constant 1.000000e+03 : f32
    %mul3A_1100 = vector.broadcast %mul3A_1099 : f32 to vector<16xf32>
    %mul3A_1101 = arith.mulf %get3A_1098, %mul3A_1100 : vector<16xf32>
    %convert_element_type3A_1102 = arith.fptosi %mul3A_1101 : vector<16xf32> to vector<16xi32>
    %convert_element_type3A_1103 = arith.sitofp %convert_element_type3A_1102 : vector<16xi32> to vector<16xf32>
    %sub3A_1104 = arith.subf %mul3A_1101, %convert_element_type3A_1103 : vector<16xf32>
    %gt3A_1105 = arith.constant 5.000000e-01 : f32
    %gt3A_1106 = vector.broadcast %gt3A_1105 : f32 to vector<16xf32>
    %gt3A_1107 = arith.cmpf ogt, %sub3A_1104, %gt3A_1106 : vector<16xf32>
    %eq3A_1108 = arith.constant 5.000000e-01 : f32
    %eq3A_1109 = vector.broadcast %eq3A_1108 : f32 to vector<16xf32>
    %eq3A_1110 = arith.cmpf oeq, %sub3A_1104, %eq3A_1109 : vector<16xf32>
    %and3A_1111 = arith.constant 1 : i32
    %and3A_1112 = vector.broadcast %and3A_1111 : i32 to vector<16xi32>
    %and3A_1113 = arith.andi %convert_element_type3A_1102, %and3A_1112 : vector<16xi32>
    %eq3A_1114 = arith.constant 1 : i32
    %eq3A_1115 = vector.broadcast %eq3A_1114 : i32 to vector<16xi32>
    %eq3A_1116 = arith.cmpi eq, %and3A_1113, %eq3A_1115 : vector<16xi32>
    %and3A_1117 = arith.andi %eq3A_1110, %eq3A_1116 : vector<16xi1>
    %or3A_1118 = arith.ori %gt3A_1107, %and3A_1117 : vector<16xi1>
    %add3A_1119 = arith.constant 1 : i32
    %add3A_1120 = vector.broadcast %add3A_1119 : i32 to vector<16xi32>
    %add3A_1121 = arith.addi %convert_element_type3A_1102, %add3A_1120 : vector<16xi32>
    %select_n3A_1122 = arith.select %or3A_1118, %add3A_1121, %convert_element_type3A_1102 : vector<16xi1>, vector<16xi32>
    %gather3A_1123 = tpu.vector_load_idx %arg6[%select_n3A_1122] : memref<1001xf32, #tpu.memory_space<vmem>>[vector<16xi32>], vector<16xf32>,
    %swap3A_1124 = arith.constant 608 : index
    %swap3A_1125 = tpu.vector_load %arg7[%swap3A_1124] {strides = array<i32>} : memref<1024xf32, #tpu.memory_space<vmem>>, vector<16xf32>,
    tpu.vector_store %arg7[%swap3A_1124], %gather3A_1123 {strides = array<i32>} : memref<1024xf32, #tpu.memory_space<vmem>>, vector<16xf32>,
    %get3A_1126 = arith.constant 624 : index
    %get3A_1127 = tpu.vector_load %arg5[%get3A_1126] {strides = array<i32>} : memref<1024xf32, #tpu.memory_space<vmem>>, vector<16xf32>,
    %mul3A_1128 = arith.constant 1.000000e+03 : f32
    %mul3A_1129 = vector.broadcast %mul3A_1128 : f32 to vector<16xf32>
    %mul3A_1130 = arith.mulf %get3A_1127, %mul3A_1129 : vector<16xf32>
    %convert_element_type3A_1131 = arith.fptosi %mul3A_1130 : vector<16xf32> to vector<16xi32>
    %convert_element_type3A_1132 = arith.sitofp %convert_element_type3A_1131 : vector<16xi32> to vector<16xf32>
    %sub3A_1133 = arith.subf %mul3A_1130, %convert_element_type3A_1132 : vector<16xf32>
    %gt3A_1134 = arith.constant 5.000000e-01 : f32
    %gt3A_1135 = vector.broadcast %gt3A_1134 : f32 to vector<16xf32>
    %gt3A_1136 = arith.cmpf ogt, %sub3A_1133, %gt3A_1135 : vector<16xf32>
    %eq3A_1137 = arith.constant 5.000000e-01 : f32
    %eq3A_1138 = vector.broadcast %eq3A_1137 : f32 to vector<16xf32>
    %eq3A_1139 = arith.cmpf oeq, %sub3A_1133, %eq3A_1138 : vector<16xf32>
    %and3A_1140 = arith.constant 1 : i32
    %and3A_1141 = vector.broadcast %and3A_1140 : i32 to vector<16xi32>
    %and3A_1142 = arith.andi %convert_element_type3A_1131, %and3A_1141 : vector<16xi32>
    %eq3A_1143 = arith.constant 1 : i32
    %eq3A_1144 = vector.broadcast %eq3A_1143 : i32 to vector<16xi32>
    %eq3A_1145 = arith.cmpi eq, %and3A_1142, %eq3A_1144 : vector<16xi32>
    %and3A_1146 = arith.andi %eq3A_1139, %eq3A_1145 : vector<16xi1>
    %or3A_1147 = arith.ori %gt3A_1136, %and3A_1146 : vector<16xi1>
    %add3A_1148 = arith.constant 1 : i32
    %add3A_1149 = vector.broadcast %add3A_1148 : i32 to vector<16xi32>
    %add3A_1150 = arith.addi %convert_element_type3A_1131, %add3A_1149 : vector<16xi32>
    %select_n3A_1151 = arith.select %or3A_1147, %add3A_1150, %convert_element_type3A_1131 : vector<16xi1>, vector<16xi32>
    %gather3A_1152 = tpu.vector_load_idx %arg6[%select_n3A_1151] : memref<1001xf32, #tpu.memory_space<vmem>>[vector<16xi32>], vector<16xf32>,
    %swap3A_1153 = arith.constant 624 : index
    %swap3A_1154 = tpu.vector_load %arg7[%swap3A_1153] {strides = array<i32>} : memref<1024xf32, #tpu.memory_space<vmem>>, vector<16xf32>,
    tpu.vector_store %arg7[%swap3A_1153], %gather3A_1152 {strides = array<i32>} : memref<1024xf32, #tpu.memory_space<vmem>>, vector<16xf32>,
    %get3A_1155 = arith.constant 640 : index
    %get3A_1156 = tpu.vector_load %arg5[%get3A_1155] {strides = array<i32>} : memref<1024xf32, #tpu.memory_space<vmem>>, vector<16xf32>,
    %mul3A_1157 = arith.constant 1.000000e+03 : f32
    %mul3A_1158 = vector.broadcast %mul3A_1157 : f32 to vector<16xf32>
    %mul3A_1159 = arith.mulf %get3A_1156, %mul3A_1158 : vector<16xf32>
    %convert_element_type3A_1160 = arith.fptosi %mul3A_1159 : vector<16xf32> to vector<16xi32>
    %convert_element_type3A_1161 = arith.sitofp %convert_element_type3A_1160 : vector<16xi32> to vector<16xf32>
    %sub3A_1162 = arith.subf %mul3A_1159, %convert_element_type3A_1161 : vector<16xf32>
    %gt3A_1163 = arith.constant 5.000000e-01 : f32
    %gt3A_1164 = vector.broadcast %gt3A_1163 : f32 to vector<16xf32>
    %gt3A_1165 = arith.cmpf ogt, %sub3A_1162, %gt3A_1164 : vector<16xf32>
    %eq3A_1166 = arith.constant 5.000000e-01 : f32
    %eq3A_1167 = vector.broadcast %eq3A_1166 : f32 to vector<16xf32>
    %eq3A_1168 = arith.cmpf oeq, %sub3A_1162, %eq3A_1167 : vector<16xf32>
    %and3A_1169 = arith.constant 1 : i32
    %and3A_1170 = vector.broadcast %and3A_1169 : i32 to vector<16xi32>
    %and3A_1171 = arith.andi %convert_element_type3A_1160, %and3A_1170 : vector<16xi32>
    %eq3A_1172 = arith.constant 1 : i32
    %eq3A_1173 = vector.broadcast %eq3A_1172 : i32 to vector<16xi32>
    %eq3A_1174 = arith.cmpi eq, %and3A_1171, %eq3A_1173 : vector<16xi32>
    %and3A_1175 = arith.andi %eq3A_1168, %eq3A_1174 : vector<16xi1>
    %or3A_1176 = arith.ori %gt3A_1165, %and3A_1175 : vector<16xi1>
    %add3A_1177 = arith.constant 1 : i32
    %add3A_1178 = vector.broadcast %add3A_1177 : i32 to vector<16xi32>
    %add3A_1179 = arith.addi %convert_element_type3A_1160, %add3A_1178 : vector<16xi32>
    %select_n3A_1180 = arith.select %or3A_1176, %add3A_1179, %convert_element_type3A_1160 : vector<16xi1>, vector<16xi32>
    %gather3A_1181 = tpu.vector_load_idx %arg6[%select_n3A_1180] : memref<1001xf32, #tpu.memory_space<vmem>>[vector<16xi32>], vector<16xf32>,
    %swap3A_1182 = arith.constant 640 : index
    %swap3A_1183 = tpu.vector_load %arg7[%swap3A_1182] {strides = array<i32>} : memref<1024xf32, #tpu.memory_space<vmem>>, vector<16xf32>,
    tpu.vector_store %arg7[%swap3A_1182], %gather3A_1181 {strides = array<i32>} : memref<1024xf32, #tpu.memory_space<vmem>>, vector<16xf32>,
    %get3A_1184 = arith.constant 656 : index
    %get3A_1185 = tpu.vector_load %arg5[%get3A_1184] {strides = array<i32>} : memref<1024xf32, #tpu.memory_space<vmem>>, vector<16xf32>,
    %mul3A_1186 = arith.constant 1.000000e+03 : f32
    %mul3A_1187 = vector.broadcast %mul3A_1186 : f32 to vector<16xf32>
    %mul3A_1188 = arith.mulf %get3A_1185, %mul3A_1187 : vector<16xf32>
    %convert_element_type3A_1189 = arith.fptosi %mul3A_1188 : vector<16xf32> to vector<16xi32>
    %convert_element_type3A_1190 = arith.sitofp %convert_element_type3A_1189 : vector<16xi32> to vector<16xf32>
    %sub3A_1191 = arith.subf %mul3A_1188, %convert_element_type3A_1190 : vector<16xf32>
    %gt3A_1192 = arith.constant 5.000000e-01 : f32
    %gt3A_1193 = vector.broadcast %gt3A_1192 : f32 to vector<16xf32>
    %gt3A_1194 = arith.cmpf ogt, %sub3A_1191, %gt3A_1193 : vector<16xf32>
    %eq3A_1195 = arith.constant 5.000000e-01 : f32
    %eq3A_1196 = vector.broadcast %eq3A_1195 : f32 to vector<16xf32>
    %eq3A_1197 = arith.cmpf oeq, %sub3A_1191, %eq3A_1196 : vector<16xf32>
    %and3A_1198 = arith.constant 1 : i32
    %and3A_1199 = vector.broadcast %and3A_1198 : i32 to vector<16xi32>
    %and3A_1200 = arith.andi %convert_element_type3A_1189, %and3A_1199 : vector<16xi32>
    %eq3A_1201 = arith.constant 1 : i32
    %eq3A_1202 = vector.broadcast %eq3A_1201 : i32 to vector<16xi32>
    %eq3A_1203 = arith.cmpi eq, %and3A_1200, %eq3A_1202 : vector<16xi32>
    %and3A_1204 = arith.andi %eq3A_1197, %eq3A_1203 : vector<16xi1>
    %or3A_1205 = arith.ori %gt3A_1194, %and3A_1204 : vector<16xi1>
    %add3A_1206 = arith.constant 1 : i32
    %add3A_1207 = vector.broadcast %add3A_1206 : i32 to vector<16xi32>
    %add3A_1208 = arith.addi %convert_element_type3A_1189, %add3A_1207 : vector<16xi32>
    %select_n3A_1209 = arith.select %or3A_1205, %add3A_1208, %convert_element_type3A_1189 : vector<16xi1>, vector<16xi32>
    %gather3A_1210 = tpu.vector_load_idx %arg6[%select_n3A_1209] : memref<1001xf32, #tpu.memory_space<vmem>>[vector<16xi32>], vector<16xf32>,
    %swap3A_1211 = arith.constant 656 : index
    %swap3A_1212 = tpu.vector_load %arg7[%swap3A_1211] {strides = array<i32>} : memref<1024xf32, #tpu.memory_space<vmem>>, vector<16xf32>,
    tpu.vector_store %arg7[%swap3A_1211], %gather3A_1210 {strides = array<i32>} : memref<1024xf32, #tpu.memory_space<vmem>>, vector<16xf32>,
    %get3A_1213 = arith.constant 672 : index
    %get3A_1214 = tpu.vector_load %arg5[%get3A_1213] {strides = array<i32>} : memref<1024xf32, #tpu.memory_space<vmem>>, vector<16xf32>,
    %mul3A_1215 = arith.constant 1.000000e+03 : f32
    %mul3A_1216 = vector.broadcast %mul3A_1215 : f32 to vector<16xf32>
    %mul3A_1217 = arith.mulf %get3A_1214, %mul3A_1216 : vector<16xf32>
    %convert_element_type3A_1218 = arith.fptosi %mul3A_1217 : vector<16xf32> to vector<16xi32>
    %convert_element_type3A_1219 = arith.sitofp %convert_element_type3A_1218 : vector<16xi32> to vector<16xf32>
    %sub3A_1220 = arith.subf %mul3A_1217, %convert_element_type3A_1219 : vector<16xf32>
    %gt3A_1221 = arith.constant 5.000000e-01 : f32
    %gt3A_1222 = vector.broadcast %gt3A_1221 : f32 to vector<16xf32>
    %gt3A_1223 = arith.cmpf ogt, %sub3A_1220, %gt3A_1222 : vector<16xf32>
    %eq3A_1224 = arith.constant 5.000000e-01 : f32
    %eq3A_1225 = vector.broadcast %eq3A_1224 : f32 to vector<16xf32>
    %eq3A_1226 = arith.cmpf oeq, %sub3A_1220, %eq3A_1225 : vector<16xf32>
    %and3A_1227 = arith.constant 1 : i32
    %and3A_1228 = vector.broadcast %and3A_1227 : i32 to vector<16xi32>
    %and3A_1229 = arith.andi %convert_element_type3A_1218, %and3A_1228 : vector<16xi32>
    %eq3A_1230 = arith.constant 1 : i32
    %eq3A_1231 = vector.broadcast %eq3A_1230 : i32 to vector<16xi32>
    %eq3A_1232 = arith.cmpi eq, %and3A_1229, %eq3A_1231 : vector<16xi32>
    %and3A_1233 = arith.andi %eq3A_1226, %eq3A_1232 : vector<16xi1>
    %or3A_1234 = arith.ori %gt3A_1223, %and3A_1233 : vector<16xi1>
    %add3A_1235 = arith.constant 1 : i32
    %add3A_1236 = vector.broadcast %add3A_1235 : i32 to vector<16xi32>
    %add3A_1237 = arith.addi %convert_element_type3A_1218, %add3A_1236 : vector<16xi32>
    %select_n3A_1238 = arith.select %or3A_1234, %add3A_1237, %convert_element_type3A_1218 : vector<16xi1>, vector<16xi32>
    %gather3A_1239 = tpu.vector_load_idx %arg6[%select_n3A_1238] : memref<1001xf32, #tpu.memory_space<vmem>>[vector<16xi32>], vector<16xf32>,
    %swap3A_1240 = arith.constant 672 : index
    %swap3A_1241 = tpu.vector_load %arg7[%swap3A_1240] {strides = array<i32>} : memref<1024xf32, #tpu.memory_space<vmem>>, vector<16xf32>,
    tpu.vector_store %arg7[%swap3A_1240], %gather3A_1239 {strides = array<i32>} : memref<1024xf32, #tpu.memory_space<vmem>>, vector<16xf32>,
    %get3A_1242 = arith.constant 688 : index
    %get3A_1243 = tpu.vector_load %arg5[%get3A_1242] {strides = array<i32>} : memref<1024xf32, #tpu.memory_space<vmem>>, vector<16xf32>,
    %mul3A_1244 = arith.constant 1.000000e+03 : f32
    %mul3A_1245 = vector.broadcast %mul3A_1244 : f32 to vector<16xf32>
    %mul3A_1246 = arith.mulf %get3A_1243, %mul3A_1245 : vector<16xf32>
    %convert_element_type3A_1247 = arith.fptosi %mul3A_1246 : vector<16xf32> to vector<16xi32>
    %convert_element_type3A_1248 = arith.sitofp %convert_element_type3A_1247 : vector<16xi32> to vector<16xf32>
    %sub3A_1249 = arith.subf %mul3A_1246, %convert_element_type3A_1248 : vector<16xf32>
    %gt3A_1250 = arith.constant 5.000000e-01 : f32
    %gt3A_1251 = vector.broadcast %gt3A_1250 : f32 to vector<16xf32>
    %gt3A_1252 = arith.cmpf ogt, %sub3A_1249, %gt3A_1251 : vector<16xf32>
    %eq3A_1253 = arith.constant 5.000000e-01 : f32
    %eq3A_1254 = vector.broadcast %eq3A_1253 : f32 to vector<16xf32>
    %eq3A_1255 = arith.cmpf oeq, %sub3A_1249, %eq3A_1254 : vector<16xf32>
    %and3A_1256 = arith.constant 1 : i32
    %and3A_1257 = vector.broadcast %and3A_1256 : i32 to vector<16xi32>
    %and3A_1258 = arith.andi %convert_element_type3A_1247, %and3A_1257 : vector<16xi32>
    %eq3A_1259 = arith.constant 1 : i32
    %eq3A_1260 = vector.broadcast %eq3A_1259 : i32 to vector<16xi32>
    %eq3A_1261 = arith.cmpi eq, %and3A_1258, %eq3A_1260 : vector<16xi32>
    %and3A_1262 = arith.andi %eq3A_1255, %eq3A_1261 : vector<16xi1>
    %or3A_1263 = arith.ori %gt3A_1252, %and3A_1262 : vector<16xi1>
    %add3A_1264 = arith.constant 1 : i32
    %add3A_1265 = vector.broadcast %add3A_1264 : i32 to vector<16xi32>
    %add3A_1266 = arith.addi %convert_element_type3A_1247, %add3A_1265 : vector<16xi32>
    %select_n3A_1267 = arith.select %or3A_1263, %add3A_1266, %convert_element_type3A_1247 : vector<16xi1>, vector<16xi32>
    %gather3A_1268 = tpu.vector_load_idx %arg6[%select_n3A_1267] : memref<1001xf32, #tpu.memory_space<vmem>>[vector<16xi32>], vector<16xf32>,
    %swap3A_1269 = arith.constant 688 : index
    %swap3A_1270 = tpu.vector_load %arg7[%swap3A_1269] {strides = array<i32>} : memref<1024xf32, #tpu.memory_space<vmem>>, vector<16xf32>,
    tpu.vector_store %arg7[%swap3A_1269], %gather3A_1268 {strides = array<i32>} : memref<1024xf32, #tpu.memory_space<vmem>>, vector<16xf32>,
    %get3A_1271 = arith.constant 704 : index
    %get3A_1272 = tpu.vector_load %arg5[%get3A_1271] {strides = array<i32>} : memref<1024xf32, #tpu.memory_space<vmem>>, vector<16xf32>,
    %mul3A_1273 = arith.constant 1.000000e+03 : f32
    %mul3A_1274 = vector.broadcast %mul3A_1273 : f32 to vector<16xf32>
    %mul3A_1275 = arith.mulf %get3A_1272, %mul3A_1274 : vector<16xf32>
    %convert_element_type3A_1276 = arith.fptosi %mul3A_1275 : vector<16xf32> to vector<16xi32>
    %convert_element_type3A_1277 = arith.sitofp %convert_element_type3A_1276 : vector<16xi32> to vector<16xf32>
    %sub3A_1278 = arith.subf %mul3A_1275, %convert_element_type3A_1277 : vector<16xf32>
    %gt3A_1279 = arith.constant 5.000000e-01 : f32
    %gt3A_1280 = vector.broadcast %gt3A_1279 : f32 to vector<16xf32>
    %gt3A_1281 = arith.cmpf ogt, %sub3A_1278, %gt3A_1280 : vector<16xf32>
    %eq3A_1282 = arith.constant 5.000000e-01 : f32
    %eq3A_1283 = vector.broadcast %eq3A_1282 : f32 to vector<16xf32>
    %eq3A_1284 = arith.cmpf oeq, %sub3A_1278, %eq3A_1283 : vector<16xf32>
    %and3A_1285 = arith.constant 1 : i32
    %and3A_1286 = vector.broadcast %and3A_1285 : i32 to vector<16xi32>
    %and3A_1287 = arith.andi %convert_element_type3A_1276, %and3A_1286 : vector<16xi32>
    %eq3A_1288 = arith.constant 1 : i32
    %eq3A_1289 = vector.broadcast %eq3A_1288 : i32 to vector<16xi32>
    %eq3A_1290 = arith.cmpi eq, %and3A_1287, %eq3A_1289 : vector<16xi32>
    %and3A_1291 = arith.andi %eq3A_1284, %eq3A_1290 : vector<16xi1>
    %or3A_1292 = arith.ori %gt3A_1281, %and3A_1291 : vector<16xi1>
    %add3A_1293 = arith.constant 1 : i32
    %add3A_1294 = vector.broadcast %add3A_1293 : i32 to vector<16xi32>
    %add3A_1295 = arith.addi %convert_element_type3A_1276, %add3A_1294 : vector<16xi32>
    %select_n3A_1296 = arith.select %or3A_1292, %add3A_1295, %convert_element_type3A_1276 : vector<16xi1>, vector<16xi32>
    %gather3A_1297 = tpu.vector_load_idx %arg6[%select_n3A_1296] : memref<1001xf32, #tpu.memory_space<vmem>>[vector<16xi32>], vector<16xf32>,
    %swap3A_1298 = arith.constant 704 : index
    %swap3A_1299 = tpu.vector_load %arg7[%swap3A_1298] {strides = array<i32>} : memref<1024xf32, #tpu.memory_space<vmem>>, vector<16xf32>,
    tpu.vector_store %arg7[%swap3A_1298], %gather3A_1297 {strides = array<i32>} : memref<1024xf32, #tpu.memory_space<vmem>>, vector<16xf32>,
    %get3A_1300 = arith.constant 720 : index
    %get3A_1301 = tpu.vector_load %arg5[%get3A_1300] {strides = array<i32>} : memref<1024xf32, #tpu.memory_space<vmem>>, vector<16xf32>,
    %mul3A_1302 = arith.constant 1.000000e+03 : f32
    %mul3A_1303 = vector.broadcast %mul3A_1302 : f32 to vector<16xf32>
    %mul3A_1304 = arith.mulf %get3A_1301, %mul3A_1303 : vector<16xf32>
    %convert_element_type3A_1305 = arith.fptosi %mul3A_1304 : vector<16xf32> to vector<16xi32>
    %convert_element_type3A_1306 = arith.sitofp %convert_element_type3A_1305 : vector<16xi32> to vector<16xf32>
    %sub3A_1307 = arith.subf %mul3A_1304, %convert_element_type3A_1306 : vector<16xf32>
    %gt3A_1308 = arith.constant 5.000000e-01 : f32
    %gt3A_1309 = vector.broadcast %gt3A_1308 : f32 to vector<16xf32>
    %gt3A_1310 = arith.cmpf ogt, %sub3A_1307, %gt3A_1309 : vector<16xf32>
    %eq3A_1311 = arith.constant 5.000000e-01 : f32
    %eq3A_1312 = vector.broadcast %eq3A_1311 : f32 to vector<16xf32>
    %eq3A_1313 = arith.cmpf oeq, %sub3A_1307, %eq3A_1312 : vector<16xf32>
    %and3A_1314 = arith.constant 1 : i32
    %and3A_1315 = vector.broadcast %and3A_1314 : i32 to vector<16xi32>
    %and3A_1316 = arith.andi %convert_element_type3A_1305, %and3A_1315 : vector<16xi32>
    %eq3A_1317 = arith.constant 1 : i32
    %eq3A_1318 = vector.broadcast %eq3A_1317 : i32 to vector<16xi32>
    %eq3A_1319 = arith.cmpi eq, %and3A_1316, %eq3A_1318 : vector<16xi32>
    %and3A_1320 = arith.andi %eq3A_1313, %eq3A_1319 : vector<16xi1>
    %or3A_1321 = arith.ori %gt3A_1310, %and3A_1320 : vector<16xi1>
    %add3A_1322 = arith.constant 1 : i32
    %add3A_1323 = vector.broadcast %add3A_1322 : i32 to vector<16xi32>
    %add3A_1324 = arith.addi %convert_element_type3A_1305, %add3A_1323 : vector<16xi32>
    %select_n3A_1325 = arith.select %or3A_1321, %add3A_1324, %convert_element_type3A_1305 : vector<16xi1>, vector<16xi32>
    %gather3A_1326 = tpu.vector_load_idx %arg6[%select_n3A_1325] : memref<1001xf32, #tpu.memory_space<vmem>>[vector<16xi32>], vector<16xf32>,
    %swap3A_1327 = arith.constant 720 : index
    %swap3A_1328 = tpu.vector_load %arg7[%swap3A_1327] {strides = array<i32>} : memref<1024xf32, #tpu.memory_space<vmem>>, vector<16xf32>,
    tpu.vector_store %arg7[%swap3A_1327], %gather3A_1326 {strides = array<i32>} : memref<1024xf32, #tpu.memory_space<vmem>>, vector<16xf32>,
    %get3A_1329 = arith.constant 736 : index
    %get3A_1330 = tpu.vector_load %arg5[%get3A_1329] {strides = array<i32>} : memref<1024xf32, #tpu.memory_space<vmem>>, vector<16xf32>,
    %mul3A_1331 = arith.constant 1.000000e+03 : f32
    %mul3A_1332 = vector.broadcast %mul3A_1331 : f32 to vector<16xf32>
    %mul3A_1333 = arith.mulf %get3A_1330, %mul3A_1332 : vector<16xf32>
    %convert_element_type3A_1334 = arith.fptosi %mul3A_1333 : vector<16xf32> to vector<16xi32>
    %convert_element_type3A_1335 = arith.sitofp %convert_element_type3A_1334 : vector<16xi32> to vector<16xf32>
    %sub3A_1336 = arith.subf %mul3A_1333, %convert_element_type3A_1335 : vector<16xf32>
    %gt3A_1337 = arith.constant 5.000000e-01 : f32
    %gt3A_1338 = vector.broadcast %gt3A_1337 : f32 to vector<16xf32>
    %gt3A_1339 = arith.cmpf ogt, %sub3A_1336, %gt3A_1338 : vector<16xf32>
    %eq3A_1340 = arith.constant 5.000000e-01 : f32
    %eq3A_1341 = vector.broadcast %eq3A_1340 : f32 to vector<16xf32>
    %eq3A_1342 = arith.cmpf oeq, %sub3A_1336, %eq3A_1341 : vector<16xf32>
    %and3A_1343 = arith.constant 1 : i32
    %and3A_1344 = vector.broadcast %and3A_1343 : i32 to vector<16xi32>
    %and3A_1345 = arith.andi %convert_element_type3A_1334, %and3A_1344 : vector<16xi32>
    %eq3A_1346 = arith.constant 1 : i32
    %eq3A_1347 = vector.broadcast %eq3A_1346 : i32 to vector<16xi32>
    %eq3A_1348 = arith.cmpi eq, %and3A_1345, %eq3A_1347 : vector<16xi32>
    %and3A_1349 = arith.andi %eq3A_1342, %eq3A_1348 : vector<16xi1>
    %or3A_1350 = arith.ori %gt3A_1339, %and3A_1349 : vector<16xi1>
    %add3A_1351 = arith.constant 1 : i32
    %add3A_1352 = vector.broadcast %add3A_1351 : i32 to vector<16xi32>
    %add3A_1353 = arith.addi %convert_element_type3A_1334, %add3A_1352 : vector<16xi32>
    %select_n3A_1354 = arith.select %or3A_1350, %add3A_1353, %convert_element_type3A_1334 : vector<16xi1>, vector<16xi32>
    %gather3A_1355 = tpu.vector_load_idx %arg6[%select_n3A_1354] : memref<1001xf32, #tpu.memory_space<vmem>>[vector<16xi32>], vector<16xf32>,
    %swap3A_1356 = arith.constant 736 : index
    %swap3A_1357 = tpu.vector_load %arg7[%swap3A_1356] {strides = array<i32>} : memref<1024xf32, #tpu.memory_space<vmem>>, vector<16xf32>,
    tpu.vector_store %arg7[%swap3A_1356], %gather3A_1355 {strides = array<i32>} : memref<1024xf32, #tpu.memory_space<vmem>>, vector<16xf32>,
    %get3A_1358 = arith.constant 752 : index
    %get3A_1359 = tpu.vector_load %arg5[%get3A_1358] {strides = array<i32>} : memref<1024xf32, #tpu.memory_space<vmem>>, vector<16xf32>,
    %mul3A_1360 = arith.constant 1.000000e+03 : f32
    %mul3A_1361 = vector.broadcast %mul3A_1360 : f32 to vector<16xf32>
    %mul3A_1362 = arith.mulf %get3A_1359, %mul3A_1361 : vector<16xf32>
    %convert_element_type3A_1363 = arith.fptosi %mul3A_1362 : vector<16xf32> to vector<16xi32>
    %convert_element_type3A_1364 = arith.sitofp %convert_element_type3A_1363 : vector<16xi32> to vector<16xf32>
    %sub3A_1365 = arith.subf %mul3A_1362, %convert_element_type3A_1364 : vector<16xf32>
    %gt3A_1366 = arith.constant 5.000000e-01 : f32
    %gt3A_1367 = vector.broadcast %gt3A_1366 : f32 to vector<16xf32>
    %gt3A_1368 = arith.cmpf ogt, %sub3A_1365, %gt3A_1367 : vector<16xf32>
    %eq3A_1369 = arith.constant 5.000000e-01 : f32
    %eq3A_1370 = vector.broadcast %eq3A_1369 : f32 to vector<16xf32>
    %eq3A_1371 = arith.cmpf oeq, %sub3A_1365, %eq3A_1370 : vector<16xf32>
    %and3A_1372 = arith.constant 1 : i32
    %and3A_1373 = vector.broadcast %and3A_1372 : i32 to vector<16xi32>
    %and3A_1374 = arith.andi %convert_element_type3A_1363, %and3A_1373 : vector<16xi32>
    %eq3A_1375 = arith.constant 1 : i32
    %eq3A_1376 = vector.broadcast %eq3A_1375 : i32 to vector<16xi32>
    %eq3A_1377 = arith.cmpi eq, %and3A_1374, %eq3A_1376 : vector<16xi32>
    %and3A_1378 = arith.andi %eq3A_1371, %eq3A_1377 : vector<16xi1>
    %or3A_1379 = arith.ori %gt3A_1368, %and3A_1378 : vector<16xi1>
    %add3A_1380 = arith.constant 1 : i32
    %add3A_1381 = vector.broadcast %add3A_1380 : i32 to vector<16xi32>
    %add3A_1382 = arith.addi %convert_element_type3A_1363, %add3A_1381 : vector<16xi32>
    %select_n3A_1383 = arith.select %or3A_1379, %add3A_1382, %convert_element_type3A_1363 : vector<16xi1>, vector<16xi32>
    %gather3A_1384 = tpu.vector_load_idx %arg6[%select_n3A_1383] : memref<1001xf32, #tpu.memory_space<vmem>>[vector<16xi32>], vector<16xf32>,
    %swap3A_1385 = arith.constant 752 : index
    %swap3A_1386 = tpu.vector_load %arg7[%swap3A_1385] {strides = array<i32>} : memref<1024xf32, #tpu.memory_space<vmem>>, vector<16xf32>,
    tpu.vector_store %arg7[%swap3A_1385], %gather3A_1384 {strides = array<i32>} : memref<1024xf32, #tpu.memory_space<vmem>>, vector<16xf32>,
    %get3A_1387 = arith.constant 768 : index
    %get3A_1388 = tpu.vector_load %arg5[%get3A_1387] {strides = array<i32>} : memref<1024xf32, #tpu.memory_space<vmem>>, vector<16xf32>,
    %mul3A_1389 = arith.constant 1.000000e+03 : f32
    %mul3A_1390 = vector.broadcast %mul3A_1389 : f32 to vector<16xf32>
    %mul3A_1391 = arith.mulf %get3A_1388, %mul3A_1390 : vector<16xf32>
    %convert_element_type3A_1392 = arith.fptosi %mul3A_1391 : vector<16xf32> to vector<16xi32>
    %convert_element_type3A_1393 = arith.sitofp %convert_element_type3A_1392 : vector<16xi32> to vector<16xf32>
    %sub3A_1394 = arith.subf %mul3A_1391, %convert_element_type3A_1393 : vector<16xf32>
    %gt3A_1395 = arith.constant 5.000000e-01 : f32
    %gt3A_1396 = vector.broadcast %gt3A_1395 : f32 to vector<16xf32>
    %gt3A_1397 = arith.cmpf ogt, %sub3A_1394, %gt3A_1396 : vector<16xf32>
    %eq3A_1398 = arith.constant 5.000000e-01 : f32
    %eq3A_1399 = vector.broadcast %eq3A_1398 : f32 to vector<16xf32>
    %eq3A_1400 = arith.cmpf oeq, %sub3A_1394, %eq3A_1399 : vector<16xf32>
    %and3A_1401 = arith.constant 1 : i32
    %and3A_1402 = vector.broadcast %and3A_1401 : i32 to vector<16xi32>
    %and3A_1403 = arith.andi %convert_element_type3A_1392, %and3A_1402 : vector<16xi32>
    %eq3A_1404 = arith.constant 1 : i32
    %eq3A_1405 = vector.broadcast %eq3A_1404 : i32 to vector<16xi32>
    %eq3A_1406 = arith.cmpi eq, %and3A_1403, %eq3A_1405 : vector<16xi32>
    %and3A_1407 = arith.andi %eq3A_1400, %eq3A_1406 : vector<16xi1>
    %or3A_1408 = arith.ori %gt3A_1397, %and3A_1407 : vector<16xi1>
    %add3A_1409 = arith.constant 1 : i32
    %add3A_1410 = vector.broadcast %add3A_1409 : i32 to vector<16xi32>
    %add3A_1411 = arith.addi %convert_element_type3A_1392, %add3A_1410 : vector<16xi32>
    %select_n3A_1412 = arith.select %or3A_1408, %add3A_1411, %convert_element_type3A_1392 : vector<16xi1>, vector<16xi32>
    %gather3A_1413 = tpu.vector_load_idx %arg6[%select_n3A_1412] : memref<1001xf32, #tpu.memory_space<vmem>>[vector<16xi32>], vector<16xf32>,
    %swap3A_1414 = arith.constant 768 : index
    %swap3A_1415 = tpu.vector_load %arg7[%swap3A_1414] {strides = array<i32>} : memref<1024xf32, #tpu.memory_space<vmem>>, vector<16xf32>,
    tpu.vector_store %arg7[%swap3A_1414], %gather3A_1413 {strides = array<i32>} : memref<1024xf32, #tpu.memory_space<vmem>>, vector<16xf32>,
    %get3A_1416 = arith.constant 784 : index
    %get3A_1417 = tpu.vector_load %arg5[%get3A_1416] {strides = array<i32>} : memref<1024xf32, #tpu.memory_space<vmem>>, vector<16xf32>,
    %mul3A_1418 = arith.constant 1.000000e+03 : f32
    %mul3A_1419 = vector.broadcast %mul3A_1418 : f32 to vector<16xf32>
    %mul3A_1420 = arith.mulf %get3A_1417, %mul3A_1419 : vector<16xf32>
    %convert_element_type3A_1421 = arith.fptosi %mul3A_1420 : vector<16xf32> to vector<16xi32>
    %convert_element_type3A_1422 = arith.sitofp %convert_element_type3A_1421 : vector<16xi32> to vector<16xf32>
    %sub3A_1423 = arith.subf %mul3A_1420, %convert_element_type3A_1422 : vector<16xf32>
    %gt3A_1424 = arith.constant 5.000000e-01 : f32
    %gt3A_1425 = vector.broadcast %gt3A_1424 : f32 to vector<16xf32>
    %gt3A_1426 = arith.cmpf ogt, %sub3A_1423, %gt3A_1425 : vector<16xf32>
    %eq3A_1427 = arith.constant 5.000000e-01 : f32
    %eq3A_1428 = vector.broadcast %eq3A_1427 : f32 to vector<16xf32>
    %eq3A_1429 = arith.cmpf oeq, %sub3A_1423, %eq3A_1428 : vector<16xf32>
    %and3A_1430 = arith.constant 1 : i32
    %and3A_1431 = vector.broadcast %and3A_1430 : i32 to vector<16xi32>
    %and3A_1432 = arith.andi %convert_element_type3A_1421, %and3A_1431 : vector<16xi32>
    %eq3A_1433 = arith.constant 1 : i32
    %eq3A_1434 = vector.broadcast %eq3A_1433 : i32 to vector<16xi32>
    %eq3A_1435 = arith.cmpi eq, %and3A_1432, %eq3A_1434 : vector<16xi32>
    %and3A_1436 = arith.andi %eq3A_1429, %eq3A_1435 : vector<16xi1>
    %or3A_1437 = arith.ori %gt3A_1426, %and3A_1436 : vector<16xi1>
    %add3A_1438 = arith.constant 1 : i32
    %add3A_1439 = vector.broadcast %add3A_1438 : i32 to vector<16xi32>
    %add3A_1440 = arith.addi %convert_element_type3A_1421, %add3A_1439 : vector<16xi32>
    %select_n3A_1441 = arith.select %or3A_1437, %add3A_1440, %convert_element_type3A_1421 : vector<16xi1>, vector<16xi32>
    %gather3A_1442 = tpu.vector_load_idx %arg6[%select_n3A_1441] : memref<1001xf32, #tpu.memory_space<vmem>>[vector<16xi32>], vector<16xf32>,
    %swap3A_1443 = arith.constant 784 : index
    %swap3A_1444 = tpu.vector_load %arg7[%swap3A_1443] {strides = array<i32>} : memref<1024xf32, #tpu.memory_space<vmem>>, vector<16xf32>,
    tpu.vector_store %arg7[%swap3A_1443], %gather3A_1442 {strides = array<i32>} : memref<1024xf32, #tpu.memory_space<vmem>>, vector<16xf32>,
    %get3A_1445 = arith.constant 800 : index
    %get3A_1446 = tpu.vector_load %arg5[%get3A_1445] {strides = array<i32>} : memref<1024xf32, #tpu.memory_space<vmem>>, vector<16xf32>,
    %mul3A_1447 = arith.constant 1.000000e+03 : f32
    %mul3A_1448 = vector.broadcast %mul3A_1447 : f32 to vector<16xf32>
    %mul3A_1449 = arith.mulf %get3A_1446, %mul3A_1448 : vector<16xf32>
    %convert_element_type3A_1450 = arith.fptosi %mul3A_1449 : vector<16xf32> to vector<16xi32>
    %convert_element_type3A_1451 = arith.sitofp %convert_element_type3A_1450 : vector<16xi32> to vector<16xf32>
    %sub3A_1452 = arith.subf %mul3A_1449, %convert_element_type3A_1451 : vector<16xf32>
    %gt3A_1453 = arith.constant 5.000000e-01 : f32
    %gt3A_1454 = vector.broadcast %gt3A_1453 : f32 to vector<16xf32>
    %gt3A_1455 = arith.cmpf ogt, %sub3A_1452, %gt3A_1454 : vector<16xf32>
    %eq3A_1456 = arith.constant 5.000000e-01 : f32
    %eq3A_1457 = vector.broadcast %eq3A_1456 : f32 to vector<16xf32>
    %eq3A_1458 = arith.cmpf oeq, %sub3A_1452, %eq3A_1457 : vector<16xf32>
    %and3A_1459 = arith.constant 1 : i32
    %and3A_1460 = vector.broadcast %and3A_1459 : i32 to vector<16xi32>
    %and3A_1461 = arith.andi %convert_element_type3A_1450, %and3A_1460 : vector<16xi32>
    %eq3A_1462 = arith.constant 1 : i32
    %eq3A_1463 = vector.broadcast %eq3A_1462 : i32 to vector<16xi32>
    %eq3A_1464 = arith.cmpi eq, %and3A_1461, %eq3A_1463 : vector<16xi32>
    %and3A_1465 = arith.andi %eq3A_1458, %eq3A_1464 : vector<16xi1>
    %or3A_1466 = arith.ori %gt3A_1455, %and3A_1465 : vector<16xi1>
    %add3A_1467 = arith.constant 1 : i32
    %add3A_1468 = vector.broadcast %add3A_1467 : i32 to vector<16xi32>
    %add3A_1469 = arith.addi %convert_element_type3A_1450, %add3A_1468 : vector<16xi32>
    %select_n3A_1470 = arith.select %or3A_1466, %add3A_1469, %convert_element_type3A_1450 : vector<16xi1>, vector<16xi32>
    %gather3A_1471 = tpu.vector_load_idx %arg6[%select_n3A_1470] : memref<1001xf32, #tpu.memory_space<vmem>>[vector<16xi32>], vector<16xf32>,
    %swap3A_1472 = arith.constant 800 : index
    %swap3A_1473 = tpu.vector_load %arg7[%swap3A_1472] {strides = array<i32>} : memref<1024xf32, #tpu.memory_space<vmem>>, vector<16xf32>,
    tpu.vector_store %arg7[%swap3A_1472], %gather3A_1471 {strides = array<i32>} : memref<1024xf32, #tpu.memory_space<vmem>>, vector<16xf32>,
    %get3A_1474 = arith.constant 816 : index
    %get3A_1475 = tpu.vector_load %arg5[%get3A_1474] {strides = array<i32>} : memref<1024xf32, #tpu.memory_space<vmem>>, vector<16xf32>,
    %mul3A_1476 = arith.constant 1.000000e+03 : f32
    %mul3A_1477 = vector.broadcast %mul3A_1476 : f32 to vector<16xf32>
    %mul3A_1478 = arith.mulf %get3A_1475, %mul3A_1477 : vector<16xf32>
    %convert_element_type3A_1479 = arith.fptosi %mul3A_1478 : vector<16xf32> to vector<16xi32>
    %convert_element_type3A_1480 = arith.sitofp %convert_element_type3A_1479 : vector<16xi32> to vector<16xf32>
    %sub3A_1481 = arith.subf %mul3A_1478, %convert_element_type3A_1480 : vector<16xf32>
    %gt3A_1482 = arith.constant 5.000000e-01 : f32
    %gt3A_1483 = vector.broadcast %gt3A_1482 : f32 to vector<16xf32>
    %gt3A_1484 = arith.cmpf ogt, %sub3A_1481, %gt3A_1483 : vector<16xf32>
    %eq3A_1485 = arith.constant 5.000000e-01 : f32
    %eq3A_1486 = vector.broadcast %eq3A_1485 : f32 to vector<16xf32>
    %eq3A_1487 = arith.cmpf oeq, %sub3A_1481, %eq3A_1486 : vector<16xf32>
    %and3A_1488 = arith.constant 1 : i32
    %and3A_1489 = vector.broadcast %and3A_1488 : i32 to vector<16xi32>
    %and3A_1490 = arith.andi %convert_element_type3A_1479, %and3A_1489 : vector<16xi32>
    %eq3A_1491 = arith.constant 1 : i32
    %eq3A_1492 = vector.broadcast %eq3A_1491 : i32 to vector<16xi32>
    %eq3A_1493 = arith.cmpi eq, %and3A_1490, %eq3A_1492 : vector<16xi32>
    %and3A_1494 = arith.andi %eq3A_1487, %eq3A_1493 : vector<16xi1>
    %or3A_1495 = arith.ori %gt3A_1484, %and3A_1494 : vector<16xi1>
    %add3A_1496 = arith.constant 1 : i32
    %add3A_1497 = vector.broadcast %add3A_1496 : i32 to vector<16xi32>
    %add3A_1498 = arith.addi %convert_element_type3A_1479, %add3A_1497 : vector<16xi32>
    %select_n3A_1499 = arith.select %or3A_1495, %add3A_1498, %convert_element_type3A_1479 : vector<16xi1>, vector<16xi32>
    %gather3A_1500 = tpu.vector_load_idx %arg6[%select_n3A_1499] : memref<1001xf32, #tpu.memory_space<vmem>>[vector<16xi32>], vector<16xf32>,
    %swap3A_1501 = arith.constant 816 : index
    %swap3A_1502 = tpu.vector_load %arg7[%swap3A_1501] {strides = array<i32>} : memref<1024xf32, #tpu.memory_space<vmem>>, vector<16xf32>,
    tpu.vector_store %arg7[%swap3A_1501], %gather3A_1500 {strides = array<i32>} : memref<1024xf32, #tpu.memory_space<vmem>>, vector<16xf32>,
    %get3A_1503 = arith.constant 832 : index
    %get3A_1504 = tpu.vector_load %arg5[%get3A_1503] {strides = array<i32>} : memref<1024xf32, #tpu.memory_space<vmem>>, vector<16xf32>,
    %mul3A_1505 = arith.constant 1.000000e+03 : f32
    %mul3A_1506 = vector.broadcast %mul3A_1505 : f32 to vector<16xf32>
    %mul3A_1507 = arith.mulf %get3A_1504, %mul3A_1506 : vector<16xf32>
    %convert_element_type3A_1508 = arith.fptosi %mul3A_1507 : vector<16xf32> to vector<16xi32>
    %convert_element_type3A_1509 = arith.sitofp %convert_element_type3A_1508 : vector<16xi32> to vector<16xf32>
    %sub3A_1510 = arith.subf %mul3A_1507, %convert_element_type3A_1509 : vector<16xf32>
    %gt3A_1511 = arith.constant 5.000000e-01 : f32
    %gt3A_1512 = vector.broadcast %gt3A_1511 : f32 to vector<16xf32>
    %gt3A_1513 = arith.cmpf ogt, %sub3A_1510, %gt3A_1512 : vector<16xf32>
    %eq3A_1514 = arith.constant 5.000000e-01 : f32
    %eq3A_1515 = vector.broadcast %eq3A_1514 : f32 to vector<16xf32>
    %eq3A_1516 = arith.cmpf oeq, %sub3A_1510, %eq3A_1515 : vector<16xf32>
    %and3A_1517 = arith.constant 1 : i32
    %and3A_1518 = vector.broadcast %and3A_1517 : i32 to vector<16xi32>
    %and3A_1519 = arith.andi %convert_element_type3A_1508, %and3A_1518 : vector<16xi32>
    %eq3A_1520 = arith.constant 1 : i32
    %eq3A_1521 = vector.broadcast %eq3A_1520 : i32 to vector<16xi32>
    %eq3A_1522 = arith.cmpi eq, %and3A_1519, %eq3A_1521 : vector<16xi32>
    %and3A_1523 = arith.andi %eq3A_1516, %eq3A_1522 : vector<16xi1>
    %or3A_1524 = arith.ori %gt3A_1513, %and3A_1523 : vector<16xi1>
    %add3A_1525 = arith.constant 1 : i32
    %add3A_1526 = vector.broadcast %add3A_1525 : i32 to vector<16xi32>
    %add3A_1527 = arith.addi %convert_element_type3A_1508, %add3A_1526 : vector<16xi32>
    %select_n3A_1528 = arith.select %or3A_1524, %add3A_1527, %convert_element_type3A_1508 : vector<16xi1>, vector<16xi32>
    %gather3A_1529 = tpu.vector_load_idx %arg6[%select_n3A_1528] : memref<1001xf32, #tpu.memory_space<vmem>>[vector<16xi32>], vector<16xf32>,
    %swap3A_1530 = arith.constant 832 : index
    %swap3A_1531 = tpu.vector_load %arg7[%swap3A_1530] {strides = array<i32>} : memref<1024xf32, #tpu.memory_space<vmem>>, vector<16xf32>,
    tpu.vector_store %arg7[%swap3A_1530], %gather3A_1529 {strides = array<i32>} : memref<1024xf32, #tpu.memory_space<vmem>>, vector<16xf32>,
    %get3A_1532 = arith.constant 848 : index
    %get3A_1533 = tpu.vector_load %arg5[%get3A_1532] {strides = array<i32>} : memref<1024xf32, #tpu.memory_space<vmem>>, vector<16xf32>,
    %mul3A_1534 = arith.constant 1.000000e+03 : f32
    %mul3A_1535 = vector.broadcast %mul3A_1534 : f32 to vector<16xf32>
    %mul3A_1536 = arith.mulf %get3A_1533, %mul3A_1535 : vector<16xf32>
    %convert_element_type3A_1537 = arith.fptosi %mul3A_1536 : vector<16xf32> to vector<16xi32>
    %convert_element_type3A_1538 = arith.sitofp %convert_element_type3A_1537 : vector<16xi32> to vector<16xf32>
    %sub3A_1539 = arith.subf %mul3A_1536, %convert_element_type3A_1538 : vector<16xf32>
    %gt3A_1540 = arith.constant 5.000000e-01 : f32
    %gt3A_1541 = vector.broadcast %gt3A_1540 : f32 to vector<16xf32>
    %gt3A_1542 = arith.cmpf ogt, %sub3A_1539, %gt3A_1541 : vector<16xf32>
    %eq3A_1543 = arith.constant 5.000000e-01 : f32
    %eq3A_1544 = vector.broadcast %eq3A_1543 : f32 to vector<16xf32>
    %eq3A_1545 = arith.cmpf oeq, %sub3A_1539, %eq3A_1544 : vector<16xf32>
    %and3A_1546 = arith.constant 1 : i32
    %and3A_1547 = vector.broadcast %and3A_1546 : i32 to vector<16xi32>
    %and3A_1548 = arith.andi %convert_element_type3A_1537, %and3A_1547 : vector<16xi32>
    %eq3A_1549 = arith.constant 1 : i32
    %eq3A_1550 = vector.broadcast %eq3A_1549 : i32 to vector<16xi32>
    %eq3A_1551 = arith.cmpi eq, %and3A_1548, %eq3A_1550 : vector<16xi32>
    %and3A_1552 = arith.andi %eq3A_1545, %eq3A_1551 : vector<16xi1>
    %or3A_1553 = arith.ori %gt3A_1542, %and3A_1552 : vector<16xi1>
    %add3A_1554 = arith.constant 1 : i32
    %add3A_1555 = vector.broadcast %add3A_1554 : i32 to vector<16xi32>
    %add3A_1556 = arith.addi %convert_element_type3A_1537, %add3A_1555 : vector<16xi32>
    %select_n3A_1557 = arith.select %or3A_1553, %add3A_1556, %convert_element_type3A_1537 : vector<16xi1>, vector<16xi32>
    %gather3A_1558 = tpu.vector_load_idx %arg6[%select_n3A_1557] : memref<1001xf32, #tpu.memory_space<vmem>>[vector<16xi32>], vector<16xf32>,
    %swap3A_1559 = arith.constant 848 : index
    %swap3A_1560 = tpu.vector_load %arg7[%swap3A_1559] {strides = array<i32>} : memref<1024xf32, #tpu.memory_space<vmem>>, vector<16xf32>,
    tpu.vector_store %arg7[%swap3A_1559], %gather3A_1558 {strides = array<i32>} : memref<1024xf32, #tpu.memory_space<vmem>>, vector<16xf32>,
    %get3A_1561 = arith.constant 864 : index
    %get3A_1562 = tpu.vector_load %arg5[%get3A_1561] {strides = array<i32>} : memref<1024xf32, #tpu.memory_space<vmem>>, vector<16xf32>,
    %mul3A_1563 = arith.constant 1.000000e+03 : f32
    %mul3A_1564 = vector.broadcast %mul3A_1563 : f32 to vector<16xf32>
    %mul3A_1565 = arith.mulf %get3A_1562, %mul3A_1564 : vector<16xf32>
    %convert_element_type3A_1566 = arith.fptosi %mul3A_1565 : vector<16xf32> to vector<16xi32>
    %convert_element_type3A_1567 = arith.sitofp %convert_element_type3A_1566 : vector<16xi32> to vector<16xf32>
    %sub3A_1568 = arith.subf %mul3A_1565, %convert_element_type3A_1567 : vector<16xf32>
    %gt3A_1569 = arith.constant 5.000000e-01 : f32
    %gt3A_1570 = vector.broadcast %gt3A_1569 : f32 to vector<16xf32>
    %gt3A_1571 = arith.cmpf ogt, %sub3A_1568, %gt3A_1570 : vector<16xf32>
    %eq3A_1572 = arith.constant 5.000000e-01 : f32
    %eq3A_1573 = vector.broadcast %eq3A_1572 : f32 to vector<16xf32>
    %eq3A_1574 = arith.cmpf oeq, %sub3A_1568, %eq3A_1573 : vector<16xf32>
    %and3A_1575 = arith.constant 1 : i32
    %and3A_1576 = vector.broadcast %and3A_1575 : i32 to vector<16xi32>
    %and3A_1577 = arith.andi %convert_element_type3A_1566, %and3A_1576 : vector<16xi32>
    %eq3A_1578 = arith.constant 1 : i32
    %eq3A_1579 = vector.broadcast %eq3A_1578 : i32 to vector<16xi32>
    %eq3A_1580 = arith.cmpi eq, %and3A_1577, %eq3A_1579 : vector<16xi32>
    %and3A_1581 = arith.andi %eq3A_1574, %eq3A_1580 : vector<16xi1>
    %or3A_1582 = arith.ori %gt3A_1571, %and3A_1581 : vector<16xi1>
    %add3A_1583 = arith.constant 1 : i32
    %add3A_1584 = vector.broadcast %add3A_1583 : i32 to vector<16xi32>
    %add3A_1585 = arith.addi %convert_element_type3A_1566, %add3A_1584 : vector<16xi32>
    %select_n3A_1586 = arith.select %or3A_1582, %add3A_1585, %convert_element_type3A_1566 : vector<16xi1>, vector<16xi32>
    %gather3A_1587 = tpu.vector_load_idx %arg6[%select_n3A_1586] : memref<1001xf32, #tpu.memory_space<vmem>>[vector<16xi32>], vector<16xf32>,
    %swap3A_1588 = arith.constant 864 : index
    %swap3A_1589 = tpu.vector_load %arg7[%swap3A_1588] {strides = array<i32>} : memref<1024xf32, #tpu.memory_space<vmem>>, vector<16xf32>,
    tpu.vector_store %arg7[%swap3A_1588], %gather3A_1587 {strides = array<i32>} : memref<1024xf32, #tpu.memory_space<vmem>>, vector<16xf32>,
    %get3A_1590 = arith.constant 880 : index
    %get3A_1591 = tpu.vector_load %arg5[%get3A_1590] {strides = array<i32>} : memref<1024xf32, #tpu.memory_space<vmem>>, vector<16xf32>,
    %mul3A_1592 = arith.constant 1.000000e+03 : f32
    %mul3A_1593 = vector.broadcast %mul3A_1592 : f32 to vector<16xf32>
    %mul3A_1594 = arith.mulf %get3A_1591, %mul3A_1593 : vector<16xf32>
    %convert_element_type3A_1595 = arith.fptosi %mul3A_1594 : vector<16xf32> to vector<16xi32>
    %convert_element_type3A_1596 = arith.sitofp %convert_element_type3A_1595 : vector<16xi32> to vector<16xf32>
    %sub3A_1597 = arith.subf %mul3A_1594, %convert_element_type3A_1596 : vector<16xf32>
    %gt3A_1598 = arith.constant 5.000000e-01 : f32
    %gt3A_1599 = vector.broadcast %gt3A_1598 : f32 to vector<16xf32>
    %gt3A_1600 = arith.cmpf ogt, %sub3A_1597, %gt3A_1599 : vector<16xf32>
    %eq3A_1601 = arith.constant 5.000000e-01 : f32
    %eq3A_1602 = vector.broadcast %eq3A_1601 : f32 to vector<16xf32>
    %eq3A_1603 = arith.cmpf oeq, %sub3A_1597, %eq3A_1602 : vector<16xf32>
    %and3A_1604 = arith.constant 1 : i32
    %and3A_1605 = vector.broadcast %and3A_1604 : i32 to vector<16xi32>
    %and3A_1606 = arith.andi %convert_element_type3A_1595, %and3A_1605 : vector<16xi32>
    %eq3A_1607 = arith.constant 1 : i32
    %eq3A_1608 = vector.broadcast %eq3A_1607 : i32 to vector<16xi32>
    %eq3A_1609 = arith.cmpi eq, %and3A_1606, %eq3A_1608 : vector<16xi32>
    %and3A_1610 = arith.andi %eq3A_1603, %eq3A_1609 : vector<16xi1>
    %or3A_1611 = arith.ori %gt3A_1600, %and3A_1610 : vector<16xi1>
    %add3A_1612 = arith.constant 1 : i32
    %add3A_1613 = vector.broadcast %add3A_1612 : i32 to vector<16xi32>
    %add3A_1614 = arith.addi %convert_element_type3A_1595, %add3A_1613 : vector<16xi32>
    %select_n3A_1615 = arith.select %or3A_1611, %add3A_1614, %convert_element_type3A_1595 : vector<16xi1>, vector<16xi32>
    %gather3A_1616 = tpu.vector_load_idx %arg6[%select_n3A_1615] : memref<1001xf32, #tpu.memory_space<vmem>>[vector<16xi32>], vector<16xf32>,
    %swap3A_1617 = arith.constant 880 : index
    %swap3A_1618 = tpu.vector_load %arg7[%swap3A_1617] {strides = array<i32>} : memref<1024xf32, #tpu.memory_space<vmem>>, vector<16xf32>,
    tpu.vector_store %arg7[%swap3A_1617], %gather3A_1616 {strides = array<i32>} : memref<1024xf32, #tpu.memory_space<vmem>>, vector<16xf32>,
    %get3A_1619 = arith.constant 896 : index
    %get3A_1620 = tpu.vector_load %arg5[%get3A_1619] {strides = array<i32>} : memref<1024xf32, #tpu.memory_space<vmem>>, vector<16xf32>,
    %mul3A_1621 = arith.constant 1.000000e+03 : f32
    %mul3A_1622 = vector.broadcast %mul3A_1621 : f32 to vector<16xf32>
    %mul3A_1623 = arith.mulf %get3A_1620, %mul3A_1622 : vector<16xf32>
    %convert_element_type3A_1624 = arith.fptosi %mul3A_1623 : vector<16xf32> to vector<16xi32>
    %convert_element_type3A_1625 = arith.sitofp %convert_element_type3A_1624 : vector<16xi32> to vector<16xf32>
    %sub3A_1626 = arith.subf %mul3A_1623, %convert_element_type3A_1625 : vector<16xf32>
    %gt3A_1627 = arith.constant 5.000000e-01 : f32
    %gt3A_1628 = vector.broadcast %gt3A_1627 : f32 to vector<16xf32>
    %gt3A_1629 = arith.cmpf ogt, %sub3A_1626, %gt3A_1628 : vector<16xf32>
    %eq3A_1630 = arith.constant 5.000000e-01 : f32
    %eq3A_1631 = vector.broadcast %eq3A_1630 : f32 to vector<16xf32>
    %eq3A_1632 = arith.cmpf oeq, %sub3A_1626, %eq3A_1631 : vector<16xf32>
    %and3A_1633 = arith.constant 1 : i32
    %and3A_1634 = vector.broadcast %and3A_1633 : i32 to vector<16xi32>
    %and3A_1635 = arith.andi %convert_element_type3A_1624, %and3A_1634 : vector<16xi32>
    %eq3A_1636 = arith.constant 1 : i32
    %eq3A_1637 = vector.broadcast %eq3A_1636 : i32 to vector<16xi32>
    %eq3A_1638 = arith.cmpi eq, %and3A_1635, %eq3A_1637 : vector<16xi32>
    %and3A_1639 = arith.andi %eq3A_1632, %eq3A_1638 : vector<16xi1>
    %or3A_1640 = arith.ori %gt3A_1629, %and3A_1639 : vector<16xi1>
    %add3A_1641 = arith.constant 1 : i32
    %add3A_1642 = vector.broadcast %add3A_1641 : i32 to vector<16xi32>
    %add3A_1643 = arith.addi %convert_element_type3A_1624, %add3A_1642 : vector<16xi32>
    %select_n3A_1644 = arith.select %or3A_1640, %add3A_1643, %convert_element_type3A_1624 : vector<16xi1>, vector<16xi32>
    %gather3A_1645 = tpu.vector_load_idx %arg6[%select_n3A_1644] : memref<1001xf32, #tpu.memory_space<vmem>>[vector<16xi32>], vector<16xf32>,
    %swap3A_1646 = arith.constant 896 : index
    %swap3A_1647 = tpu.vector_load %arg7[%swap3A_1646] {strides = array<i32>} : memref<1024xf32, #tpu.memory_space<vmem>>, vector<16xf32>,
    tpu.vector_store %arg7[%swap3A_1646], %gather3A_1645 {strides = array<i32>} : memref<1024xf32, #tpu.memory_space<vmem>>, vector<16xf32>,
    %get3A_1648 = arith.constant 912 : index
    %get3A_1649 = tpu.vector_load %arg5[%get3A_1648] {strides = array<i32>} : memref<1024xf32, #tpu.memory_space<vmem>>, vector<16xf32>,
    %mul3A_1650 = arith.constant 1.000000e+03 : f32
    %mul3A_1651 = vector.broadcast %mul3A_1650 : f32 to vector<16xf32>
    %mul3A_1652 = arith.mulf %get3A_1649, %mul3A_1651 : vector<16xf32>
    %convert_element_type3A_1653 = arith.fptosi %mul3A_1652 : vector<16xf32> to vector<16xi32>
    %convert_element_type3A_1654 = arith.sitofp %convert_element_type3A_1653 : vector<16xi32> to vector<16xf32>
    %sub3A_1655 = arith.subf %mul3A_1652, %convert_element_type3A_1654 : vector<16xf32>
    %gt3A_1656 = arith.constant 5.000000e-01 : f32
    %gt3A_1657 = vector.broadcast %gt3A_1656 : f32 to vector<16xf32>
    %gt3A_1658 = arith.cmpf ogt, %sub3A_1655, %gt3A_1657 : vector<16xf32>
    %eq3A_1659 = arith.constant 5.000000e-01 : f32
    %eq3A_1660 = vector.broadcast %eq3A_1659 : f32 to vector<16xf32>
    %eq3A_1661 = arith.cmpf oeq, %sub3A_1655, %eq3A_1660 : vector<16xf32>
    %and3A_1662 = arith.constant 1 : i32
    %and3A_1663 = vector.broadcast %and3A_1662 : i32 to vector<16xi32>
    %and3A_1664 = arith.andi %convert_element_type3A_1653, %and3A_1663 : vector<16xi32>
    %eq3A_1665 = arith.constant 1 : i32
    %eq3A_1666 = vector.broadcast %eq3A_1665 : i32 to vector<16xi32>
    %eq3A_1667 = arith.cmpi eq, %and3A_1664, %eq3A_1666 : vector<16xi32>
    %and3A_1668 = arith.andi %eq3A_1661, %eq3A_1667 : vector<16xi1>
    %or3A_1669 = arith.ori %gt3A_1658, %and3A_1668 : vector<16xi1>
    %add3A_1670 = arith.constant 1 : i32
    %add3A_1671 = vector.broadcast %add3A_1670 : i32 to vector<16xi32>
    %add3A_1672 = arith.addi %convert_element_type3A_1653, %add3A_1671 : vector<16xi32>
    %select_n3A_1673 = arith.select %or3A_1669, %add3A_1672, %convert_element_type3A_1653 : vector<16xi1>, vector<16xi32>
    %gather3A_1674 = tpu.vector_load_idx %arg6[%select_n3A_1673] : memref<1001xf32, #tpu.memory_space<vmem>>[vector<16xi32>], vector<16xf32>,
    %swap3A_1675 = arith.constant 912 : index
    %swap3A_1676 = tpu.vector_load %arg7[%swap3A_1675] {strides = array<i32>} : memref<1024xf32, #tpu.memory_space<vmem>>, vector<16xf32>,
    tpu.vector_store %arg7[%swap3A_1675], %gather3A_1674 {strides = array<i32>} : memref<1024xf32, #tpu.memory_space<vmem>>, vector<16xf32>,
    %get3A_1677 = arith.constant 928 : index
    %get3A_1678 = tpu.vector_load %arg5[%get3A_1677] {strides = array<i32>} : memref<1024xf32, #tpu.memory_space<vmem>>, vector<16xf32>,
    %mul3A_1679 = arith.constant 1.000000e+03 : f32
    %mul3A_1680 = vector.broadcast %mul3A_1679 : f32 to vector<16xf32>
    %mul3A_1681 = arith.mulf %get3A_1678, %mul3A_1680 : vector<16xf32>
    %convert_element_type3A_1682 = arith.fptosi %mul3A_1681 : vector<16xf32> to vector<16xi32>
    %convert_element_type3A_1683 = arith.sitofp %convert_element_type3A_1682 : vector<16xi32> to vector<16xf32>
    %sub3A_1684 = arith.subf %mul3A_1681, %convert_element_type3A_1683 : vector<16xf32>
    %gt3A_1685 = arith.constant 5.000000e-01 : f32
    %gt3A_1686 = vector.broadcast %gt3A_1685 : f32 to vector<16xf32>
    %gt3A_1687 = arith.cmpf ogt, %sub3A_1684, %gt3A_1686 : vector<16xf32>
    %eq3A_1688 = arith.constant 5.000000e-01 : f32
    %eq3A_1689 = vector.broadcast %eq3A_1688 : f32 to vector<16xf32>
    %eq3A_1690 = arith.cmpf oeq, %sub3A_1684, %eq3A_1689 : vector<16xf32>
    %and3A_1691 = arith.constant 1 : i32
    %and3A_1692 = vector.broadcast %and3A_1691 : i32 to vector<16xi32>
    %and3A_1693 = arith.andi %convert_element_type3A_1682, %and3A_1692 : vector<16xi32>
    %eq3A_1694 = arith.constant 1 : i32
    %eq3A_1695 = vector.broadcast %eq3A_1694 : i32 to vector<16xi32>
    %eq3A_1696 = arith.cmpi eq, %and3A_1693, %eq3A_1695 : vector<16xi32>
    %and3A_1697 = arith.andi %eq3A_1690, %eq3A_1696 : vector<16xi1>
    %or3A_1698 = arith.ori %gt3A_1687, %and3A_1697 : vector<16xi1>
    %add3A_1699 = arith.constant 1 : i32
    %add3A_1700 = vector.broadcast %add3A_1699 : i32 to vector<16xi32>
    %add3A_1701 = arith.addi %convert_element_type3A_1682, %add3A_1700 : vector<16xi32>
    %select_n3A_1702 = arith.select %or3A_1698, %add3A_1701, %convert_element_type3A_1682 : vector<16xi1>, vector<16xi32>
    %gather3A_1703 = tpu.vector_load_idx %arg6[%select_n3A_1702] : memref<1001xf32, #tpu.memory_space<vmem>>[vector<16xi32>], vector<16xf32>,
    %swap3A_1704 = arith.constant 928 : index
    %swap3A_1705 = tpu.vector_load %arg7[%swap3A_1704] {strides = array<i32>} : memref<1024xf32, #tpu.memory_space<vmem>>, vector<16xf32>,
    tpu.vector_store %arg7[%swap3A_1704], %gather3A_1703 {strides = array<i32>} : memref<1024xf32, #tpu.memory_space<vmem>>, vector<16xf32>,
    %get3A_1706 = arith.constant 944 : index
    %get3A_1707 = tpu.vector_load %arg5[%get3A_1706] {strides = array<i32>} : memref<1024xf32, #tpu.memory_space<vmem>>, vector<16xf32>,
    %mul3A_1708 = arith.constant 1.000000e+03 : f32
    %mul3A_1709 = vector.broadcast %mul3A_1708 : f32 to vector<16xf32>
    %mul3A_1710 = arith.mulf %get3A_1707, %mul3A_1709 : vector<16xf32>
    %convert_element_type3A_1711 = arith.fptosi %mul3A_1710 : vector<16xf32> to vector<16xi32>
    %convert_element_type3A_1712 = arith.sitofp %convert_element_type3A_1711 : vector<16xi32> to vector<16xf32>
    %sub3A_1713 = arith.subf %mul3A_1710, %convert_element_type3A_1712 : vector<16xf32>
    %gt3A_1714 = arith.constant 5.000000e-01 : f32
    %gt3A_1715 = vector.broadcast %gt3A_1714 : f32 to vector<16xf32>
    %gt3A_1716 = arith.cmpf ogt, %sub3A_1713, %gt3A_1715 : vector<16xf32>
    %eq3A_1717 = arith.constant 5.000000e-01 : f32
    %eq3A_1718 = vector.broadcast %eq3A_1717 : f32 to vector<16xf32>
    %eq3A_1719 = arith.cmpf oeq, %sub3A_1713, %eq3A_1718 : vector<16xf32>
    %and3A_1720 = arith.constant 1 : i32
    %and3A_1721 = vector.broadcast %and3A_1720 : i32 to vector<16xi32>
    %and3A_1722 = arith.andi %convert_element_type3A_1711, %and3A_1721 : vector<16xi32>
    %eq3A_1723 = arith.constant 1 : i32
    %eq3A_1724 = vector.broadcast %eq3A_1723 : i32 to vector<16xi32>
    %eq3A_1725 = arith.cmpi eq, %and3A_1722, %eq3A_1724 : vector<16xi32>
    %and3A_1726 = arith.andi %eq3A_1719, %eq3A_1725 : vector<16xi1>
    %or3A_1727 = arith.ori %gt3A_1716, %and3A_1726 : vector<16xi1>
    %add3A_1728 = arith.constant 1 : i32
    %add3A_1729 = vector.broadcast %add3A_1728 : i32 to vector<16xi32>
    %add3A_1730 = arith.addi %convert_element_type3A_1711, %add3A_1729 : vector<16xi32>
    %select_n3A_1731 = arith.select %or3A_1727, %add3A_1730, %convert_element_type3A_1711 : vector<16xi1>, vector<16xi32>
    %gather3A_1732 = tpu.vector_load_idx %arg6[%select_n3A_1731] : memref<1001xf32, #tpu.memory_space<vmem>>[vector<16xi32>], vector<16xf32>,
    %swap3A_1733 = arith.constant 944 : index
    %swap3A_1734 = tpu.vector_load %arg7[%swap3A_1733] {strides = array<i32>} : memref<1024xf32, #tpu.memory_space<vmem>>, vector<16xf32>,
    tpu.vector_store %arg7[%swap3A_1733], %gather3A_1732 {strides = array<i32>} : memref<1024xf32, #tpu.memory_space<vmem>>, vector<16xf32>,
    %get3A_1735 = arith.constant 960 : index
    %get3A_1736 = tpu.vector_load %arg5[%get3A_1735] {strides = array<i32>} : memref<1024xf32, #tpu.memory_space<vmem>>, vector<16xf32>,
    %mul3A_1737 = arith.constant 1.000000e+03 : f32
    %mul3A_1738 = vector.broadcast %mul3A_1737 : f32 to vector<16xf32>
    %mul3A_1739 = arith.mulf %get3A_1736, %mul3A_1738 : vector<16xf32>
    %convert_element_type3A_1740 = arith.fptosi %mul3A_1739 : vector<16xf32> to vector<16xi32>
    %convert_element_type3A_1741 = arith.sitofp %convert_element_type3A_1740 : vector<16xi32> to vector<16xf32>
    %sub3A_1742 = arith.subf %mul3A_1739, %convert_element_type3A_1741 : vector<16xf32>
    %gt3A_1743 = arith.constant 5.000000e-01 : f32
    %gt3A_1744 = vector.broadcast %gt3A_1743 : f32 to vector<16xf32>
    %gt3A_1745 = arith.cmpf ogt, %sub3A_1742, %gt3A_1744 : vector<16xf32>
    %eq3A_1746 = arith.constant 5.000000e-01 : f32
    %eq3A_1747 = vector.broadcast %eq3A_1746 : f32 to vector<16xf32>
    %eq3A_1748 = arith.cmpf oeq, %sub3A_1742, %eq3A_1747 : vector<16xf32>
    %and3A_1749 = arith.constant 1 : i32
    %and3A_1750 = vector.broadcast %and3A_1749 : i32 to vector<16xi32>
    %and3A_1751 = arith.andi %convert_element_type3A_1740, %and3A_1750 : vector<16xi32>
    %eq3A_1752 = arith.constant 1 : i32
    %eq3A_1753 = vector.broadcast %eq3A_1752 : i32 to vector<16xi32>
    %eq3A_1754 = arith.cmpi eq, %and3A_1751, %eq3A_1753 : vector<16xi32>
    %and3A_1755 = arith.andi %eq3A_1748, %eq3A_1754 : vector<16xi1>
    %or3A_1756 = arith.ori %gt3A_1745, %and3A_1755 : vector<16xi1>
    %add3A_1757 = arith.constant 1 : i32
    %add3A_1758 = vector.broadcast %add3A_1757 : i32 to vector<16xi32>
    %add3A_1759 = arith.addi %convert_element_type3A_1740, %add3A_1758 : vector<16xi32>
    %select_n3A_1760 = arith.select %or3A_1756, %add3A_1759, %convert_element_type3A_1740 : vector<16xi1>, vector<16xi32>
    %gather3A_1761 = tpu.vector_load_idx %arg6[%select_n3A_1760] : memref<1001xf32, #tpu.memory_space<vmem>>[vector<16xi32>], vector<16xf32>,
    %swap3A_1762 = arith.constant 960 : index
    %swap3A_1763 = tpu.vector_load %arg7[%swap3A_1762] {strides = array<i32>} : memref<1024xf32, #tpu.memory_space<vmem>>, vector<16xf32>,
    tpu.vector_store %arg7[%swap3A_1762], %gather3A_1761 {strides = array<i32>} : memref<1024xf32, #tpu.memory_space<vmem>>, vector<16xf32>,
    %get3A_1764 = arith.constant 976 : index
    %get3A_1765 = tpu.vector_load %arg5[%get3A_1764] {strides = array<i32>} : memref<1024xf32, #tpu.memory_space<vmem>>, vector<16xf32>,
    %mul3A_1766 = arith.constant 1.000000e+03 : f32
    %mul3A_1767 = vector.broadcast %mul3A_1766 : f32 to vector<16xf32>
    %mul3A_1768 = arith.mulf %get3A_1765, %mul3A_1767 : vector<16xf32>
    %convert_element_type3A_1769 = arith.fptosi %mul3A_1768 : vector<16xf32> to vector<16xi32>
    %convert_element_type3A_1770 = arith.sitofp %convert_element_type3A_1769 : vector<16xi32> to vector<16xf32>
    %sub3A_1771 = arith.subf %mul3A_1768, %convert_element_type3A_1770 : vector<16xf32>
    %gt3A_1772 = arith.constant 5.000000e-01 : f32
    %gt3A_1773 = vector.broadcast %gt3A_1772 : f32 to vector<16xf32>
    %gt3A_1774 = arith.cmpf ogt, %sub3A_1771, %gt3A_1773 : vector<16xf32>
    %eq3A_1775 = arith.constant 5.000000e-01 : f32
    %eq3A_1776 = vector.broadcast %eq3A_1775 : f32 to vector<16xf32>
    %eq3A_1777 = arith.cmpf oeq, %sub3A_1771, %eq3A_1776 : vector<16xf32>
    %and3A_1778 = arith.constant 1 : i32
    %and3A_1779 = vector.broadcast %and3A_1778 : i32 to vector<16xi32>
    %and3A_1780 = arith.andi %convert_element_type3A_1769, %and3A_1779 : vector<16xi32>
    %eq3A_1781 = arith.constant 1 : i32
    %eq3A_1782 = vector.broadcast %eq3A_1781 : i32 to vector<16xi32>
    %eq3A_1783 = arith.cmpi eq, %and3A_1780, %eq3A_1782 : vector<16xi32>
    %and3A_1784 = arith.andi %eq3A_1777, %eq3A_1783 : vector<16xi1>
    %or3A_1785 = arith.ori %gt3A_1774, %and3A_1784 : vector<16xi1>
    %add3A_1786 = arith.constant 1 : i32
    %add3A_1787 = vector.broadcast %add3A_1786 : i32 to vector<16xi32>
    %add3A_1788 = arith.addi %convert_element_type3A_1769, %add3A_1787 : vector<16xi32>
    %select_n3A_1789 = arith.select %or3A_1785, %add3A_1788, %convert_element_type3A_1769 : vector<16xi1>, vector<16xi32>
    %gather3A_1790 = tpu.vector_load_idx %arg6[%select_n3A_1789] : memref<1001xf32, #tpu.memory_space<vmem>>[vector<16xi32>], vector<16xf32>,
    %swap3A_1791 = arith.constant 976 : index
    %swap3A_1792 = tpu.vector_load %arg7[%swap3A_1791] {strides = array<i32>} : memref<1024xf32, #tpu.memory_space<vmem>>, vector<16xf32>,
    tpu.vector_store %arg7[%swap3A_1791], %gather3A_1790 {strides = array<i32>} : memref<1024xf32, #tpu.memory_space<vmem>>, vector<16xf32>,
    %get3A_1793 = arith.constant 992 : index
    %get3A_1794 = tpu.vector_load %arg5[%get3A_1793] {strides = array<i32>} : memref<1024xf32, #tpu.memory_space<vmem>>, vector<16xf32>,
    %mul3A_1795 = arith.constant 1.000000e+03 : f32
    %mul3A_1796 = vector.broadcast %mul3A_1795 : f32 to vector<16xf32>
    %mul3A_1797 = arith.mulf %get3A_1794, %mul3A_1796 : vector<16xf32>
    %convert_element_type3A_1798 = arith.fptosi %mul3A_1797 : vector<16xf32> to vector<16xi32>
    %convert_element_type3A_1799 = arith.sitofp %convert_element_type3A_1798 : vector<16xi32> to vector<16xf32>
    %sub3A_1800 = arith.subf %mul3A_1797, %convert_element_type3A_1799 : vector<16xf32>
    %gt3A_1801 = arith.constant 5.000000e-01 : f32
    %gt3A_1802 = vector.broadcast %gt3A_1801 : f32 to vector<16xf32>
    %gt3A_1803 = arith.cmpf ogt, %sub3A_1800, %gt3A_1802 : vector<16xf32>
    %eq3A_1804 = arith.constant 5.000000e-01 : f32
    %eq3A_1805 = vector.broadcast %eq3A_1804 : f32 to vector<16xf32>
    %eq3A_1806 = arith.cmpf oeq, %sub3A_1800, %eq3A_1805 : vector<16xf32>
    %and3A_1807 = arith.constant 1 : i32
    %and3A_1808 = vector.broadcast %and3A_1807 : i32 to vector<16xi32>
    %and3A_1809 = arith.andi %convert_element_type3A_1798, %and3A_1808 : vector<16xi32>
    %eq3A_1810 = arith.constant 1 : i32
    %eq3A_1811 = vector.broadcast %eq3A_1810 : i32 to vector<16xi32>
    %eq3A_1812 = arith.cmpi eq, %and3A_1809, %eq3A_1811 : vector<16xi32>
    %and3A_1813 = arith.andi %eq3A_1806, %eq3A_1812 : vector<16xi1>
    %or3A_1814 = arith.ori %gt3A_1803, %and3A_1813 : vector<16xi1>
    %add3A_1815 = arith.constant 1 : i32
    %add3A_1816 = vector.broadcast %add3A_1815 : i32 to vector<16xi32>
    %add3A_1817 = arith.addi %convert_element_type3A_1798, %add3A_1816 : vector<16xi32>
    %select_n3A_1818 = arith.select %or3A_1814, %add3A_1817, %convert_element_type3A_1798 : vector<16xi1>, vector<16xi32>
    %gather3A_1819 = tpu.vector_load_idx %arg6[%select_n3A_1818] : memref<1001xf32, #tpu.memory_space<vmem>>[vector<16xi32>], vector<16xf32>,
    %swap3A_1820 = arith.constant 992 : index
    %swap3A_1821 = tpu.vector_load %arg7[%swap3A_1820] {strides = array<i32>} : memref<1024xf32, #tpu.memory_space<vmem>>, vector<16xf32>,
    tpu.vector_store %arg7[%swap3A_1820], %gather3A_1819 {strides = array<i32>} : memref<1024xf32, #tpu.memory_space<vmem>>, vector<16xf32>,
    %get3A_1822 = arith.constant 1008 : index
    %get3A_1823 = tpu.vector_load %arg5[%get3A_1822] {strides = array<i32>} : memref<1024xf32, #tpu.memory_space<vmem>>, vector<16xf32>,
    %mul3A_1824 = arith.constant 1.000000e+03 : f32
    %mul3A_1825 = vector.broadcast %mul3A_1824 : f32 to vector<16xf32>
    %mul3A_1826 = arith.mulf %get3A_1823, %mul3A_1825 : vector<16xf32>
    %convert_element_type3A_1827 = arith.fptosi %mul3A_1826 : vector<16xf32> to vector<16xi32>
    %convert_element_type3A_1828 = arith.sitofp %convert_element_type3A_1827 : vector<16xi32> to vector<16xf32>
    %sub3A_1829 = arith.subf %mul3A_1826, %convert_element_type3A_1828 : vector<16xf32>
    %gt3A_1830 = arith.constant 5.000000e-01 : f32
    %gt3A_1831 = vector.broadcast %gt3A_1830 : f32 to vector<16xf32>
    %gt3A_1832 = arith.cmpf ogt, %sub3A_1829, %gt3A_1831 : vector<16xf32>
    %eq3A_1833 = arith.constant 5.000000e-01 : f32
    %eq3A_1834 = vector.broadcast %eq3A_1833 : f32 to vector<16xf32>
    %eq3A_1835 = arith.cmpf oeq, %sub3A_1829, %eq3A_1834 : vector<16xf32>
    %and3A_1836 = arith.constant 1 : i32
    %and3A_1837 = vector.broadcast %and3A_1836 : i32 to vector<16xi32>
    %and3A_1838 = arith.andi %convert_element_type3A_1827, %and3A_1837 : vector<16xi32>
    %eq3A_1839 = arith.constant 1 : i32
    %eq3A_1840 = vector.broadcast %eq3A_1839 : i32 to vector<16xi32>
    %eq3A_1841 = arith.cmpi eq, %and3A_1838, %eq3A_1840 : vector<16xi32>
    %and3A_1842 = arith.andi %eq3A_1835, %eq3A_1841 : vector<16xi1>
    %or3A_1843 = arith.ori %gt3A_1832, %and3A_1842 : vector<16xi1>
    %add3A_1844 = arith.constant 1 : i32
    %add3A_1845 = vector.broadcast %add3A_1844 : i32 to vector<16xi32>
    %add3A_1846 = arith.addi %convert_element_type3A_1827, %add3A_1845 : vector<16xi32>
    %select_n3A_1847 = arith.select %or3A_1843, %add3A_1846, %convert_element_type3A_1827 : vector<16xi1>, vector<16xi32>
    %gather3A_1848 = tpu.vector_load_idx %arg6[%select_n3A_1847] : memref<1001xf32, #tpu.memory_space<vmem>>[vector<16xi32>], vector<16xf32>,
    %swap3A_1849 = arith.constant 1008 : index
    %swap3A_1850 = tpu.vector_load %arg7[%swap3A_1849] {strides = array<i32>} : memref<1024xf32, #tpu.memory_space<vmem>>, vector<16xf32>,
    tpu.vector_store %arg7[%swap3A_1849], %gather3A_1848 {strides = array<i32>} : memref<1024xf32, #tpu.memory_space<vmem>>, vector<16xf32>,
    "tpu.region"() ({
      %run_scoped3A = tpu.sem_alloc : memref<!tpu.dma_semaphore, #tpu.memory_space<semaphore_mem>>
      %dma_start3A_1851 = tpu.memref_slice %arg4[%mul3A_2] : memref<16384xf32, #tpu.memory_space<hbm>> -> memref<1024xf32, #tpu.memory_space<hbm>>
      %dma_start3A_1852 = tpu.memref_slice %arg4[%mul3A_2] : memref<16384xf32, #tpu.memory_space<hbm>> -> memref<1024xf32, #tpu.memory_space<hbm>>
      tpu.enqueue_dma source(%arg7 : memref<1024xf32, #tpu.memory_space<vmem>>) target(%dma_start3A_1852 : memref<1024xf32, #tpu.memory_space<hbm>>) target_semaphore(%run_scoped3A : memref<!tpu.dma_semaphore, #tpu.memory_space<semaphore_mem>>)
      %dma_wait3A_1853 = tpu.memref_slice %arg4[%mul3A_2] : memref<16384xf32, #tpu.memory_space<hbm>> -> memref<1024xf32, #tpu.memory_space<hbm>>
      %dma_wait3A_1854 = tpu.memref_slice %arg4[%mul3A_2] : memref<16384xf32, #tpu.memory_space<hbm>> -> memref<1024xf32, #tpu.memory_space<hbm>>
      tpu.wait_dma2 semaphore(%run_scoped3A : memref<!tpu.dma_semaphore, #tpu.memory_space<semaphore_mem>>) src(%arg7 : memref<1024xf32, #tpu.memory_space<vmem>>) dst(%dma_wait3A_1854 : memref<1024xf32, #tpu.memory_space<hbm>>)
      tpu.yield
    }) : () -> ()
    return
  }
}

</mosaic_0001>

<sc_bundles>
// kernel: kernel.3.cloned.1.call-start
scs
__scs_entry_jumppad:
0x0: {  	(pc) =	sbr.rel $0x88, $3  }
0x1: {  	(tag) =	ssettag $0x0;
	lr =	simm.s32 $0x1  }
0x2: {  	[smem:$0x3F9F] =	sst lr;
	_ =	strace $0xD0000000  }
0x3: {  	_ = 	snop  }
0x4: {  	_ = 	snop  }
0x5: {  	_ = 	snop  }
0x6: {  	_ = 	snop  }
0x7: {  	_ = 	snop  }
__scs_overlays_trampoline_lowered:
0x8: {  	[smem:$0x3FAE] =	sst s0  }
0x9: {  	[smem:$0x3FAF] =	sst s1  }
0xa: {  	[smem:$0x3FB0] =	sst s2  }
0xb: {  	[smem:$0x3FB1] =	sst s3  }
0xc: {  	[smem:$0x3FB2] =	sst s4  }
0xd: {  	[smem:$0x3FB3] =	sst s5  }
0xe: {  	[smem:$0x3FB4] =	sst s6  }
0xf: {  	[smem:$0x3FB5] =	sst s7  }
0x10: {  	[smem:$0x3FB6] =	sst s8  }
0x11: {  	[smem:$0x3FB7] =	sst s9;
	s0 =	simm.s32 @!p0 $0x0  }
0x12: {  	s1 =	sld [smem:$0x3F9D];
	s0 =	simm.s32 @p0 $0x1  }
0x13: {  	[smem:$0x3FB8] =	sst s0;
	s0 =	simm.s32 @!p1 $0x0  }
0x14: {  	s2 =	sld [smem:$0x3F9C];
	s0 =	simm.s32 @p1 $0x1  }
0x15: {  	[smem:$0x3FB9] =	sst s0;
	s0 =	simm.s32 @!p2 $0x0  }
0x16: {  	s3 =	sld [smem:$0x3FDB];
	s0 =	simm.s32 @p2 $0x1  }
0x17: {  	s4 =	simm.s32 $0x1BF5;
	[smem:$0x3FBB] =	sst s0  }
0x18: {  	s0 =	sld [smem:$0x3F9E];
	_ =	swait.ge [sflag:s4], $0x0  }
0x19: {  	s7 =	sld [smem:$0x3F9F]  }
0x1a: {  	s8 =	sadd.s32 $0xFFFFE003, lr  }
0x1b: {  	s9 =	sadd.s32 $0xFFFFFEF7, lr;
	s5 =	simm.s32 $0xFFFFFFFF;
	p2 =	slt.u32 s8, $0xFFFFF086  }
0x1c: {  	p1 =	slt.u32 s9, $0xF7A;
	s5 =	simm.s32 @!p2 $0x0  }
0x1d: {  	s5 =	simm.s32 @p1 $0x1;
	p0 =	seq.s32 s7, s2  }
0x1e: {  	s7 =	smul.u32 @!p0 $0xF7A, s2;
	p2 =	seq.s32 @!p0 s5, $0x0  }
0x1f: {  	s9 =	smul.u32 $0xF7A, s1;
	s8 =	simm.s32 @!p0 $0x1BF5;
	p2 =	por !p2, p0  }
0x20: {  	[sflag:s8] =	ssyncset.s32 @!p0 $0xFFFFF086;
	s6 =	sadd.s32 @!p0 s3, s7;
	s7 =	simm.s32 @!p0 $0x108  }
0x21: {  	s3 =	sadd.s32 s3, s9;
	s6 =	sadd.s32 @!p0 $0x88, s6;
	s7 =	simm.s32 @p2 $0x1082  }
0x22: {  	[simem:s7], [sflag:s8] =	dma.local @!p0 [hbm:s6], $0xF7A  }
0x23: {  	s9 =	sor.u32 $0xD0000000, s2;
	s6 =	simm.s32 $0x108;
	_ =	swait.ge @!p0 [sflag:s8], $0x0  }
0x24: {  	s3 =	sadd.s32 $0x88, s3;
	s6 =	simm.s32 @!p1 $0x1082;
	[sflag:s4] =	ssyncset.s32 $0xFFFFF086  }
0x25: {  	[simem:s6], [sflag:s4] =	dma.local [hbm:s3], $0xF7A  }
0x26: {  	[smem:$0x3F9F] =	sst s1;
	(tag) =	ssettag s2;
	_ =	strace s9  }
0x27: {  	s1 =	sld [smem:$0x3FAF]  }
0x28: {  	s2 =	sld [smem:$0x3FB0]  }
0x29: {  	s4 =	sld [smem:$0x3FB2]  }
0x2a: {  	p0 =	seq.s32 s5, $0x0;
	s5 =	sld [smem:$0x3FB3]  }
0x2b: {  	s6 =	sld [smem:$0x3FB4]  }
0x2c: {  	s7 =	sld [smem:$0x3FB5]  }
0x2d: {  	s3 =	simm.s32 $0x108;
	s8 =	sld [smem:$0x3FB6]  }
0x2e: {  	s3 =	simm.s32 @!p0 $0x1082;
	s9 =	sld [smem:$0x3FB7]  }
0x2f: {  	lr =	sadd.s32 s0, s3;
	s0 =	sld [smem:$0x3FAE]  }
0x30: {  	s3 =	sld [smem:$0x3FB1]  }
0x31: {  	[smem:$0x3FBA] =	sst s10  }
0x32: {  	s10 =	sld [smem:$0x3FB8];
	_ =	sdelay $0x3  }
0x33: {  	p0 =	seq.s32 s10, $0x1;
	s10 =	sld [smem:$0x3FBA];
	_ =	sdelay $0x3  }
0x34: {  	[smem:$0x3FBA] =	sst s10  }
0x35: {  	s10 =	sld [smem:$0x3FB9];
	_ =	sdelay $0x3  }
0x36: {  	p1 =	seq.s32 s10, $0x1;
	s10 =	sld [smem:$0x3FBA];
	_ =	sdelay $0x3  }
0x37: {  	[smem:$0x3FBA] =	sst s10  }
0x38: {  	s10 =	sld [smem:$0x3FBB]  }
0x39: {  	_ = 	snop;
	(pc) =	sbr.ind lr, $3  }
0x3a: {  	_ = 	snop  }
0x3b: {  	_ = 	snop  }
0x3c: {  	p2 =	seq.s32 s10, $0x1;
	s10 =	sld [smem:$0x3FBA]  }
0x3d: {  	_ =	shalt  }
0x3e: {  	_ =	shalt  }
0x3f: {  	_ =	shalt  }
0x40: {  	_ =	shalt  }
0x41: {  	_ =	shalt  }
0x42: {  	_ =	shalt  }
0x43: {  	_ =	shalt  }
0x44: {  	_ =	shalt  }
0x45: {  	_ =	shalt  }
0x46: {  	_ =	shalt  }
0x47: {  	_ =	shalt  }
0x48: {  	_ =	shalt  }
0x49: {  	_ =	shalt  }
0x4a: {  	_ =	shalt  }
0x4b: {  	_ =	shalt  }
0x4c: {  	_ =	shalt  }
0x4d: {  	_ =	shalt  }
0x4e: {  	_ =	shalt  }
0x4f: {  	_ =	shalt  }
0x50: {  	_ =	shalt  }
0x51: {  	_ =	shalt  }
0x52: {  	_ =	shalt  }
0x53: {  	_ =	shalt  }
0x54: {  	_ =	shalt  }
0x55: {  	_ =	shalt  }
0x56: {  	_ =	shalt  }
0x57: {  	_ =	shalt  }
0x58: {  	_ =	shalt  }
0x59: {  	_ =	shalt  }
0x5a: {  	_ =	shalt  }
0x5b: {  	_ =	shalt  }
0x5c: {  	_ =	shalt  }
0x5d: {  	_ =	shalt  }
0x5e: {  	_ =	shalt  }
0x5f: {  	_ =	shalt  }
0x60: {  	_ =	shalt  }
0x61: {  	_ =	shalt  }
0x62: {  	_ =	shalt  }
0x63: {  	_ =	shalt  }
0x64: {  	_ =	shalt  }
0x65: {  	_ =	shalt  }
0x66: {  	_ =	shalt  }
0x67: {  	_ =	shalt  }
0x68: {  	_ =	shalt  }
0x69: {  	_ =	shalt  }
0x6a: {  	_ =	shalt  }
0x6b: {  	_ =	shalt  }
0x6c: {  	_ =	shalt  }
0x6d: {  	_ =	shalt  }
0x6e: {  	_ =	shalt  }
0x6f: {  	_ =	shalt  }
0x70: {  	_ =	shalt  }
0x71: {  	_ =	shalt  }
0x72: {  	_ =	shalt  }
0x73: {  	_ =	shalt  }
0x74: {  	_ =	shalt  }
0x75: {  	_ =	shalt  }
0x76: {  	_ =	shalt  }
0x77: {  	_ =	shalt  }
0x78: {  	_ =	shalt  }
0x79: {  	_ =	shalt  }
0x7a: {  	_ =	shalt  }
0x7b: {  	_ =	shalt  }
0x7c: {  	_ =	shalt  }
0x7d: {  	_ =	shalt  }
0x7e: {  	_ =	shalt  }
0x7f: {  	_ =	shalt  }
0x80: {  	_ =	shalt  }
0x81: {  	_ =	shalt  }
0x82: {  	_ =	shalt  }
0x83: {  	_ =	shalt  }
0x84: {  	_ =	shalt  }
0x85: {  	_ =	shalt  }
0x86: {  	_ =	shalt  }
0x87: {  	_ =	shalt  }
.Lfunc_end0:
.L_simem_size_0:
called_computation_lowered:
.L_overlay_start_0:
0x88: {  	s0 =	sld [smem:$0x3FD9]  }
0x89: {  	s1 =	sld [smem:$0x3FFE];
	_ =	sdelay $0x3  }
0x8a: {  	s0 =	sadd.s32 s1, s0  }
0x8b: {  	[smem:$0x3FC6] =	sst s0  }
0x8c: {  	_ = 	snop  }
0x8d: {  	s0 =	sld [smem:$0x3FC9]  }
0x8e: {  	s17 =	sld [smem:$0x3FC8]  }
0x8f: {  	s2 =	sld [smem:$0x3FD0];
	(tm) =	ssettm $0x1  }
0x90: {  	s3 =	sld [smem:$0x3FFB];
	_ =	sdelay $0x3  }
0x91: {  	_ =	strace s3  }
0x92: {  	s3 =	sld [smem:$0x3FFC];
	_ =	sdelay $0x3  }
0x93: {  	_ =	strace s3  }
0x94: {  	s3 =	sld [smem:$0x3FFD];
	_ =	sdelay $0x3  }
0x95: {  	_ =	strace s3  }
0x96: {  	_ =	strace $0x8FFFFFFF  }
0x97: {  	s18 =	sld [smem:$0x3FDB];
	_ =	sdelay $0x1  }
0x98: {  	s4 =	simm.s32 $_scs_section_size  }
0x99: {  	s5 =	simm.s32 $_size__tile_overlayer_lowered;
	s6 =	simm.s32 $_tile_overlayer_lowered  }
0x9a: {  	s21 =	simm.s32 $0x1BFF;
	s20 =	sshll.u32 s6, $0x1;
	s3 =	sadd.s32 s4, s18  }
0x9b: {  	s7 =	simm.s32 $0x0;
	s19 =	sshll.u32 s5, $0x1;
	s5 =	sadd.s32 s20, s3  }
0x9c: {  	[timem:s7], [sflag:s21] =	dma.local [hbm:s5], s19  }
0x9d: {  	_ =	swait.ge [sflag:s21], s19  }
0x9e: {  	s4 =	ssub.s32 $0x0, s19;
	[sflag:s21] =	ssyncset.done $0x0  }
0x9f: {  	[sflag:s21] =	ssyncadd.s32 s4;
	_ =	sdelay $0x1  }
0xa0: {  	s22 =	simm.s32 $0x1B8B  }
0xa1: {  	_ =	swait.ge [sflag:s22], $0x1  }
0xa2: {  	[sflag:s22] =	ssyncset.done $0x0  }
0xa3: {  	s23 =	simm.s32 $0x1B8E;
	[sflag:s22] =	ssyncadd.s32 $0xFFFFFFFF  }
0xa4: {  	s24 =	simm.s32 $execute0_lowered;
	[smem:$0x3FD2] =	sst s23  }
0xa5: {  	s4 =	sshll.u32 s24, $0x1;
	_ =	strace $0x80000046;
	[dreg:$0x1] =	wrdreg $0xFFFFFFFF  }
0xa6: {  	s25 =	simm.s32 $_size_execute0_lowered;
	s3 =	sadd.s32 s3, s4;
	[dreg:$0x0] =	wrdreg $0x0  }
0xa7: {  	s4 =	sshll.u32 s25, $0x1;
	[dreg:$0x2] =	wrdreg s3  }
0xa8: {  	[dreg:$0x3] =	wrdreg s4  }
0xa9: {  	[dreg:$0x4] =	wrdreg $0xC0  }
0xaa: {  	_ =	task [dreg:s7], $0x5FFFF  }
0xab: {  	[dreg:$0x1] =	wrdreg $0xFFFFFFFF  }
0xac: {  	[dreg:$0x0] =	wrdreg $0x60  }
0xad: {  	[dreg:$0x2] =	wrdreg s0  }
0xae: {  	[dreg:$0x3] =	wrdreg s17  }
0xaf: {  	[dreg:$0x4] =	wrdreg s2  }
0xb0: {  	[dreg:$0x5] =	wrdreg $0x9  }
0xb1: {  	_ =	task.clear_ibuf [dreg:s7], $0x6FFFF;
	_ =	strace $0x90000046  }
0xb2: {  	s26 =	simm.s32 $0x9;
	_ =	strace $0x80000048  }
0xb3: {  	_ =	swait.ge [sflag:s26], $0x1  }
0xb4: {  	[sflag:s26] =	ssyncadd.s32 $0xFFFFFFFF  }
0xb5: {  	_ =	strace $0x90000048  }
0xb6: {  	_ =	sfence  }
0xb7: {  	s28 =	sld [smem:$0x0];
	_ =	sdelay $0x1  }
0xb8: {  	s29 =	srdreg.scid  }
0xb9: {  	s30 =	sshll.u32 s29, $0xD;
	s31 =	sshrl.u32 s29, $0x2  }
0xba: {  	s1 =	sand.u32 $0x1, s29;
	s2 =	sand.u32 $0x4000, s30;
	s0 =	sadd.s32 s31, s28  }
0xbb: {  	s1 =	sor.u32 s2, s1;
	s0 =	sshll.u32 s0, $0x11  }
0xbc: {  	s0 =	sor.u32 s0, s1  }
0xbd: {  	s0 =	sadd.s32 $0x8F2B, s0  }
0xbe: {  	[sflag:s0] =	ssyncadd.remote.s32 $0x1  }
0xbf: {  	_ =	sfence.sel $0xFFFF  }
0xc0: {  	[dreg:$0x0] =	wrdreg $0xFFFFFFFF;
	(pc) =	sbr.abs _section_cstart, $3  }
0xc1: {  	[dreg:$0x1] =	wrdreg $0xFFFFFFFF  }
0xc2: {  	_ =	task.clear_ibuf [dreg:s7], $0x2FFFF;
	_ =	strace $0x9FFFFFFF  }
0xc3: {  	(tm) =	ssettm $0x7FFFFFFF  }
tec
execute0_lowered:
.L_overlay_start_1:
0x0: {  	(tag) =	ssettag $0x1  }
0x1: {  	s6 =	rddreg [dreg:$0x0]  }
0x2: {  	s5 =	rddreg [dreg:$0x1]  }
0x3: {  	s3 =	rddreg [dreg:$0x2]  }
0x4: {  	s0 =	rddreg [dreg:$0x3];
	s2 =	simm.s32 $0x0  }
0x5: {  	s1 =	stileid.u32;
	[smem:$0x7FF] =	sst s2  }
0x6: {  	s4 =	simm.s32 $0x400;
	s26 =	sshll.u32 s1, $0x7;
	_ =	strace $0x80000047  }
0x7: {  	[tilespmem:s4], [sflag:$0x1] =	stream.linear.gather [hbm4b:s5+s2], $0x400, $0x38;
	[tilespmem:$0xC00] =	vst v63  }
0x8: {  	s28 =	simm.s32 $0x1;
	s6 =	sadd.s32 s6, s26  }
0x9: {  	[tilespmem:s2], [sflag:$0x2] =	stream.linear.gather [hbm4b:s6+s2], $0x400, $0x38;
	[tilespmem:$0xC00] =	vst v63  }
0xa: {  	_ =	swait.ge [sflag:s28], $0x400  }
0xb: {  	[sflag:s28] =	ssyncset.done $0x0  }
0xc: {  	s29 =	simm.s32 $0x2;
	[sflag:s28] =	ssyncadd.s32 $0xFFFFFC00  }
0xd: {  	_ =	swait.ge [sflag:s29], $0x400  }
0xe: {  	[sflag:s29] =	ssyncset.done $0x0  }
0xf: {  	[sflag:s29] =	ssyncadd.s32 $0xFFFFFC00  }
0x10: {  	v0 =	vld [tilespmem:$0x0];
	_ =	sdelay $0x4  }
0x11: {  	v0 =	vmul.f32 $1.000000000e+03, v0  }
0x12: {  	v1 =	vld [tilespmem:$0x10]  }
0x13: {  	v2 =	vtrunc.f32 v0  }
0x14: {  	v2 =	vcvt.f32.s32 v2;
	_ =	sdelay $0x1  }
0x15: {  	v3 =	vcvt.s32.f32 v2  }
0x16: {  	v1 =	vmul.f32 $1.000000000e+03, v1  }
0x17: {  	v12 =	vld [tilespmem:$0x20];
	v0 =	vsub.f32 v0, v3  }
0x18: {  	v5 =	vtrunc.f32 v1;
	v4 =	vand.u32 $0x1, v2  }
0x19: {  	v13 =	vcvt.f32.s32 v5;
	vm1 =	veq.s32 v4, $0x1;
	vm0 =	veq.f32 v0, $5.000000000e-01  }
0x1a: {  	vm2 =	vgt.f32 v0, $5.000000000e-01;
	vm0 =	vmand vm0, vm1  }
0x1b: {  	v5 =	vcvt.s32.f32 v13;
	v0 =	vimm.s32 $0x0;
	vm0 =	vmor vm2, vm0  }
0x1c: {  	v3 =	vmul.f32 $1.000000000e+03, v12;
	v6 =	vsel vm0, $0x1, v0  }
0x1d: {  	v14 =	vld [tilespmem:$0x30];
	v1 =	vsub.f32 v1, v5;
	v2 =	vadd.s32 v2, v6  }
0x1e: {  	v15 =	vand.u32 $0x1, v13;
	v7 =	vtrunc.f32 v3  }
0x1f: {  	vm8 =	veq.s32 v15, $0x1;
	vm7 =	veq.f32 v1, $5.000000000e-01;
	v16 =	vcvt.f32.s32 v7  }
0x20: {  	vm9 =	vgt.f32 v1, $5.000000000e-01;
	vm0 =	vmand vm7, vm8  }
0x21: {  	v17 =	vcvt.s32.f32 v16;
	vm0 =	vmor vm9, vm0  }
0x22: {  	v5 =	vmul.f32 $1.000000000e+03, v14;
	v18 =	vsel vm0, $0x1, v0;
	v2 =	vld.idx.msk [tilespmem:v2+s4+$0x0], $0xffff  }
0x23: {  	v19 =	vld [tilespmem:$0x40];
	v1 =	vsub.f32 v3, v17;
	v4 =	vadd.s32 v13, v18  }
0x24: {  	v8 =	vtrunc.f32 v5;
	v20 =	vand.u32 $0x1, v16  }
0x25: {  	v21 =	vcvt.f32.s32 v8;
	vm11 =	veq.s32 v20, $0x1;
	vm10 =	veq.f32 v1, $5.000000000e-01  }
0x26: {  	vm12 =	vgt.f32 v1, $5.000000000e-01;
	vm0 =	vmand vm10, vm11  }
0x27: {  	v22 =	vcvt.s32.f32 v21;
	vm0 =	vmor vm12, vm0;
	[tilespmem:$0x800] =	vst v2  }
0x28: {  	v3 =	vmul.f32 $1.000000000e+03, v19;
	v23 =	vsel vm0, $0x1, v0;
	v2 =	vld.idx.msk [tilespmem:v4+s4+$0x0], $0xffff  }
0x29: {  	v24 =	vld [tilespmem:$0x50];
	v1 =	vsub.f32 v5, v22;
	v4 =	vadd.s32 v16, v23  }
0x2a: {  	v25 =	vand.u32 $0x1, v21;
	v26 =	vtrunc.f32 v3  }
0x2b: {  	vm14 =	veq.s32 v25, $0x1;
	v27 =	vcvt.f32.s32 v26;
	vm13 =	veq.f32 v1, $5.000000000e-01  }
0x2c: {  	vm15 =	vgt.f32 v1, $5.000000000e-01;
	vm0 =	vmand vm13, vm14  }
0x2d: {  	v28 =	vcvt.s32.f32 v27;
	vm0 =	vmor vm15, vm0;
	[tilespmem:$0x810] =	vst v2  }
0x2e: {  	v5 =	vmul.f32 $1.000000000e+03, v24;
	v29 =	vsel vm0, $0x1, v0;
	v2 =	vld.idx.msk [tilespmem:v4+s4+$0x0], $0xffff  }
0x2f: {  	v30 =	vld [tilespmem:$0x60];
	v1 =	vsub.f32 v3, v28;
	v4 =	vadd.s32 v21, v29  }
0x30: {  	v32 =	vtrunc.f32 v5;
	v31 =	vand.u32 $0x1, v27  }
0x31: {  	v33 =	vcvt.f32.s32 v32;
	vm5 =	veq.s32 v31, $0x1;
	vm4 =	veq.f32 v1, $5.000000000e-01  }
0x32: {  	vm6 =	vgt.f32 v1, $5.000000000e-01;
	vm0 =	vmand vm4, vm5  }
0x33: {  	v34 =	vcvt.s32.f32 v33;
	vm0 =	vmor vm6, vm0;
	[tilespmem:$0x820] =	vst v2  }
0x34: {  	v3 =	vmul.f32 $1.000000000e+03, v30;
	v35 =	vsel vm0, $0x1, v0;
	v2 =	vld.idx.msk [tilespmem:v4+s4+$0x0], $0xffff  }
0x35: {  	v36 =	vld [tilespmem:$0x70];
	v1 =	vsub.f32 v5, v34;
	v4 =	vadd.s32 v27, v35  }
0x36: {  	v37 =	vand.u32 $0x1, v33;
	v38 =	vtrunc.f32 v3  }
0x37: {  	vm8 =	veq.s32 v37, $0x1;
	v39 =	vcvt.f32.s32 v38;
	vm7 =	veq.f32 v1, $5.000000000e-01  }
0x38: {  	vm9 =	vgt.f32 v1, $5.000000000e-01;
	vm0 =	vmand vm7, vm8  }
0x39: {  	v40 =	vcvt.s32.f32 v39;
	vm0 =	vmor vm9, vm0;
	[tilespmem:$0x830] =	vst v2  }
0x3a: {  	v5 =	vmul.f32 $1.000000000e+03, v36;
	v41 =	vsel vm0, $0x1, v0;
	v2 =	vld.idx.msk [tilespmem:v4+s4+$0x0], $0xffff  }
0x3b: {  	v42 =	vld [tilespmem:$0x80];
	v1 =	vsub.f32 v3, v40;
	v4 =	vadd.s32 v33, v41  }
0x3c: {  	v44 =	vtrunc.f32 v5;
	v43 =	vand.u32 $0x1, v39  }
0x3d: {  	v45 =	vcvt.f32.s32 v44;
	vm11 =	veq.s32 v43, $0x1;
	vm10 =	veq.f32 v1, $5.000000000e-01  }
0x3e: {  	vm12 =	vgt.f32 v1, $5.000000000e-01;
	vm0 =	vmand vm10, vm11  }
0x3f: {  	v46 =	vcvt.s32.f32 v45;
	vm0 =	vmor vm12, vm0;
	[tilespmem:$0x840] =	vst v2  }
0x40: {  	v3 =	vmul.f32 $1.000000000e+03, v42;
	v47 =	vsel vm0, $0x1, v0;
	v2 =	vld.idx.msk [tilespmem:v4+s4+$0x0], $0xffff  }
0x41: {  	v48 =	vld [tilespmem:$0x90];
	v1 =	vsub.f32 v5, v46;
	v4 =	vadd.s32 v39, v47  }
0x42: {  	v49 =	vand.u32 $0x1, v45;
	v50 =	vtrunc.f32 v3  }
0x43: {  	vm14 =	veq.s32 v49, $0x1;
	v51 =	vcvt.f32.s32 v50;
	vm13 =	veq.f32 v1, $5.000000000e-01  }
0x44: {  	vm15 =	vgt.f32 v1, $5.000000000e-01;
	vm0 =	vmand vm13, vm14  }
0x45: {  	v52 =	vcvt.s32.f32 v51;
	vm0 =	vmor vm15, vm0;
	[tilespmem:$0x850] =	vst v2  }
0x46: {  	v5 =	vmul.f32 $1.000000000e+03, v48;
	v53 =	vsel vm0, $0x1, v0;
	v2 =	vld.idx.msk [tilespmem:v4+s4+$0x0], $0xffff  }
0x47: {  	v54 =	vld [tilespmem:$0xA0];
	v1 =	vsub.f32 v3, v52;
	v4 =	vadd.s32 v45, v53  }
0x48: {  	v56 =	vtrunc.f32 v5;
	v55 =	vand.u32 $0x1, v51  }
0x49: {  	v57 =	vcvt.f32.s32 v56;
	vm5 =	veq.s32 v55, $0x1;
	vm4 =	veq.f32 v1, $5.000000000e-01  }
0x4a: {  	vm6 =	vgt.f32 v1, $5.000000000e-01;
	vm0 =	vmand vm4, vm5  }
0x4b: {  	v58 =	vcvt.s32.f32 v57;
	vm0 =	vmor vm6, vm0;
	[tilespmem:$0x860] =	vst v2  }
0x4c: {  	v3 =	vmul.f32 $1.000000000e+03, v54;
	v59 =	vsel vm0, $0x1, v0;
	v2 =	vld.idx.msk [tilespmem:v4+s4+$0x0], $0xffff  }
0x4d: {  	v60 =	vld [tilespmem:$0xB0];
	v1 =	vsub.f32 v5, v58;
	v4 =	vadd.s32 v51, v59  }
0x4e: {  	v61 =	vand.u32 $0x1, v57;
	v62 =	vtrunc.f32 v3  }
0x4f: {  	vm8 =	veq.s32 v61, $0x1;
	v63 =	vcvt.f32.s32 v62;
	vm7 =	veq.f32 v1, $5.000000000e-01  }
0x50: {  	vm9 =	vgt.f32 v1, $5.000000000e-01;
	vm0 =	vmand vm7, vm8  }
0x51: {  	v10 =	vcvt.s32.f32 v63;
	vm0 =	vmor vm9, vm0;
	[tilespmem:$0x870] =	vst v2  }
0x52: {  	v5 =	vmul.f32 $1.000000000e+03, v60;
	v11 =	vsel vm0, $0x1, v0;
	v2 =	vld.idx.msk [tilespmem:v4+s4+$0x0], $0xffff  }
0x53: {  	v12 =	vld [tilespmem:$0xC0];
	v1 =	vsub.f32 v3, v10;
	v4 =	vadd.s32 v57, v11  }
0x54: {  	v14 =	vtrunc.f32 v5;
	v13 =	vand.u32 $0x1, v63  }
0x55: {  	v15 =	vcvt.f32.s32 v14;
	vm11 =	veq.s32 v13, $0x1;
	vm10 =	veq.f32 v1, $5.000000000e-01  }
0x56: {  	vm12 =	vgt.f32 v1, $5.000000000e-01;
	vm0 =	vmand vm10, vm11  }
0x57: {  	v16 =	vcvt.s32.f32 v15;
	vm0 =	vmor vm12, vm0;
	[tilespmem:$0x880] =	vst v2  }
0x58: {  	v3 =	vmul.f32 $1.000000000e+03, v12;
	v17 =	vsel vm0, $0x1, v0;
	v2 =	vld.idx.msk [tilespmem:v4+s4+$0x0], $0xffff  }
0x59: {  	v18 =	vld [tilespmem:$0xD0];
	v1 =	vsub.f32 v5, v16;
	v4 =	vadd.s32 v63, v17  }
0x5a: {  	v19 =	vand.u32 $0x1, v15;
	v20 =	vtrunc.f32 v3  }
0x5b: {  	vm14 =	veq.s32 v19, $0x1;
	v21 =	vcvt.f32.s32 v20;
	vm13 =	veq.f32 v1, $5.000000000e-01  }
0x5c: {  	vm15 =	vgt.f32 v1, $5.000000000e-01;
	vm0 =	vmand vm13, vm14  }
0x5d: {  	v22 =	vcvt.s32.f32 v21;
	vm0 =	vmor vm15, vm0;
	[tilespmem:$0x890] =	vst v2  }
0x5e: {  	v5 =	vmul.f32 $1.000000000e+03, v18;
	v23 =	vsel vm0, $0x1, v0;
	v2 =	vld.idx.msk [tilespmem:v4+s4+$0x0], $0xffff  }
0x5f: {  	v24 =	vld [tilespmem:$0xE0];
	v1 =	vsub.f32 v3, v22;
	v4 =	vadd.s32 v15, v23  }
0x60: {  	v26 =	vtrunc.f32 v5;
	v25 =	vand.u32 $0x1, v21  }
0x61: {  	v27 =	vcvt.f32.s32 v26;
	vm5 =	veq.s32 v25, $0x1;
	vm4 =	veq.f32 v1, $5.000000000e-01  }
0x62: {  	vm6 =	vgt.f32 v1, $5.000000000e-01;
	vm0 =	vmand vm4, vm5  }
0x63: {  	v28 =	vcvt.s32.f32 v27;
	vm0 =	vmor vm6, vm0;
	[tilespmem:$0x8A0] =	vst v2  }
0x64: {  	v3 =	vmul.f32 $1.000000000e+03, v24;
	v29 =	vsel vm0, $0x1, v0;
	v2 =	vld.idx.msk [tilespmem:v4+s4+$0x0], $0xffff  }
0x65: {  	v30 =	vld [tilespmem:$0xF0];
	v1 =	vsub.f32 v5, v28;
	v4 =	vadd.s32 v21, v29  }
0x66: {  	v31 =	vand.u32 $0x1, v27;
	v32 =	vtrunc.f32 v3  }
0x67: {  	vm8 =	veq.s32 v31, $0x1;
	v33 =	vcvt.f32.s32 v32;
	vm7 =	veq.f32 v1, $5.000000000e-01  }
0x68: {  	vm9 =	vgt.f32 v1, $5.000000000e-01;
	vm0 =	vmand vm7, vm8  }
0x69: {  	v34 =	vcvt.s32.f32 v33;
	vm0 =	vmor vm9, vm0;
	[tilespmem:$0x8B0] =	vst v2  }
0x6a: {  	v5 =	vmul.f32 $1.000000000e+03, v30;
	v35 =	vsel vm0, $0x1, v0;
	v2 =	vld.idx.msk [tilespmem:v4+s4+$0x0], $0xffff  }
0x6b: {  	v36 =	vld [tilespmem:$0x100];
	v1 =	vsub.f32 v3, v34;
	v4 =	vadd.s32 v27, v35  }
0x6c: {  	v38 =	vtrunc.f32 v5;
	v37 =	vand.u32 $0x1, v33  }
0x6d: {  	v39 =	vcvt.f32.s32 v38;
	vm11 =	veq.s32 v37, $0x1;
	vm10 =	veq.f32 v1, $5.000000000e-01  }
0x6e: {  	vm12 =	vgt.f32 v1, $5.000000000e-01;
	vm0 =	vmand vm10, vm11  }
0x6f: {  	v40 =	vcvt.s32.f32 v39;
	vm0 =	vmor vm12, vm0;
	[tilespmem:$0x8C0] =	vst v2  }
0x70: {  	v3 =	vmul.f32 $1.000000000e+03, v36;
	v41 =	vsel vm0, $0x1, v0;
	v2 =	vld.idx.msk [tilespmem:v4+s4+$0x0], $0xffff  }
0x71: {  	v42 =	vld [tilespmem:$0x110];
	v1 =	vsub.f32 v5, v40;
	v4 =	vadd.s32 v33, v41  }
0x72: {  	v43 =	vand.u32 $0x1, v39;
	v44 =	vtrunc.f32 v3  }
0x73: {  	vm14 =	veq.s32 v43, $0x1;
	v45 =	vcvt.f32.s32 v44;
	vm13 =	veq.f32 v1, $5.000000000e-01  }
0x74: {  	vm15 =	vgt.f32 v1, $5.000000000e-01;
	vm0 =	vmand vm13, vm14  }
0x75: {  	v46 =	vcvt.s32.f32 v45;
	vm0 =	vmor vm15, vm0;
	[tilespmem:$0x8D0] =	vst v2  }
0x76: {  	v5 =	vmul.f32 $1.000000000e+03, v42;
	v47 =	vsel vm0, $0x1, v0;
	v2 =	vld.idx.msk [tilespmem:v4+s4+$0x0], $0xffff  }
0x77: {  	v48 =	vld [tilespmem:$0x120];
	v1 =	vsub.f32 v3, v46;
	v4 =	vadd.s32 v39, v47  }
0x78: {  	v50 =	vtrunc.f32 v5;
	v49 =	vand.u32 $0x1, v45  }
0x79: {  	v51 =	vcvt.f32.s32 v50;
	vm5 =	veq.s32 v49, $0x1;
	vm4 =	veq.f32 v1, $5.000000000e-01  }
0x7a: {  	vm6 =	vgt.f32 v1, $5.000000000e-01;
	vm0 =	vmand vm4, vm5  }
0x7b: {  	v52 =	vcvt.s32.f32 v51;
	vm0 =	vmor vm6, vm0;
	[tilespmem:$0x8E0] =	vst v2  }
0x7c: {  	v3 =	vmul.f32 $1.000000000e+03, v48;
	v53 =	vsel vm0, $0x1, v0;
	v2 =	vld.idx.msk [tilespmem:v4+s4+$0x0], $0xffff  }
0x7d: {  	v54 =	vld [tilespmem:$0x130];
	v1 =	vsub.f32 v5, v52;
	v4 =	vadd.s32 v45, v53  }
0x7e: {  	v55 =	vand.u32 $0x1, v51;
	v56 =	vtrunc.f32 v3  }
0x7f: {  	vm8 =	veq.s32 v55, $0x1;
	v57 =	vcvt.f32.s32 v56;
	vm7 =	veq.f32 v1, $5.000000000e-01  }
0x80: {  	vm9 =	vgt.f32 v1, $5.000000000e-01;
	vm0 =	vmand vm7, vm8  }
0x81: {  	v58 =	vcvt.s32.f32 v57;
	vm0 =	vmor vm9, vm0;
	[tilespmem:$0x8F0] =	vst v2  }
0x82: {  	v5 =	vmul.f32 $1.000000000e+03, v54;
	v59 =	vsel vm0, $0x1, v0;
	v2 =	vld.idx.msk [tilespmem:v4+s4+$0x0], $0xffff  }
0x83: {  	v60 =	vld [tilespmem:$0x140];
	v1 =	vsub.f32 v3, v58;
	v4 =	vadd.s32 v51, v59  }
0x84: {  	v62 =	vtrunc.f32 v5;
	v61 =	vand.u32 $0x1, v57  }
0x85: {  	vm11 =	veq.s32 v61, $0x1;
	vm10 =	veq.f32 v1, $5.000000000e-01;
	v63 =	vcvt.f32.s32 v62  }
0x86: {  	vm12 =	vgt.f32 v1, $5.000000000e-01;
	vm0 =	vmand vm10, vm11  }
0x87: {  	vm0 =	vmor vm12, vm0;
	v10 =	vcvt.s32.f32 v63;
	[tilespmem:$0x900] =	vst v2  }
0x88: {  	v3 =	vmul.f32 $1.000000000e+03, v60;
	v11 =	vsel vm0, $0x1, v0;
	v2 =	vld.idx.msk [tilespmem:v4+s4+$0x0], $0xffff  }
0x89: {  	v12 =	vld [tilespmem:$0x150];
	v1 =	vsub.f32 v5, v10;
	v4 =	vadd.s32 v57, v11  }
0x8a: {  	v14 =	vtrunc.f32 v3;
	v13 =	vand.u32 $0x1, v63  }
0x8b: {  	vm14 =	veq.s32 v13, $0x1;
	vm13 =	veq.f32 v1, $5.000000000e-01;
	v15 =	vcvt.f32.s32 v14  }
0x8c: {  	vm15 =	vgt.f32 v1, $5.000000000e-01;
	vm0 =	vmand vm13, vm14  }
0x8d: {  	vm0 =	vmor vm15, vm0;
	v16 =	vcvt.s32.f32 v15;
	[tilespmem:$0x910] =	vst v2  }
0x8e: {  	v5 =	vmul.f32 $1.000000000e+03, v12;
	v17 =	vsel vm0, $0x1, v0;
	v2 =	vld.idx.msk [tilespmem:v4+s4+$0x0], $0xffff  }
0x8f: {  	v18 =	vld [tilespmem:$0x160];
	v1 =	vsub.f32 v3, v16;
	v4 =	vadd.s32 v63, v17  }
0x90: {  	v20 =	vtrunc.f32 v5;
	v19 =	vand.u32 $0x1, v15  }
0x91: {  	vm5 =	veq.s32 v19, $0x1;
	vm4 =	veq.f32 v1, $5.000000000e-01;
	v21 =	vcvt.f32.s32 v20  }
0x92: {  	vm6 =	vgt.f32 v1, $5.000000000e-01;
	vm0 =	vmand vm4, vm5  }
0x93: {  	vm0 =	vmor vm6, vm0;
	v22 =	vcvt.s32.f32 v21;
	[tilespmem:$0x920] =	vst v2  }
0x94: {  	v3 =	vmul.f32 $1.000000000e+03, v18;
	v23 =	vsel vm0, $0x1, v0;
	v2 =	vld.idx.msk [tilespmem:v4+s4+$0x0], $0xffff  }
0x95: {  	v24 =	vld [tilespmem:$0x170];
	v1 =	vsub.f32 v5, v22;
	v4 =	vadd.s32 v15, v23  }
0x96: {  	v26 =	vtrunc.f32 v3;
	v25 =	vand.u32 $0x1, v21  }
0x97: {  	vm8 =	veq.s32 v25, $0x1;
	vm7 =	veq.f32 v1, $5.000000000e-01;
	v27 =	vcvt.f32.s32 v26  }
0x98: {  	vm9 =	vgt.f32 v1, $5.000000000e-01;
	vm0 =	vmand vm7, vm8  }
0x99: {  	vm0 =	vmor vm9, vm0;
	v28 =	vcvt.s32.f32 v27;
	[tilespmem:$0x930] =	vst v2  }
0x9a: {  	v5 =	vmul.f32 $1.000000000e+03, v24;
	v29 =	vsel vm0, $0x1, v0;
	v2 =	vld.idx.msk [tilespmem:v4+s4+$0x0], $0xffff  }
0x9b: {  	v30 =	vld [tilespmem:$0x180];
	v1 =	vsub.f32 v3, v28;
	v4 =	vadd.s32 v21, v29  }
0x9c: {  	v32 =	vtrunc.f32 v5;
	v31 =	vand.u32 $0x1, v27  }
0x9d: {  	vm11 =	veq.s32 v31, $0x1;
	vm10 =	veq.f32 v1, $5.000000000e-01;
	v33 =	vcvt.f32.s32 v32  }
0x9e: {  	vm12 =	vgt.f32 v1, $5.000000000e-01;
	vm0 =	vmand vm10, vm11  }
0x9f: {  	vm0 =	vmor vm12, vm0;
	v34 =	vcvt.s32.f32 v33;
	[tilespmem:$0x940] =	vst v2  }
0xa0: {  	v3 =	vmul.f32 $1.000000000e+03, v30;
	v35 =	vsel vm0, $0x1, v0;
	v2 =	vld.idx.msk [tilespmem:v4+s4+$0x0], $0xffff  }
0xa1: {  	v36 =	vld [tilespmem:$0x190];
	v1 =	vsub.f32 v5, v34;
	v4 =	vadd.s32 v27, v35  }
0xa2: {  	v38 =	vtrunc.f32 v3;
	v37 =	vand.u32 $0x1, v33  }
0xa3: {  	vm14 =	veq.s32 v37, $0x1;
	vm13 =	veq.f32 v1, $5.000000000e-01;
	v39 =	vcvt.f32.s32 v38  }
0xa4: {  	vm15 =	vgt.f32 v1, $5.000000000e-01;
	vm0 =	vmand vm13, vm14  }
0xa5: {  	vm0 =	vmor vm15, vm0;
	v40 =	vcvt.s32.f32 v39;
	[tilespmem:$0x950] =	vst v2  }
0xa6: {  	v5 =	vmul.f32 $1.000000000e+03, v36;
	v41 =	vsel vm0, $0x1, v0;
	v2 =	vld.idx.msk [tilespmem:v4+s4+$0x0], $0xffff  }
0xa7: {  	v42 =	vld [tilespmem:$0x1A0];
	v1 =	vsub.f32 v3, v40;
	v4 =	vadd.s32 v33, v41  }
0xa8: {  	v44 =	vtrunc.f32 v5;
	v43 =	vand.u32 $0x1, v39  }
0xa9: {  	vm5 =	veq.s32 v43, $0x1;
	vm4 =	veq.f32 v1, $5.000000000e-01;
	v45 =	vcvt.f32.s32 v44  }
0xaa: {  	vm6 =	vgt.f32 v1, $5.000000000e-01;
	vm0 =	vmand vm4, vm5  }
0xab: {  	vm0 =	vmor vm6, vm0;
	v46 =	vcvt.s32.f32 v45;
	[tilespmem:$0x960] =	vst v2  }
0xac: {  	v3 =	vmul.f32 $1.000000000e+03, v42;
	v47 =	vsel vm0, $0x1, v0;
	v2 =	vld.idx.msk [tilespmem:v4+s4+$0x0], $0xffff  }
0xad: {  	v48 =	vld [tilespmem:$0x1B0];
	v1 =	vsub.f32 v5, v46;
	v4 =	vadd.s32 v39, v47  }
0xae: {  	v50 =	vtrunc.f32 v3;
	v49 =	vand.u32 $0x1, v45  }
0xaf: {  	vm8 =	veq.s32 v49, $0x1;
	vm7 =	veq.f32 v1, $5.000000000e-01;
	v51 =	vcvt.f32.s32 v50  }
0xb0: {  	vm9 =	vgt.f32 v1, $5.000000000e-01;
	vm0 =	vmand vm7, vm8  }
0xb1: {  	vm0 =	vmor vm9, vm0;
	v52 =	vcvt.s32.f32 v51;
	[tilespmem:$0x970] =	vst v2  }
0xb2: {  	v5 =	vmul.f32 $1.000000000e+03, v48;
	v53 =	vsel vm0, $0x1, v0;
	v2 =	vld.idx.msk [tilespmem:v4+s4+$0x0], $0xffff  }
0xb3: {  	v54 =	vld [tilespmem:$0x1C0];
	v1 =	vsub.f32 v3, v52;
	v4 =	vadd.s32 v45, v53  }
0xb4: {  	v56 =	vtrunc.f32 v5;
	v55 =	vand.u32 $0x1, v51  }
0xb5: {  	vm11 =	veq.s32 v55, $0x1;
	vm10 =	veq.f32 v1, $5.000000000e-01;
	v57 =	vcvt.f32.s32 v56  }
0xb6: {  	vm12 =	vgt.f32 v1, $5.000000000e-01;
	vm0 =	vmand vm10, vm11  }
0xb7: {  	vm0 =	vmor vm12, vm0;
	v58 =	vcvt.s32.f32 v57;
	[tilespmem:$0x980] =	vst v2  }
0xb8: {  	v3 =	vmul.f32 $1.000000000e+03, v54;
	v59 =	vsel vm0, $0x1, v0;
	v2 =	vld.idx.msk [tilespmem:v4+s4+$0x0], $0xffff  }
0xb9: {  	v60 =	vld [tilespmem:$0x1D0];
	v1 =	vsub.f32 v5, v58;
	v4 =	vadd.s32 v51, v59  }
0xba: {  	v62 =	vtrunc.f32 v3;
	v61 =	vand.u32 $0x1, v57  }
0xbb: {  	vm14 =	veq.s32 v61, $0x1;
	vm13 =	veq.f32 v1, $5.000000000e-01;
	v63 =	vcvt.f32.s32 v62  }
0xbc: {  	vm15 =	vgt.f32 v1, $5.000000000e-01;
	vm0 =	vmand vm13, vm14  }
0xbd: {  	vm0 =	vmor vm15, vm0;
	v10 =	vcvt.s32.f32 v63;
	[tilespmem:$0x990] =	vst v2  }
0xbe: {  	v5 =	vmul.f32 $1.000000000e+03, v60;
	v11 =	vsel vm0, $0x1, v0;
	v2 =	vld.idx.msk [tilespmem:v4+s4+$0x0], $0xffff  }
0xbf: {  	v12 =	vld [tilespmem:$0x1E0];
	v1 =	vsub.f32 v3, v10;
	v4 =	vadd.s32 v57, v11  }
0xc0: {  	v14 =	vtrunc.f32 v5;
	v13 =	vand.u32 $0x1, v63  }
0xc1: {  	vm5 =	veq.s32 v13, $0x1;
	vm4 =	veq.f32 v1, $5.000000000e-01;
	v15 =	vcvt.f32.s32 v14  }
0xc2: {  	vm6 =	vgt.f32 v1, $5.000000000e-01;
	vm0 =	vmand vm4, vm5  }
0xc3: {  	vm0 =	vmor vm6, vm0;
	v16 =	vcvt.s32.f32 v15;
	[tilespmem:$0x9A0] =	vst v2  }
0xc4: {  	v3 =	vmul.f32 $1.000000000e+03, v12;
	v17 =	vsel vm0, $0x1, v0;
	v2 =	vld.idx.msk [tilespmem:v4+s4+$0x0], $0xffff  }
0xc5: {  	v18 =	vld [tilespmem:$0x1F0];
	v1 =	vsub.f32 v5, v16;
	v4 =	vadd.s32 v63, v17  }
0xc6: {  	v20 =	vtrunc.f32 v3;
	v19 =	vand.u32 $0x1, v15  }
0xc7: {  	vm8 =	veq.s32 v19, $0x1;
	vm7 =	veq.f32 v1, $5.000000000e-01;
	v21 =	vcvt.f32.s32 v20  }
0xc8: {  	vm9 =	vgt.f32 v1, $5.000000000e-01;
	vm0 =	vmand vm7, vm8  }
0xc9: {  	vm0 =	vmor vm9, vm0;
	v22 =	vcvt.s32.f32 v21;
	[tilespmem:$0x9B0] =	vst v2  }
0xca: {  	v5 =	vmul.f32 $1.000000000e+03, v18;
	v23 =	vsel vm0, $0x1, v0;
	v2 =	vld.idx.msk [tilespmem:v4+s4+$0x0], $0xffff  }
0xcb: {  	v24 =	vld [tilespmem:$0x200];
	v1 =	vsub.f32 v3, v22;
	v4 =	vadd.s32 v15, v23  }
0xcc: {  	v26 =	vtrunc.f32 v5;
	v25 =	vand.u32 $0x1, v21  }
0xcd: {  	vm11 =	veq.s32 v25, $0x1;
	vm10 =	veq.f32 v1, $5.000000000e-01;
	v27 =	vcvt.f32.s32 v26  }
0xce: {  	vm12 =	vgt.f32 v1, $5.000000000e-01;
	vm0 =	vmand vm10, vm11  }
0xcf: {  	vm0 =	vmor vm12, vm0;
	v28 =	vcvt.s32.f32 v27;
	[tilespmem:$0x9C0] =	vst v2  }
0xd0: {  	v3 =	vmul.f32 $1.000000000e+03, v24;
	v29 =	vsel vm0, $0x1, v0;
	v2 =	vld.idx.msk [tilespmem:v4+s4+$0x0], $0xffff  }
0xd1: {  	v30 =	vld [tilespmem:$0x210];
	v1 =	vsub.f32 v5, v28;
	v4 =	vadd.s32 v21, v29  }
0xd2: {  	v32 =	vtrunc.f32 v3;
	v31 =	vand.u32 $0x1, v27  }
0xd3: {  	vm14 =	veq.s32 v31, $0x1;
	vm13 =	veq.f32 v1, $5.000000000e-01;
	v33 =	vcvt.f32.s32 v32  }
0xd4: {  	vm15 =	vgt.f32 v1, $5.000000000e-01;
	vm0 =	vmand vm13, vm14  }
0xd5: {  	vm0 =	vmor vm15, vm0;
	v34 =	vcvt.s32.f32 v33;
	[tilespmem:$0x9D0] =	vst v2  }
0xd6: {  	v5 =	vmul.f32 $1.000000000e+03, v30;
	v35 =	vsel vm0, $0x1, v0;
	v2 =	vld.idx.msk [tilespmem:v4+s4+$0x0], $0xffff  }
0xd7: {  	v36 =	vld [tilespmem:$0x220];
	v1 =	vsub.f32 v3, v34;
	v4 =	vadd.s32 v27, v35  }
0xd8: {  	v38 =	vtrunc.f32 v5;
	v37 =	vand.u32 $0x1, v33  }
0xd9: {  	vm5 =	veq.s32 v37, $0x1;
	vm4 =	veq.f32 v1, $5.000000000e-01;
	v39 =	vcvt.f32.s32 v38  }
0xda: {  	vm6 =	vgt.f32 v1, $5.000000000e-01;
	vm0 =	vmand vm4, vm5  }
0xdb: {  	vm0 =	vmor vm6, vm0;
	v40 =	vcvt.s32.f32 v39;
	[tilespmem:$0x9E0] =	vst v2  }
0xdc: {  	v3 =	vmul.f32 $1.000000000e+03, v36;
	v41 =	vsel vm0, $0x1, v0;
	v2 =	vld.idx.msk [tilespmem:v4+s4+$0x0], $0xffff  }
0xdd: {  	v42 =	vld [tilespmem:$0x230];
	v1 =	vsub.f32 v5, v40;
	v4 =	vadd.s32 v33, v41  }
0xde: {  	v44 =	vtrunc.f32 v3;
	v43 =	vand.u32 $0x1, v39  }
0xdf: {  	vm8 =	veq.s32 v43, $0x1;
	vm7 =	veq.f32 v1, $5.000000000e-01;
	v45 =	vcvt.f32.s32 v44  }
0xe0: {  	vm9 =	vgt.f32 v1, $5.000000000e-01;
	vm0 =	vmand vm7, vm8  }
0xe1: {  	vm0 =	vmor vm9, vm0;
	v46 =	vcvt.s32.f32 v45;
	[tilespmem:$0x9F0] =	vst v2  }
0xe2: {  	v5 =	vmul.f32 $1.000000000e+03, v42;
	v47 =	vsel vm0, $0x1, v0;
	v2 =	vld.idx.msk [tilespmem:v4+s4+$0x0], $0xffff  }
0xe3: {  	v48 =	vld [tilespmem:$0x240];
	v1 =	vsub.f32 v3, v46;
	v4 =	vadd.s32 v39, v47  }
0xe4: {  	v50 =	vtrunc.f32 v5;
	v49 =	vand.u32 $0x1, v45  }
0xe5: {  	vm11 =	veq.s32 v49, $0x1;
	vm10 =	veq.f32 v1, $5.000000000e-01;
	v51 =	vcvt.f32.s32 v50  }
0xe6: {  	vm12 =	vgt.f32 v1, $5.000000000e-01;
	vm0 =	vmand vm10, vm11  }
0xe7: {  	vm0 =	vmor vm12, vm0;
	v52 =	vcvt.s32.f32 v51;
	[tilespmem:$0xA00] =	vst v2  }
0xe8: {  	v3 =	vmul.f32 $1.000000000e+03, v48;
	v53 =	vsel vm0, $0x1, v0;
	v2 =	vld.idx.msk [tilespmem:v4+s4+$0x0], $0xffff  }
0xe9: {  	v54 =	vld [tilespmem:$0x250];
	v1 =	vsub.f32 v5, v52;
	v4 =	vadd.s32 v45, v53  }
0xea: {  	v56 =	vtrunc.f32 v3;
	v55 =	vand.u32 $0x1, v51  }
0xeb: {  	vm14 =	veq.s32 v55, $0x1;
	vm13 =	veq.f32 v1, $5.000000000e-01;
	v57 =	vcvt.f32.s32 v56  }
0xec: {  	vm15 =	vgt.f32 v1, $5.000000000e-01;
	vm0 =	vmand vm13, vm14  }
0xed: {  	vm0 =	vmor vm15, vm0;
	v58 =	vcvt.s32.f32 v57;
	[tilespmem:$0xA10] =	vst v2  }
0xee: {  	v5 =	vmul.f32 $1.000000000e+03, v54;
	v59 =	vsel vm0, $0x1, v0;
	v2 =	vld.idx.msk [tilespmem:v4+s4+$0x0], $0xffff  }
0xef: {  	v60 =	vld [tilespmem:$0x260];
	v1 =	vsub.f32 v3, v58;
	v4 =	vadd.s32 v51, v59  }
0xf0: {  	v62 =	vtrunc.f32 v5;
	v61 =	vand.u32 $0x1, v57  }
0xf1: {  	vm5 =	veq.s32 v61, $0x1;
	vm4 =	veq.f32 v1, $5.000000000e-01;
	v63 =	vcvt.f32.s32 v62  }
0xf2: {  	vm6 =	vgt.f32 v1, $5.000000000e-01;
	vm0 =	vmand vm4, vm5  }
0xf3: {  	vm0 =	vmor vm6, vm0;
	v10 =	vcvt.s32.f32 v63;
	[tilespmem:$0xA20] =	vst v2  }
0xf4: {  	v3 =	vmul.f32 $1.000000000e+03, v60;
	v11 =	vsel vm0, $0x1, v0;
	v2 =	vld.idx.msk [tilespmem:v4+s4+$0x0], $0xffff  }
0xf5: {  	v12 =	vld [tilespmem:$0x270];
	v1 =	vsub.f32 v5, v10;
	v4 =	vadd.s32 v57, v11  }
0xf6: {  	v14 =	vtrunc.f32 v3;
	v13 =	vand.u32 $0x1, v63  }
0xf7: {  	vm8 =	veq.s32 v13, $0x1;
	vm7 =	veq.f32 v1, $5.000000000e-01;
	v15 =	vcvt.f32.s32 v14  }
0xf8: {  	vm9 =	vgt.f32 v1, $5.000000000e-01;
	vm0 =	vmand vm7, vm8  }
0xf9: {  	vm0 =	vmor vm9, vm0;
	v16 =	vcvt.s32.f32 v15;
	[tilespmem:$0xA30] =	vst v2  }
0xfa: {  	v5 =	vmul.f32 $1.000000000e+03, v12;
	v17 =	vsel vm0, $0x1, v0;
	v2 =	vld.idx.msk [tilespmem:v4+s4+$0x0], $0xffff  }
0xfb: {  	v18 =	vld [tilespmem:$0x280];
	v1 =	vsub.f32 v3, v16;
	v4 =	vadd.s32 v63, v17  }
0xfc: {  	v20 =	vtrunc.f32 v5;
	v19 =	vand.u32 $0x1, v15  }
0xfd: {  	vm11 =	veq.s32 v19, $0x1;
	vm10 =	veq.f32 v1, $5.000000000e-01;
	v21 =	vcvt.f32.s32 v20  }
0xfe: {  	vm12 =	vgt.f32 v1, $5.000000000e-01;
	vm0 =	vmand vm10, vm11  }
0xff: {  	vm0 =	vmor vm12, vm0;
	v22 =	vcvt.s32.f32 v21;
	[tilespmem:$0xA40] =	vst v2  }
0x100: {  	v3 =	vmul.f32 $1.000000000e+03, v18;
	v23 =	vsel vm0, $0x1, v0;
	v2 =	vld.idx.msk [tilespmem:v4+s4+$0x0], $0xffff  }
0x101: {  	v24 =	vld [tilespmem:$0x290];
	v1 =	vsub.f32 v5, v22;
	v4 =	vadd.s32 v15, v23  }
0x102: {  	v26 =	vtrunc.f32 v3;
	v25 =	vand.u32 $0x1, v21  }
0x103: {  	vm14 =	veq.s32 v25, $0x1;
	vm13 =	veq.f32 v1, $5.000000000e-01;
	v27 =	vcvt.f32.s32 v26  }
0x104: {  	vm15 =	vgt.f32 v1, $5.000000000e-01;
	vm0 =	vmand vm13, vm14  }
0x105: {  	vm0 =	vmor vm15, vm0;
	v28 =	vcvt.s32.f32 v27;
	[tilespmem:$0xA50] =	vst v2  }
0x106: {  	v5 =	vmul.f32 $1.000000000e+03, v24;
	v29 =	vsel vm0, $0x1, v0;
	v2 =	vld.idx.msk [tilespmem:v4+s4+$0x0], $0xffff  }
0x107: {  	v30 =	vld [tilespmem:$0x2A0];
	v1 =	vsub.f32 v3, v28;
	v4 =	vadd.s32 v21, v29  }
0x108: {  	v32 =	vtrunc.f32 v5;
	v31 =	vand.u32 $0x1, v27  }
0x109: {  	vm5 =	veq.s32 v31, $0x1;
	vm4 =	veq.f32 v1, $5.000000000e-01;
	v33 =	vcvt.f32.s32 v32  }
0x10a: {  	vm6 =	vgt.f32 v1, $5.000000000e-01;
	vm0 =	vmand vm4, vm5  }
0x10b: {  	vm0 =	vmor vm6, vm0;
	v34 =	vcvt.s32.f32 v33;
	[tilespmem:$0xA60] =	vst v2  }
0x10c: {  	v3 =	vmul.f32 $1.000000000e+03, v30;
	v35 =	vsel vm0, $0x1, v0;
	v2 =	vld.idx.msk [tilespmem:v4+s4+$0x0], $0xffff  }
0x10d: {  	v36 =	vld [tilespmem:$0x2B0];
	v1 =	vsub.f32 v5, v34;
	v4 =	vadd.s32 v27, v35  }
0x10e: {  	v38 =	vtrunc.f32 v3;
	v37 =	vand.u32 $0x1, v33  }
0x10f: {  	vm8 =	veq.s32 v37, $0x1;
	vm7 =	veq.f32 v1, $5.000000000e-01;
	v39 =	vcvt.f32.s32 v38  }
0x110: {  	vm9 =	vgt.f32 v1, $5.000000000e-01;
	vm0 =	vmand vm7, vm8  }
0x111: {  	vm0 =	vmor vm9, vm0;
	v40 =	vcvt.s32.f32 v39;
	[tilespmem:$0xA70] =	vst v2  }
0x112: {  	v5 =	vmul.f32 $1.000000000e+03, v36;
	v41 =	vsel vm0, $0x1, v0;
	v2 =	vld.idx.msk [tilespmem:v4+s4+$0x0], $0xffff  }
0x113: {  	v42 =	vld [tilespmem:$0x2C0];
	v1 =	vsub.f32 v3, v40;
	v4 =	vadd.s32 v33, v41  }
0x114: {  	v44 =	vtrunc.f32 v5;
	v43 =	vand.u32 $0x1, v39  }
0x115: {  	vm11 =	veq.s32 v43, $0x1;
	vm10 =	veq.f32 v1, $5.000000000e-01;
	v45 =	vcvt.f32.s32 v44  }
0x116: {  	vm12 =	vgt.f32 v1, $5.000000000e-01;
	vm0 =	vmand vm10, vm11  }
0x117: {  	vm0 =	vmor vm12, vm0;
	v46 =	vcvt.s32.f32 v45;
	[tilespmem:$0xA80] =	vst v2  }
0x118: {  	v3 =	vmul.f32 $1.000000000e+03, v42;
	v47 =	vsel vm0, $0x1, v0;
	v2 =	vld.idx.msk [tilespmem:v4+s4+$0x0], $0xffff  }
0x119: {  	v48 =	vld [tilespmem:$0x2D0];
	v1 =	vsub.f32 v5, v46;
	v4 =	vadd.s32 v39, v47  }
0x11a: {  	v50 =	vtrunc.f32 v3;
	v49 =	vand.u32 $0x1, v45  }
0x11b: {  	vm14 =	veq.s32 v49, $0x1;
	vm13 =	veq.f32 v1, $5.000000000e-01;
	v51 =	vcvt.f32.s32 v50  }
0x11c: {  	vm15 =	vgt.f32 v1, $5.000000000e-01;
	vm0 =	vmand vm13, vm14  }
0x11d: {  	vm0 =	vmor vm15, vm0;
	v52 =	vcvt.s32.f32 v51;
	[tilespmem:$0xA90] =	vst v2  }
0x11e: {  	v5 =	vmul.f32 $1.000000000e+03, v48;
	v53 =	vsel vm0, $0x1, v0;
	v2 =	vld.idx.msk [tilespmem:v4+s4+$0x0], $0xffff  }
0x11f: {  	v54 =	vld [tilespmem:$0x2E0];
	v1 =	vsub.f32 v3, v52;
	v4 =	vadd.s32 v45, v53  }
0x120: {  	v56 =	vtrunc.f32 v5;
	v55 =	vand.u32 $0x1, v51  }
0x121: {  	vm5 =	veq.s32 v55, $0x1;
	vm4 =	veq.f32 v1, $5.000000000e-01;
	v57 =	vcvt.f32.s32 v56  }
0x122: {  	vm6 =	vgt.f32 v1, $5.000000000e-01;
	vm0 =	vmand vm4, vm5  }
0x123: {  	vm0 =	vmor vm6, vm0;
	v58 =	vcvt.s32.f32 v57;
	[tilespmem:$0xAA0] =	vst v2  }
0x124: {  	v3 =	vmul.f32 $1.000000000e+03, v54;
	v59 =	vsel vm0, $0x1, v0;
	v2 =	vld.idx.msk [tilespmem:v4+s4+$0x0], $0xffff  }
0x125: {  	v60 =	vld [tilespmem:$0x2F0];
	v1 =	vsub.f32 v5, v58;
	v4 =	vadd.s32 v51, v59  }
0x126: {  	v62 =	vtrunc.f32 v3;
	v61 =	vand.u32 $0x1, v57  }
0x127: {  	vm8 =	veq.s32 v61, $0x1;
	vm7 =	veq.f32 v1, $5.000000000e-01;
	v63 =	vcvt.f32.s32 v62  }
0x128: {  	vm9 =	vgt.f32 v1, $5.000000000e-01;
	vm0 =	vmand vm7, vm8  }
0x129: {  	vm0 =	vmor vm9, vm0;
	v11 =	vcvt.s32.f32 v63;
	[tilespmem:$0xAB0] =	vst v2  }
0x12a: {  	v5 =	vmul.f32 $1.000000000e+03, v60;
	v12 =	vsel vm0, $0x1, v0;
	v2 =	vld.idx.msk [tilespmem:v4+s4+$0x0], $0xffff  }
0x12b: {  	v13 =	vld [tilespmem:$0x300];
	v1 =	vsub.f32 v3, v11;
	v4 =	vadd.s32 v57, v12  }
0x12c: {  	v14 =	vand.u32 $0x1, v63;
	v15 =	vtrunc.f32 v5  }
0x12d: {  	vm11 =	veq.s32 v14, $0x1;
	vm10 =	veq.f32 v1, $5.000000000e-01;
	v16 =	vcvt.f32.s32 v15  }
0x12e: {  	vm12 =	vgt.f32 v1, $5.000000000e-01;
	vm0 =	vmand vm10, vm11  }
0x12f: {  	vm0 =	vmor vm12, vm0;
	v17 =	vcvt.s32.f32 v16;
	[tilespmem:$0xAC0] =	vst v2  }
0x130: {  	v3 =	vmul.f32 $1.000000000e+03, v13;
	v18 =	vsel vm0, $0x1, v0;
	v2 =	vld.idx.msk [tilespmem:v4+s4+$0x0], $0xffff  }
0x131: {  	v19 =	vld [tilespmem:$0x310];
	v1 =	vsub.f32 v5, v17;
	v4 =	vadd.s32 v63, v18  }
0x132: {  	v20 =	vand.u32 $0x1, v16;
	v21 =	vtrunc.f32 v3  }
0x133: {  	vm14 =	veq.s32 v20, $0x1;
	vm13 =	veq.f32 v1, $5.000000000e-01;
	v22 =	vcvt.f32.s32 v21  }
0x134: {  	vm15 =	vgt.f32 v1, $5.000000000e-01;
	vm0 =	vmand vm13, vm14  }
0x135: {  	vm0 =	vmor vm15, vm0;
	v23 =	vcvt.s32.f32 v22;
	[tilespmem:$0xAD0] =	vst v2  }
0x136: {  	v5 =	vmul.f32 $1.000000000e+03, v19;
	v24 =	vsel vm0, $0x1, v0;
	v2 =	vld.idx.msk [tilespmem:v4+s4+$0x0], $0xffff  }
0x137: {  	v25 =	vld [tilespmem:$0x320];
	v1 =	vsub.f32 v3, v23;
	v4 =	vadd.s32 v16, v24  }
0x138: {  	v26 =	vand.u32 $0x1, v22;
	v27 =	vtrunc.f32 v5  }
0x139: {  	vm5 =	veq.s32 v26, $0x1;
	vm4 =	veq.f32 v1, $5.000000000e-01;
	v28 =	vcvt.f32.s32 v27  }
0x13a: {  	vm6 =	vgt.f32 v1, $5.000000000e-01;
	vm0 =	vmand vm4, vm5  }
0x13b: {  	vm0 =	vmor vm6, vm0;
	v29 =	vcvt.s32.f32 v28;
	[tilespmem:$0xAE0] =	vst v2  }
0x13c: {  	v3 =	vmul.f32 $1.000000000e+03, v25;
	v30 =	vsel vm0, $0x1, v0;
	v2 =	vld.idx.msk [tilespmem:v4+s4+$0x0], $0xffff  }
0x13d: {  	v31 =	vld [tilespmem:$0x330];
	v1 =	vsub.f32 v5, v29;
	v4 =	vadd.s32 v22, v30  }
0x13e: {  	v32 =	vand.u32 $0x1, v28;
	v33 =	vtrunc.f32 v3  }
0x13f: {  	vm8 =	veq.s32 v32, $0x1;
	vm7 =	veq.f32 v1, $5.000000000e-01;
	v34 =	vcvt.f32.s32 v33  }
0x140: {  	vm9 =	vgt.f32 v1, $5.000000000e-01;
	vm0 =	vmand vm7, vm8  }
0x141: {  	vm0 =	vmor vm9, vm0;
	v35 =	vcvt.s32.f32 v34;
	[tilespmem:$0xAF0] =	vst v2  }
0x142: {  	v5 =	vmul.f32 $1.000000000e+03, v31;
	v36 =	vsel vm0, $0x1, v0;
	v2 =	vld.idx.msk [tilespmem:v4+s4+$0x0], $0xffff  }
0x143: {  	v37 =	vld [tilespmem:$0x340];
	v1 =	vsub.f32 v3, v35;
	v4 =	vadd.s32 v28, v36  }
0x144: {  	v38 =	vand.u32 $0x1, v34;
	v39 =	vtrunc.f32 v5  }
0x145: {  	vm11 =	veq.s32 v38, $0x1;
	vm10 =	veq.f32 v1, $5.000000000e-01;
	v40 =	vcvt.f32.s32 v39  }
0x146: {  	vm12 =	vgt.f32 v1, $5.000000000e-01;
	vm0 =	vmand vm10, vm11  }
0x147: {  	vm0 =	vmor vm12, vm0;
	v41 =	vcvt.s32.f32 v40;
	[tilespmem:$0xB00] =	vst v2  }
0x148: {  	v3 =	vmul.f32 $1.000000000e+03, v37;
	v42 =	vsel vm0, $0x1, v0;
	v2 =	vld.idx.msk [tilespmem:v4+s4+$0x0], $0xffff  }
0x149: {  	v43 =	vld [tilespmem:$0x350];
	v1 =	vsub.f32 v5, v41;
	v4 =	vadd.s32 v34, v42  }
0x14a: {  	v44 =	vand.u32 $0x1, v40;
	v45 =	vtrunc.f32 v3  }
0x14b: {  	vm14 =	veq.s32 v44, $0x1;
	vm13 =	veq.f32 v1, $5.000000000e-01;
	v46 =	vcvt.f32.s32 v45  }
0x14c: {  	vm15 =	vgt.f32 v1, $5.000000000e-01;
	vm0 =	vmand vm13, vm14  }
0x14d: {  	vm0 =	vmor vm15, vm0;
	v47 =	vcvt.s32.f32 v46;
	[tilespmem:$0xB10] =	vst v2  }
0x14e: {  	v5 =	vmul.f32 $1.000000000e+03, v43;
	v48 =	vsel vm0, $0x1, v0;
	v2 =	vld.idx.msk [tilespmem:v4+s4+$0x0], $0xffff  }
0x14f: {  	v49 =	vld [tilespmem:$0x360];
	v1 =	vsub.f32 v3, v47;
	v4 =	vadd.s32 v40, v48  }
0x150: {  	v50 =	vand.u32 $0x1, v46;
	v51 =	vtrunc.f32 v5  }
0x151: {  	vm5 =	veq.s32 v50, $0x1;
	vm4 =	veq.f32 v1, $5.000000000e-01;
	v52 =	vcvt.f32.s32 v51  }
0x152: {  	vm6 =	vgt.f32 v1, $5.000000000e-01;
	vm0 =	vmand vm4, vm5  }
0x153: {  	vm0 =	vmor vm6, vm0;
	v53 =	vcvt.s32.f32 v52;
	[tilespmem:$0xB20] =	vst v2  }
0x154: {  	v3 =	vmul.f32 $1.000000000e+03, v49;
	v54 =	vsel vm0, $0x1, v0;
	v2 =	vld.idx.msk [tilespmem:v4+s4+$0x0], $0xffff  }
0x155: {  	v55 =	vld [tilespmem:$0x370];
	v1 =	vsub.f32 v5, v53;
	v4 =	vadd.s32 v46, v54  }
0x156: {  	v56 =	vand.u32 $0x1, v52;
	v57 =	vtrunc.f32 v3  }
0x157: {  	vm8 =	veq.s32 v56, $0x1;
	vm7 =	veq.f32 v1, $5.000000000e-01;
	v58 =	vcvt.f32.s32 v57  }
0x158: {  	vm9 =	vgt.f32 v1, $5.000000000e-01;
	vm0 =	vmand vm7, vm8  }
0x159: {  	vm0 =	vmor vm9, vm0;
	v59 =	vcvt.s32.f32 v58;
	[tilespmem:$0xB30] =	vst v2  }
0x15a: {  	v5 =	vmul.f32 $1.000000000e+03, v55;
	v60 =	vsel vm0, $0x1, v0;
	v2 =	vld.idx.msk [tilespmem:v4+s4+$0x0], $0xffff  }
0x15b: {  	v61 =	vld [tilespmem:$0x380];
	v1 =	vsub.f32 v3, v59;
	v4 =	vadd.s32 v52, v60  }
0x15c: {  	v62 =	vand.u32 $0x1, v58;
	v63 =	vtrunc.f32 v5  }
0x15d: {  	vm11 =	veq.s32 v62, $0x1;
	vm10 =	veq.f32 v1, $5.000000000e-01;
	v12 =	vcvt.f32.s32 v63  }
0x15e: {  	vm12 =	vgt.f32 v1, $5.000000000e-01;
	vm0 =	vmand vm10, vm11  }
0x15f: {  	vm0 =	vmor vm12, vm0;
	v13 =	vcvt.s32.f32 v12;
	[tilespmem:$0xB40] =	vst v2  }
0x160: {  	v3 =	vmul.f32 $1.000000000e+03, v61;
	v14 =	vsel vm0, $0x1, v0;
	v2 =	vld.idx.msk [tilespmem:v4+s4+$0x0], $0xffff  }
0x161: {  	v15 =	vld [tilespmem:$0x390];
	v1 =	vsub.f32 v5, v13;
	v4 =	vadd.s32 v58, v14  }
0x162: {  	v17 =	vtrunc.f32 v3;
	v16 =	vand.u32 $0x1, v12  }
0x163: {  	v18 =	vcvt.f32.s32 v17;
	vm13 =	veq.f32 v1, $5.000000000e-01;
	vm14 =	veq.s32 v16, $0x1  }
0x164: {  	vm15 =	vgt.f32 v1, $5.000000000e-01;
	vm0 =	vmand vm13, vm14  }
0x165: {  	v19 =	vcvt.s32.f32 v18;
	vm0 =	vmor vm15, vm0;
	[tilespmem:$0xB50] =	vst v2  }
0x166: {  	v5 =	vmul.f32 $1.000000000e+03, v15;
	v20 =	vsel vm0, $0x1, v0;
	v2 =	vld.idx.msk [tilespmem:v4+s4+$0x0], $0xffff  }
0x167: {  	v21 =	vld [tilespmem:$0x3A0];
	v1 =	vsub.f32 v3, v19;
	v4 =	vadd.s32 v12, v20  }
0x168: {  	v23 =	vtrunc.f32 v5;
	v22 =	vand.u32 $0x1, v18  }
0x169: {  	v24 =	vcvt.f32.s32 v23;
	vm4 =	veq.f32 v1, $5.000000000e-01;
	vm5 =	veq.s32 v22, $0x1  }
0x16a: {  	vm6 =	vgt.f32 v1, $5.000000000e-01;
	vm0 =	vmand vm4, vm5  }
0x16b: {  	v25 =	vcvt.s32.f32 v24;
	vm0 =	vmor vm6, vm0;
	[tilespmem:$0xB60] =	vst v2  }
0x16c: {  	v3 =	vmul.f32 $1.000000000e+03, v21;
	v26 =	vsel vm0, $0x1, v0;
	v2 =	vld.idx.msk [tilespmem:v4+s4+$0x0], $0xffff  }
0x16d: {  	v27 =	vld [tilespmem:$0x3B0];
	v1 =	vsub.f32 v5, v25;
	v4 =	vadd.s32 v18, v26  }
0x16e: {  	v29 =	vtrunc.f32 v3;
	v28 =	vand.u32 $0x1, v24  }
0x16f: {  	v30 =	vcvt.f32.s32 v29;
	vm7 =	veq.f32 v1, $5.000000000e-01;
	vm8 =	veq.s32 v28, $0x1  }
0x170: {  	vm9 =	vgt.f32 v1, $5.000000000e-01;
	vm0 =	vmand vm7, vm8  }
0x171: {  	v31 =	vcvt.s32.f32 v30;
	vm0 =	vmor vm9, vm0;
	[tilespmem:$0xB70] =	vst v2  }
0x172: {  	v5 =	vmul.f32 $1.000000000e+03, v27;
	v32 =	vsel vm0, $0x1, v0;
	v2 =	vld.idx.msk [tilespmem:v4+s4+$0x0], $0xffff  }
0x173: {  	v33 =	vld [tilespmem:$0x3C0];
	v1 =	vsub.f32 v3, v31;
	v4 =	vadd.s32 v24, v32  }
0x174: {  	v35 =	vtrunc.f32 v5;
	v34 =	vand.u32 $0x1, v30  }
0x175: {  	vm10 =	veq.f32 v1, $5.000000000e-01;
	v36 =	vcvt.f32.s32 v35;
	vm11 =	veq.s32 v34, $0x1  }
0x176: {  	vm12 =	vgt.f32 v1, $5.000000000e-01;
	vm0 =	vmand vm10, vm11  }
0x177: {  	v37 =	vcvt.s32.f32 v36;
	vm0 =	vmor vm12, vm0;
	[tilespmem:$0xB80] =	vst v2  }
0x178: {  	v3 =	vmul.f32 $1.000000000e+03, v33;
	v38 =	vsel vm0, $0x1, v0;
	v2 =	vld.idx.msk [tilespmem:v4+s4+$0x0], $0xffff  }
0x179: {  	v39 =	vld [tilespmem:$0x3D0];
	v1 =	vsub.f32 v5, v37;
	v4 =	vadd.s32 v30, v38  }
0x17a: {  	v41 =	vtrunc.f32 v3;
	v40 =	vand.u32 $0x1, v36  }
0x17b: {  	vm13 =	veq.f32 v1, $5.000000000e-01;
	v42 =	vcvt.f32.s32 v41;
	vm14 =	veq.s32 v40, $0x1  }
0x17c: {  	vm15 =	vgt.f32 v1, $5.000000000e-01;
	vm0 =	vmand vm13, vm14  }
0x17d: {  	v43 =	vcvt.s32.f32 v42;
	vm0 =	vmor vm15, vm0;
	[tilespmem:$0xB90] =	vst v2  }
0x17e: {  	v5 =	vmul.f32 $1.000000000e+03, v39;
	v44 =	vsel vm0, $0x1, v0;
	v2 =	vld.idx.msk [tilespmem:v4+s4+$0x0], $0xffff  }
0x17f: {  	v45 =	vld [tilespmem:$0x3E0];
	v1 =	vsub.f32 v3, v43;
	v4 =	vadd.s32 v36, v44  }
0x180: {  	v47 =	vtrunc.f32 v5;
	v46 =	vand.u32 $0x1, v42  }
0x181: {  	vm4 =	veq.f32 v1, $5.000000000e-01;
	v48 =	vcvt.f32.s32 v47;
	vm5 =	veq.s32 v46, $0x1  }
0x182: {  	vm6 =	vgt.f32 v1, $5.000000000e-01;
	vm0 =	vmand vm4, vm5  }
0x183: {  	v49 =	vcvt.s32.f32 v48;
	vm0 =	vmor vm6, vm0;
	[tilespmem:$0xBA0] =	vst v2  }
0x184: {  	v3 =	vmul.f32 $1.000000000e+03, v45;
	v50 =	vsel vm0, $0x1, v0;
	v2 =	vld.idx.msk [tilespmem:v4+s4+$0x0], $0xffff  }
0x185: {  	v51 =	vld [tilespmem:$0x3F0];
	v1 =	vsub.f32 v5, v49;
	v4 =	vadd.s32 v42, v50  }
0x186: {  	v53 =	vtrunc.f32 v3;
	v52 =	vand.u32 $0x1, v48  }
0x187: {  	vm8 =	veq.f32 v1, $5.000000000e-01;
	v54 =	vcvt.f32.s32 v53;
	vm7 =	veq.s32 v52, $0x1  }
0x188: {  	vm9 =	vgt.f32 v1, $5.000000000e-01;
	vm0 =	vmand vm8, vm7  }
0x189: {  	v55 =	vcvt.s32.f32 v54;
	vm0 =	vmor vm9, vm0;
	[tilespmem:$0xBB0] =	vst v2  }
0x18a: {  	v5 =	vmul.f32 $1.000000000e+03, v51;
	v56 =	vsel vm0, $0x1, v0;
	v2 =	vld.idx.msk [tilespmem:v4+s4+$0x0], $0xffff  }
0x18b: {  	v1 =	vsub.f32 v3, v55;
	v4 =	vadd.s32 v48, v56  }
0x18c: {  	v57 =	vand.u32 $0x1, v54;
	v58 =	vtrunc.f32 v5  }
0x18d: {  	vm10 =	veq.s32 v57, $0x1;
	vm11 =	veq.f32 v1, $5.000000000e-01;
	v59 =	vcvt.f32.s32 v58  }
0x18e: {  	vm12 =	vgt.f32 v1, $5.000000000e-01;
	vm0 =	vmand vm11, vm10  }
0x18f: {  	vm0 =	vmor vm12, vm0;
	v60 =	vcvt.s32.f32 v59;
	[tilespmem:$0xBC0] =	vst v2  }
0x190: {  	v61 =	vsel vm0, $0x1, v0;
	v2 =	vld.idx.msk [tilespmem:v4+s4+$0x0], $0xffff  }
0x191: {  	v1 =	vsub.f32 v5, v60;
	v4 =	vadd.s32 v54, v61  }
0x192: {  	v62 =	vand.u32 $0x1, v59  }
0x193: {  	vm13 =	veq.s32 v62, $0x1;
	vm14 =	veq.f32 v1, $5.000000000e-01  }
0x194: {  	vm15 =	vgt.f32 v1, $5.000000000e-01;
	vm0 =	vmand vm14, vm13  }
0x195: {  	vm0 =	vmor vm15, vm0;
	[tilespmem:$0xBD0] =	vst v2  }
0x196: {  	v0 =	vsel vm0, $0x1, v0;
	v63 =	vld.idx.msk [tilespmem:v4+s4+$0x0], $0xffff  }
0x197: {  	v0 =	vadd.s32 v59, v0;
	_ =	sdelay $0x3  }
0x198: {  	[tilespmem:$0xBE0] =	vst v63  }
0x199: {  	v0 =	vld.idx.msk [tilespmem:v0+s4+$0x0], $0xffff;
	_ =	sdelay $0x4  }
0x19a: {  	s30 =	simm.s32 $0x800;
	s31 =	simm.s32 $0x3;
	s3 =	sadd.s32 s3, s26;
	[tilespmem:$0xBF0] =	vst v0  }
0x19b: {  	[hbm4b:s3+s2] =	stream.linear.scatter [tilespmem:s30], [sflag:$0x3], $0x400, $0x38;
	[tilespmem:$0xC00] =	vst v63  }
0x19c: {  	_ =	swait.ge [sflag:s31], $0x400  }
0x19d: {  	[sflag:s31] =	ssyncset.done $0x0  }
0x19e: {  	[sflag:s31] =	ssyncadd.s32 $0xFFFFFC00  }
0x19f: {  	_ =	sfence.sel $0x180000  }
0x1a0: {  	[bflag:$0x0] =	sbarrier.arrive $0xFFFF  }
0x1a1: {  	p0 =	sne.s32 s1, $0x0;
	_ =	strace $0x90000047  }
0x1a2: {  	s0 =	sadd.s32 @!p0 $0x100000, s0;
	[bflag:$0x2] =	sbarrier.arrive $0xFFFF  }
0x1a3: {  	[sflag:s0] =	ssyncadd.tile.s32 @!p0 $0x1;
	_ =	shalt  }
.Lfunc_end2:
_tile_overlayer_lowered:
.L_overlay_start_2:
0x1a4: {  	(tag) =	ssettag $0x2  }
0x1a5: {  	s0 =	rddreg [dreg:$0x0];
	s2 =	stileid.u32  }
0x1a6: {  	s1 =	rddreg [dreg:$0x1];
	p0 =	sne.s32 s2, $0x0  }
0x1a7: {  	s3 =	rddreg [dreg:$0x2];
	[bflag:$0x3] =	sbarrier.arrive $0xFFFF;
	s2 =	simm.s32 @!p0 $0x1C03  }
0x1a8: {  	[timem:s3], [sflag:s2] =	dma.local @!p0 [hbm:s0], s1  }
0x1a9: {  	s0 =	simm.s32 @!p0 $0x3  }
0x1aa: {  	_ =	swait.ge @!p0 [sflag:s0], s1  }
0x1ab: {  	s1 =	ssub.s32 @!p0 $0x0, s1;
	[sflag:s0] =	ssyncset.done @!p0 $0x0  }
0x1ac: {  	[sflag:s0] =	ssyncadd.s32 @!p0 s1  }
0x1ad: {  	[bflag:$0x3] =	sbarrier.arrive $0xFFFF  }
0x1ae: {  	_ =	shalt  }

</sc_bundles>
